<compile_context>
chip_gen: v7x
topology: tpu7x:2x2x1
jax: 0.10.2.dev20260603
libtpu: 0.0.44.dev20260713+nightly
codegen_flags: <defaults>
</compile_context>

<pallas_src>
import functools

import jax
import jax.numpy as jnp
from jax import lax
from jax.experimental import pallas as pl
from jax.experimental.pallas import tpu as pltpu
from jax.experimental.pallas import tpu_sc as plsc

INP = 2048
HID = 32768
TOPK = 32

BH = 2048
NB = HID // BH

NC = 2
NS = 16
L = 16
NW = NC * NS
ROWC = 256
NCH = INP // ROWC


def _enc_body(emb_ref, w_ref, b_ref, enc_ref, idx_ref, val_ref, a_sc):
    i = pl.program_id(0)
    r = lax.dot_general(
        emb_ref[...], w_ref[...],
        (((1,), (1,)), ((), ())),
        preferred_element_type=jnp.float32,
        precision=lax.Precision.DEFAULT,
    )
    r3 = r.reshape(1, 1, BH) + b_ref[...]
    enc_ref[pl.ds(i, 1), :, :] = r3
    a_sc[pl.ds(i, 1), :] = jnp.abs(r3).reshape(1, BH)

    @pl.when(i == NB - 1)
    def _():
        rows_i = lax.broadcasted_iota(jnp.int32, (NB, 1), 0)
        lanes_i = lax.broadcasted_iota(jnp.int32, (1, BH), 1)
        lane32 = lax.broadcasted_iota(jnp.int32, (TOPK,), 0)
        rowmax0 = jnp.max(a_sc[...], axis=1, keepdims=True)

        def step(t, carry):
            rowmax, idxs, vals = carry
            m = jnp.max(rowmax)
            row = jnp.min(jnp.where(rowmax == m, rows_i, NB))
            arow = a_sc[pl.ds(row, 1), :]
            erow = enc_ref[pl.ds(row, 1), :, :].reshape(1, BH)
            lane = jnp.min(jnp.where(arow == m, lanes_i, BH))
            flat = row * BH + lane
            v = jnp.sum(jnp.where(lanes_i == lane, erow, 0.0))
            arow2 = jnp.where(lanes_i == lane, -1.0, arow)
            a_sc[pl.ds(row, 1), :] = arow2
            rowmax = jnp.where(rows_i == row, jnp.max(arow2), rowmax)
            idxs = jnp.where(lane32 == t, flat, idxs)
            vals = jnp.where(lane32 == t, v, vals)
            return rowmax, idxs, vals

        _, idxs, vals = lax.fori_loop(
            0, TOPK, step,
            (rowmax0, jnp.zeros((TOPK,), jnp.int32),
             jnp.zeros((TOPK,), jnp.float32)))
        idx_ref[...] = idxs
        val_ref[...] = vals


def _dec_body(wd, idx_hbm, val_hbm, out_hbm,
              rows_a, rows_b, col_v, idx_v, val_v, sem_a, sem_b):
    wid = lax.axis_index("s") * NC + lax.axis_index("c")
    pltpu.sync_copy(idx_hbm, idx_v)
    pltpu.sync_copy(val_hbm, val_v)

    lanes = lax.broadcasted_iota(jnp.int32, (L,), 0)
    zero = lanes * 0
    i0 = idx_v[pl.ds(0, L)]
    i1 = idx_v[pl.ds(L, L)]
    j = jnp.max(jnp.maximum(jnp.where(lanes == wid, i0, -1),
                            jnp.where(lanes + L == wid, i1, -1)))
    v0 = val_v[pl.ds(0, L)]
    v1 = val_v[pl.ds(L, L)]
    v = jnp.sum(jnp.where(lanes == wid, v0, 0.0)
                + jnp.where(lanes + L == wid, v1, 0.0))

    c128 = j // 128
    jlane = zero + j % 128

    rows = (rows_a, rows_b)
    sems = (sem_a, sem_b)

    def fetch(t, buf):
        return pltpu.make_async_copy(
            wd.at[pl.ds(t * ROWC, ROWC), pl.ds(c128 * 128, 128)],
            rows[buf],
            sems[buf])

    cp = fetch(0, 0)
    cp.start()
    for t in range(NCH):
        nxt = None
        if t + 1 < NCH:
            nxt = fetch(t + 1, (t + 1) % 2)
            nxt.start()
        cp.wait()
        buf = rows[t % 2]
        for s in range(ROWC // L):
            p0 = t * ROWC + s * L
            picked = plsc.load_gather(buf, [lanes + s * L, jlane])
            col_v[p0 // 128, pl.ds(p0 % 128, L)] = picked * v
        cp = nxt

    pltpu.sync_copy(col_v, out_hbm.at[wid])


@functools.cache
def _dec_gather():
    return pl.kernel(
        _dec_body,
        out_type=jax.ShapeDtypeStruct((NW, INP // 128, 128), jnp.float32),
        mesh=plsc.VectorSubcoreMesh(
            core_axis_name="c", subcore_axis_name="s",
            num_cores=NC, num_subcores=NS),
        compiler_params=pltpu.CompilerParams(
            needs_layout_passes=False, use_tc_tiling_on_sc=True),
        scratch_types=[
            pltpu.VMEM((ROWC, 128), jnp.float32),
            pltpu.VMEM((ROWC, 128), jnp.float32),
            pltpu.VMEM((INP // 128, 128), jnp.float32),
            pltpu.VMEM((TOPK,), jnp.int32),
            pltpu.VMEM((TOPK,), jnp.float32),
            pltpu.SemaphoreType.DMA,
            pltpu.SemaphoreType.DMA,
        ],
    )


def _fin_body(cols_ref, b_ref, out_ref):
    out_ref[...] = jnp.sum(cols_ref[...], axis=0) + b_ref[...]


def kernel(emb, W_enc, b_enc, W_dec, b_dec):
    emb2 = emb.reshape(1, INP)
    benc2 = b_enc.reshape(NB, 1, BH)

    enc2, idx, val = pl.pallas_call(
        _enc_body,
        grid=(NB,),
        in_specs=[
            pl.BlockSpec((1, INP), lambda i: (0, 0)),
            pl.BlockSpec((BH, INP), lambda i: (i, 0)),
            pl.BlockSpec((1, 1, BH), lambda i: (i, 0, 0)),
        ],
        out_specs=[
            pl.BlockSpec((NB, 1, BH), lambda i: (0, 0, 0)),
            pl.BlockSpec((TOPK,), lambda i: (0,)),
            pl.BlockSpec((TOPK,), lambda i: (0,)),
        ],
        out_shape=[
            jax.ShapeDtypeStruct((NB, 1, BH), jnp.float32),
            jax.ShapeDtypeStruct((TOPK,), jnp.int32),
            jax.ShapeDtypeStruct((TOPK,), jnp.float32),
        ],
        scratch_shapes=[pltpu.VMEM((NB, BH), jnp.float32)],
        compiler_params=pltpu.CompilerParams(vmem_limit_bytes=100 * 2**20),
    )(emb2, W_enc, benc2)

    cols = _dec_gather()(W_dec, idx, val)

    recon2 = pl.pallas_call(
        _fin_body,
        out_shape=jax.ShapeDtypeStruct((INP // 128, 128), jnp.float32),
    )(cols, b_dec.reshape(INP // 128, 128))

    return enc2.reshape(HID), recon2.reshape(INP)

# --- scband reference (transcript-rebuilt; emitter-appended) ---
"""Pipeline reference for scband-top-ksae-52055003628278 (READ-ONLY COPY).

The authoritative reference and input builder live on the scoring server;
editing this copy changes nothing except your own understanding.
"""

import jax, jax.numpy as jnp
import numpy as np

INP_DIM = 2048
HIDDEN_DIM = 32768
K = 32

def setup_inputs(seed: int = 0) -> dict:
    key = jax.random.key(seed)
    k1, k2, k3 = jax.random.split(key, 3)
    emb = jax.random.normal(k1, (INP_DIM,), dtype=jnp.float32)
    # nn.Linear(inp_dim, hidden_dim): weight [hidden, inp], bias [hidden]
    W_enc = jax.random.normal(k2, (HIDDEN_DIM, INP_DIM), dtype=jnp.float32) * (1.0 / np.sqrt(INP_DIM))
    b_enc = jnp.zeros((HIDDEN_DIM,), dtype=jnp.float32)
    # nn.Linear(hidden_dim, inp_dim): weight [inp, hidden], bias [inp]
    W_dec = jax.random.normal(k3, (INP_DIM, HIDDEN_DIM), dtype=jnp.float32) * (1.0 / np.sqrt(HIDDEN_DIM))
    b_dec = jnp.zeros((INP_DIM,), dtype=jnp.float32)
    return {"emb": emb, "W_enc": W_enc, "b_enc": b_enc, "W_dec": W_dec, "b_dec": b_dec}

def reference(emb, W_enc, b_enc, W_dec, b_dec):
    # enc = self.enc(emb)
    enc = emb @ W_enc.T + b_enc
    # topk_indices = torch.topk(enc.abs(), k).indices  (over last/only dim)
    _, topk_indices = jax.lax.top_k(jnp.abs(enc), K)
    # h = zeros_like(enc); h[idx] = h[idx] + enc[idx]
    h = jnp.zeros_like(enc)
    h = h.at[topk_indices].set(h[topk_indices] + enc[topk_indices])
    # recon = self.dec(h)
    recon = h @ W_dec.T + b_dec
    return (enc, recon)

if __name__ == "__main__":
    import jax
    _d = setup_inputs()
    print(jax.jit(kernel)(*tuple(_d.values())))

</pallas_src>

<mosaic_0001>
#map = affine_map<(d0, d1) -> (0, 0)>
#map1 = affine_map<(d0, d1) -> (0)>
#map2 = affine_map<(d0, d1) -> (0, 0, 0)>
module attributes {stable_mosaic.version = 14 : i64} {
  func.func @_dec_body(%arg0: i32, %arg1: i32, %arg2: memref<2048x32768xf32, #tpu.memory_space<hbm>>, %arg3: memref<32xi32, #tpu.memory_space<hbm>>, %arg4: memref<32xf32, #tpu.memory_space<hbm>>, %arg5: memref<32x16x128xf32, #tpu.memory_space<hbm>>, %arg6: memref<256x128xf32, #tpu.memory_space<vmem>>, %arg7: memref<256x128xf32, #tpu.memory_space<vmem>>, %arg8: memref<16x128xf32, #tpu.memory_space<vmem>>, %arg9: memref<32xi32, #tpu.memory_space<vmem>>, %arg10: memref<32xf32, #tpu.memory_space<vmem>>, %arg11: memref<!tpu.dma_semaphore, #tpu.memory_space<semaphore_mem>>, %arg12: memref<!tpu.dma_semaphore, #tpu.memory_space<semaphore_mem>>) attributes {dimension_semantics = [#tpu.dimension_semantics<core_parallel>, #tpu.dimension_semantics<subcore_parallel>], iteration_bounds = array<i64: 2, 16>, scalar_prefetch = 0 : i64, scratch_operands = 7 : i64, tpu.core_type = #tpu.core_type<sc_vector_subcore>, window_params = [{transform_indices = #map}, {transform_indices = #map1}, {transform_indices = #map1}, {transform_indices = #map2}]} {
    %mul3A = arith.constant 2 : i32
    %mul3A_0 = arith.muli %arg1, %mul3A : i32
    %add3A = arith.addi %mul3A_0, %arg0 : i32
    "tpu.region"() ({
      %run_scoped3A = tpu.sem_alloc : memref<!tpu.dma_semaphore, #tpu.memory_space<semaphore_mem>>
      tpu.enqueue_dma source(%arg3 : memref<32xi32, #tpu.memory_space<hbm>>) target(%arg9 : memref<32xi32, #tpu.memory_space<vmem>>) target_semaphore(%run_scoped3A : memref<!tpu.dma_semaphore, #tpu.memory_space<semaphore_mem>>)
      tpu.wait_dma2 semaphore(%run_scoped3A : memref<!tpu.dma_semaphore, #tpu.memory_space<semaphore_mem>>) src(%arg3 : memref<32xi32, #tpu.memory_space<hbm>>) dst(%arg9 : memref<32xi32, #tpu.memory_space<vmem>>)
      tpu.yield
    }) : () -> ()
    "tpu.region"() ({
      %run_scoped3A = tpu.sem_alloc : memref<!tpu.dma_semaphore, #tpu.memory_space<semaphore_mem>>
      tpu.enqueue_dma source(%arg4 : memref<32xf32, #tpu.memory_space<hbm>>) target(%arg10 : memref<32xf32, #tpu.memory_space<vmem>>) target_semaphore(%run_scoped3A : memref<!tpu.dma_semaphore, #tpu.memory_space<semaphore_mem>>)
      tpu.wait_dma2 semaphore(%run_scoped3A : memref<!tpu.dma_semaphore, #tpu.memory_space<semaphore_mem>>) src(%arg4 : memref<32xf32, #tpu.memory_space<hbm>>) dst(%arg10 : memref<32xf32, #tpu.memory_space<vmem>>)
      tpu.yield
    }) : () -> ()
    %iota3A = tpu.iota {dimensions = array<i32: 0>} : vector<16xi32>
    %mul3A_1 = arith.constant 0 : i32
    %mul3A_2 = vector.broadcast %mul3A_1 : i32 to vector<16xi32>
    %mul3A_3 = arith.muli %iota3A, %mul3A_2 : vector<16xi32>
    %get3A = arith.constant 0 : index
    %get3A_4 = tpu.vector_load %arg9[%get3A] {strides = array<i32>} : memref<32xi32, #tpu.memory_space<vmem>>, vector<16xi32>,
    %get3A_5 = arith.constant 16 : index
    %get3A_6 = tpu.vector_load %arg9[%get3A_5] {strides = array<i32>} : memref<32xi32, #tpu.memory_space<vmem>>, vector<16xi32>,
    %eq3A = vector.broadcast %add3A : i32 to vector<16xi32>
    %eq3A_7 = arith.cmpi eq, %iota3A, %eq3A : vector<16xi32>
    %jit3A = arith.constant -1 : i32
    %broadcast_in_dim3A = vector.broadcast %jit3A : i32 to vector<16xi32>
    %select_n3A = arith.select %eq3A_7, %get3A_4, %broadcast_in_dim3A : vector<16xi1>, vector<16xi32>
    %add3A_8 = arith.constant 16 : i32
    %add3A_9 = vector.broadcast %add3A_8 : i32 to vector<16xi32>
    %add3A_10 = arith.addi %iota3A, %add3A_9 : vector<16xi32>
    %eq3A_11 = vector.broadcast %add3A : i32 to vector<16xi32>
    %eq3A_12 = arith.cmpi eq, %add3A_10, %eq3A_11 : vector<16xi32>
    %jit3A_13 = arith.constant -1 : i32
    %broadcast_in_dim3A_14 = vector.broadcast %jit3A_13 : i32 to vector<16xi32>
    %select_n3A_15 = arith.select %eq3A_12, %get3A_6, %broadcast_in_dim3A_14 : vector<16xi1>, vector<16xi32>
    %max3A = arith.maxsi %select_n3A, %select_n3A_15 : vector<16xi32>
    %reduce_max3A = arith.constant true
    %reduce_max3A_16 = vector.broadcast %reduce_max3A : i1 to vector<16xi1>
    %reduce_max3A_17 = arith.constant -2147483648 : i32
    %reduce_max3A_18 = vector.broadcast %reduce_max3A_17 : i32 to vector<16xi32>
    %reduce_max3A_19 = arith.xori %max3A, %reduce_max3A_18 : vector<16xi32>
    %reduce_max3A_20 = tpu.scan <max>, %reduce_max3A_19 masked %reduce_max3A_16 : vector<16xi32>, vector<16xi1> -> vector<16xi32>
    %reduce_max3A_21 = arith.xori %reduce_max3A_20, %reduce_max3A_18 : vector<16xi32>
    %reduce_max3A_22 = vector.extract %reduce_max3A_21[15] : i32 from vector<16xi32>
    %get3A_23 = arith.constant 0 : index
    %get3A_24 = tpu.vector_load %arg10[%get3A_23] {strides = array<i32>} : memref<32xf32, #tpu.memory_space<vmem>>, vector<16xf32>,
    %get3A_25 = arith.constant 16 : index
    %get3A_26 = tpu.vector_load %arg10[%get3A_25] {strides = array<i32>} : memref<32xf32, #tpu.memory_space<vmem>>, vector<16xf32>,
    %eq3A_27 = vector.broadcast %add3A : i32 to vector<16xi32>
    %eq3A_28 = arith.cmpi eq, %iota3A, %eq3A_27 : vector<16xi32>
    %jit3A_29 = arith.constant 0.000000e+00 : f32
    %broadcast_in_dim3A_30 = vector.broadcast %jit3A_29 : f32 to vector<16xf32>
    %select_n3A_31 = arith.select %eq3A_28, %get3A_24, %broadcast_in_dim3A_30 : vector<16xi1>, vector<16xf32>
    %add3A_32 = arith.constant 16 : i32
    %add3A_33 = vector.broadcast %add3A_32 : i32 to vector<16xi32>
    %add3A_34 = arith.addi %iota3A, %add3A_33 : vector<16xi32>
    %eq3A_35 = vector.broadcast %add3A : i32 to vector<16xi32>
    %eq3A_36 = arith.cmpi eq, %add3A_34, %eq3A_35 : vector<16xi32>
    %jit3A_37 = arith.constant 0.000000e+00 : f32
    %broadcast_in_dim3A_38 = vector.broadcast %jit3A_37 : f32 to vector<16xf32>
    %select_n3A_39 = arith.select %eq3A_36, %get3A_26, %broadcast_in_dim3A_38 : vector<16xi1>, vector<16xf32>
    %add3A_40 = arith.addf %select_n3A_31, %select_n3A_39 : vector<16xf32>
    %reduce_sum3A = arith.constant true
    %reduce_sum3A_41 = vector.broadcast %reduce_sum3A : i1 to vector<16xi1>
    %reduce_sum3A_42 = tpu.scan <sum>, %add3A_40 masked %reduce_sum3A_41 : vector<16xf32>, vector<16xi1> -> vector<16xf32>
    %reduce_sum3A_43 = vector.extract %reduce_sum3A_42[15] : f32 from vector<16xf32>
    %jit3A_44 = arith.constant 128 : i32
    %div3A = arith.divsi %reduce_max3A_22, %jit3A_44 : i32
    %sign3A = arith.constant 0 : i32
    %sign3A_45 = arith.cmpi sgt, %reduce_max3A_22, %sign3A : i32
    %sign3A_46 = arith.extui %sign3A_45 : i1 to i32
    %sign3A_47 = arith.constant 0 : i32
    %sign3A_48 = arith.cmpi slt, %reduce_max3A_22, %sign3A_47 : i32
    %sign3A_49 = arith.extui %sign3A_48 : i1 to i32
    %sign3A_50 = arith.subi %sign3A_46, %sign3A_49 : i32
    %sign3A_51 = arith.constant 0 : i32
    %sign3A_52 = arith.cmpi sgt, %jit3A_44, %sign3A_51 : i32
    %sign3A_53 = arith.extui %sign3A_52 : i1 to i32
    %sign3A_54 = arith.constant 0 : i32
    %sign3A_55 = arith.cmpi slt, %jit3A_44, %sign3A_54 : i32
    %sign3A_56 = arith.extui %sign3A_55 : i1 to i32
    %sign3A_57 = arith.subi %sign3A_53, %sign3A_56 : i32
    %ne3A = arith.cmpi ne, %sign3A_50, %sign3A_57 : i32
    %rem3A = arith.remsi %reduce_max3A_22, %jit3A_44 : i32
    %ne3A_58 = arith.constant 0 : i32
    %ne3A_59 = arith.cmpi ne, %rem3A, %ne3A_58 : i32
    %and3A = arith.andi %ne3A, %ne3A_59 : i1
    %sub3A = arith.constant 1 : i32
    %sub3A_60 = arith.subi %div3A, %sub3A : i32
    %select_n3A_61 = arith.select %and3A, %sub3A_60, %div3A : i32
    %jit3A_62 = arith.constant 128 : i32
    %eq3A_63 = arith.constant 0 : i32
    %eq3A_64 = arith.cmpi eq, %jit3A_62, %eq3A_63 : i32
    %jit3A_65 = arith.constant 1 : i32
    %select_n3A_66 = arith.select %eq3A_64, %jit3A_65, %jit3A_62 : i32
    %rem3A_67 = arith.remsi %reduce_max3A_22, %select_n3A_66 : i32
    %ne3A_68 = arith.constant 0 : i32
    %ne3A_69 = arith.cmpi ne, %rem3A_67, %ne3A_68 : i32
    %lt3A = arith.constant 0 : i32
    %lt3A_70 = arith.cmpi slt, %rem3A_67, %lt3A : i32
    %lt3A_71 = arith.constant 0 : i32
    %lt3A_72 = arith.cmpi slt, %select_n3A_66, %lt3A_71 : i32
    %ne3A_73 = arith.xori %lt3A_70, %lt3A_72 : i1
    %and3A_74 = arith.andi %ne3A_73, %ne3A_69 : i1
    %add3A_75 = arith.addi %rem3A_67, %select_n3A_66 : i32
    %select_n3A_76 = arith.select %and3A_74, %add3A_75, %rem3A_67 : i32
    %add3A_77 = vector.broadcast %select_n3A_76 : i32 to vector<16xi32>
    %add3A_78 = arith.addi %mul3A_3, %add3A_77 : vector<16xi32>
    %mul3A_79 = arith.constant 128 : i32
    %mul3A_80 = arith.muli %select_n3A_61, %mul3A_79 : i32
    %dma_start3A = arith.constant 0 : i32
    %dma_start3A_81 = tpu.memref_slice %arg2[%dma_start3A, %mul3A_80] : memref<2048x32768xf32, #tpu.memory_space<hbm>> -> memref<256x128xf32, #tpu.memory_space<hbm>>
    %dma_start3A_82 = arith.constant 0 : i32
    %dma_start3A_83 = tpu.memref_slice %arg2[%dma_start3A_82, %mul3A_80] : memref<2048x32768xf32, #tpu.memory_space<hbm>> -> memref<256x128xf32, #tpu.memory_space<hbm>>
    tpu.enqueue_dma source(%dma_start3A_83 : memref<256x128xf32, #tpu.memory_space<hbm>>) target(%arg6 : memref<256x128xf32, #tpu.memory_space<vmem>>) target_semaphore(%arg11 : memref<!tpu.dma_semaphore, #tpu.memory_space<semaphore_mem>>)
    %mul3A_84 = arith.constant 128 : i32
    %mul3A_85 = arith.muli %select_n3A_61, %mul3A_84 : i32
    %dma_start3A_86 = arith.constant 256 : i32
    %dma_start3A_87 = tpu.memref_slice %arg2[%dma_start3A_86, %mul3A_85] : memref<2048x32768xf32, #tpu.memory_space<hbm>> -> memref<256x128xf32, #tpu.memory_space<hbm>>
    %dma_start3A_88 = arith.constant 256 : i32
    %dma_start3A_89 = tpu.memref_slice %arg2[%dma_start3A_88, %mul3A_85] : memref<2048x32768xf32, #tpu.memory_space<hbm>> -> memref<256x128xf32, #tpu.memory_space<hbm>>
    tpu.enqueue_dma source(%dma_start3A_89 : memref<256x128xf32, #tpu.memory_space<hbm>>) target(%arg7 : memref<256x128xf32, #tpu.memory_space<vmem>>) target_semaphore(%arg12 : memref<!tpu.dma_semaphore, #tpu.memory_space<semaphore_mem>>)
    %dma_wait3A = arith.constant 0 : i32
    %dma_wait3A_90 = tpu.memref_slice %arg2[%dma_wait3A, %mul3A_80] : memref<2048x32768xf32, #tpu.memory_space<hbm>> -> memref<256x128xf32, #tpu.memory_space<hbm>>
    %dma_wait3A_91 = arith.constant 0 : i32
    %dma_wait3A_92 = tpu.memref_slice %arg2[%dma_wait3A_91, %mul3A_80] : memref<2048x32768xf32, #tpu.memory_space<hbm>> -> memref<256x128xf32, #tpu.memory_space<hbm>>
    tpu.wait_dma2 semaphore(%arg11 : memref<!tpu.dma_semaphore, #tpu.memory_space<semaphore_mem>>) src(%dma_wait3A_92 : memref<256x128xf32, #tpu.memory_space<hbm>>) dst(%arg6 : memref<256x128xf32, #tpu.memory_space<vmem>>)
    %add3A_93 = arith.constant 0 : i32
    %add3A_94 = vector.broadcast %add3A_93 : i32 to vector<16xi32>
    %add3A_95 = arith.addi %iota3A, %add3A_94 : vector<16xi32>
    %gather3A = tpu.vector_load_idx %arg6[%add3A_95, %add3A_78] : memref<256x128xf32, #tpu.memory_space<vmem>>[vector<16xi32>, vector<16xi32>], vector<16xf32>,
    %mul3A_96 = vector.broadcast %reduce_sum3A_43 : f32 to vector<16xf32>
    %mul3A_97 = arith.mulf %gather3A, %mul3A_96 : vector<16xf32>
    %swap3A = arith.constant 0 : i32
    %swap3A_98 = arith.index_cast %swap3A : i32 to index
    %swap3A_99 = arith.constant 0 : index
    %swap3A_100 = tpu.vector_load %arg8[%swap3A_98, %swap3A_99] {strides = array<i32>} : memref<16x128xf32, #tpu.memory_space<vmem>>, vector<16xf32>,
    tpu.vector_store %arg8[%swap3A_98, %swap3A_99], %mul3A_97 {strides = array<i32>} : memref<16x128xf32, #tpu.memory_space<vmem>>, vector<16xf32>,
    %add3A_101 = arith.constant 16 : i32
    %add3A_102 = vector.broadcast %add3A_101 : i32 to vector<16xi32>
    %add3A_103 = arith.addi %iota3A, %add3A_102 : vector<16xi32>
    %gather3A_104 = tpu.vector_load_idx %arg6[%add3A_103, %add3A_78] : memref<256x128xf32, #tpu.memory_space<vmem>>[vector<16xi32>, vector<16xi32>], vector<16xf32>,
    %mul3A_105 = vector.broadcast %reduce_sum3A_43 : f32 to vector<16xf32>
    %mul3A_106 = arith.mulf %gather3A_104, %mul3A_105 : vector<16xf32>
    %swap3A_107 = arith.constant 0 : i32
    %swap3A_108 = arith.index_cast %swap3A_107 : i32 to index
    %swap3A_109 = arith.constant 16 : index
    %swap3A_110 = tpu.vector_load %arg8[%swap3A_108, %swap3A_109] {strides = array<i32>} : memref<16x128xf32, #tpu.memory_space<vmem>>, vector<16xf32>,
    tpu.vector_store %arg8[%swap3A_108, %swap3A_109], %mul3A_106 {strides = array<i32>} : memref<16x128xf32, #tpu.memory_space<vmem>>, vector<16xf32>,
    %add3A_111 = arith.constant 32 : i32
    %add3A_112 = vector.broadcast %add3A_111 : i32 to vector<16xi32>
    %add3A_113 = arith.addi %iota3A, %add3A_112 : vector<16xi32>
    %gather3A_114 = tpu.vector_load_idx %arg6[%add3A_113, %add3A_78] : memref<256x128xf32, #tpu.memory_space<vmem>>[vector<16xi32>, vector<16xi32>], vector<16xf32>,
    %mul3A_115 = vector.broadcast %reduce_sum3A_43 : f32 to vector<16xf32>
    %mul3A_116 = arith.mulf %gather3A_114, %mul3A_115 : vector<16xf32>
    %swap3A_117 = arith.constant 0 : i32
    %swap3A_118 = arith.index_cast %swap3A_117 : i32 to index
    %swap3A_119 = arith.constant 32 : index
    %swap3A_120 = tpu.vector_load %arg8[%swap3A_118, %swap3A_119] {strides = array<i32>} : memref<16x128xf32, #tpu.memory_space<vmem>>, vector<16xf32>,
    tpu.vector_store %arg8[%swap3A_118, %swap3A_119], %mul3A_116 {strides = array<i32>} : memref<16x128xf32, #tpu.memory_space<vmem>>, vector<16xf32>,
    %add3A_121 = arith.constant 48 : i32
    %add3A_122 = vector.broadcast %add3A_121 : i32 to vector<16xi32>
    %add3A_123 = arith.addi %iota3A, %add3A_122 : vector<16xi32>
    %gather3A_124 = tpu.vector_load_idx %arg6[%add3A_123, %add3A_78] : memref<256x128xf32, #tpu.memory_space<vmem>>[vector<16xi32>, vector<16xi32>], vector<16xf32>,
    %mul3A_125 = vector.broadcast %reduce_sum3A_43 : f32 to vector<16xf32>
    %mul3A_126 = arith.mulf %gather3A_124, %mul3A_125 : vector<16xf32>
    %swap3A_127 = arith.constant 0 : i32
    %swap3A_128 = arith.index_cast %swap3A_127 : i32 to index
    %swap3A_129 = arith.constant 48 : index
    %swap3A_130 = tpu.vector_load %arg8[%swap3A_128, %swap3A_129] {strides = array<i32>} : memref<16x128xf32, #tpu.memory_space<vmem>>, vector<16xf32>,
    tpu.vector_store %arg8[%swap3A_128, %swap3A_129], %mul3A_126 {strides = array<i32>} : memref<16x128xf32, #tpu.memory_space<vmem>>, vector<16xf32>,
    %add3A_131 = arith.constant 64 : i32
    %add3A_132 = vector.broadcast %add3A_131 : i32 to vector<16xi32>
    %add3A_133 = arith.addi %iota3A, %add3A_132 : vector<16xi32>
    %gather3A_134 = tpu.vector_load_idx %arg6[%add3A_133, %add3A_78] : memref<256x128xf32, #tpu.memory_space<vmem>>[vector<16xi32>, vector<16xi32>], vector<16xf32>,
    %mul3A_135 = vector.broadcast %reduce_sum3A_43 : f32 to vector<16xf32>
    %mul3A_136 = arith.mulf %gather3A_134, %mul3A_135 : vector<16xf32>
    %swap3A_137 = arith.constant 0 : i32
    %swap3A_138 = arith.index_cast %swap3A_137 : i32 to index
    %swap3A_139 = arith.constant 64 : index
    %swap3A_140 = tpu.vector_load %arg8[%swap3A_138, %swap3A_139] {strides = array<i32>} : memref<16x128xf32, #tpu.memory_space<vmem>>, vector<16xf32>,
    tpu.vector_store %arg8[%swap3A_138, %swap3A_139], %mul3A_136 {strides = array<i32>} : memref<16x128xf32, #tpu.memory_space<vmem>>, vector<16xf32>,
    %add3A_141 = arith.constant 80 : i32
    %add3A_142 = vector.broadcast %add3A_141 : i32 to vector<16xi32>
    %add3A_143 = arith.addi %iota3A, %add3A_142 : vector<16xi32>
    %gather3A_144 = tpu.vector_load_idx %arg6[%add3A_143, %add3A_78] : memref<256x128xf32, #tpu.memory_space<vmem>>[vector<16xi32>, vector<16xi32>], vector<16xf32>,
    %mul3A_145 = vector.broadcast %reduce_sum3A_43 : f32 to vector<16xf32>
    %mul3A_146 = arith.mulf %gather3A_144, %mul3A_145 : vector<16xf32>
    %swap3A_147 = arith.constant 0 : i32
    %swap3A_148 = arith.index_cast %swap3A_147 : i32 to index
    %swap3A_149 = arith.constant 80 : index
    %swap3A_150 = tpu.vector_load %arg8[%swap3A_148, %swap3A_149] {strides = array<i32>} : memref<16x128xf32, #tpu.memory_space<vmem>>, vector<16xf32>,
    tpu.vector_store %arg8[%swap3A_148, %swap3A_149], %mul3A_146 {strides = array<i32>} : memref<16x128xf32, #tpu.memory_space<vmem>>, vector<16xf32>,
    %add3A_151 = arith.constant 96 : i32
    %add3A_152 = vector.broadcast %add3A_151 : i32 to vector<16xi32>
    %add3A_153 = arith.addi %iota3A, %add3A_152 : vector<16xi32>
    %gather3A_154 = tpu.vector_load_idx %arg6[%add3A_153, %add3A_78] : memref<256x128xf32, #tpu.memory_space<vmem>>[vector<16xi32>, vector<16xi32>], vector<16xf32>,
    %mul3A_155 = vector.broadcast %reduce_sum3A_43 : f32 to vector<16xf32>
    %mul3A_156 = arith.mulf %gather3A_154, %mul3A_155 : vector<16xf32>
    %swap3A_157 = arith.constant 0 : i32
    %swap3A_158 = arith.index_cast %swap3A_157 : i32 to index
    %swap3A_159 = arith.constant 96 : index
    %swap3A_160 = tpu.vector_load %arg8[%swap3A_158, %swap3A_159] {strides = array<i32>} : memref<16x128xf32, #tpu.memory_space<vmem>>, vector<16xf32>,
    tpu.vector_store %arg8[%swap3A_158, %swap3A_159], %mul3A_156 {strides = array<i32>} : memref<16x128xf32, #tpu.memory_space<vmem>>, vector<16xf32>,
    %add3A_161 = arith.constant 112 : i32
    %add3A_162 = vector.broadcast %add3A_161 : i32 to vector<16xi32>
    %add3A_163 = arith.addi %iota3A, %add3A_162 : vector<16xi32>
    %gather3A_164 = tpu.vector_load_idx %arg6[%add3A_163, %add3A_78] : memref<256x128xf32, #tpu.memory_space<vmem>>[vector<16xi32>, vector<16xi32>], vector<16xf32>,
    %mul3A_165 = vector.broadcast %reduce_sum3A_43 : f32 to vector<16xf32>
    %mul3A_166 = arith.mulf %gather3A_164, %mul3A_165 : vector<16xf32>
    %swap3A_167 = arith.constant 0 : i32
    %swap3A_168 = arith.index_cast %swap3A_167 : i32 to index
    %swap3A_169 = arith.constant 112 : index
    %swap3A_170 = tpu.vector_load %arg8[%swap3A_168, %swap3A_169] {strides = array<i32>} : memref<16x128xf32, #tpu.memory_space<vmem>>, vector<16xf32>,
    tpu.vector_store %arg8[%swap3A_168, %swap3A_169], %mul3A_166 {strides = array<i32>} : memref<16x128xf32, #tpu.memory_space<vmem>>, vector<16xf32>,
    %add3A_171 = arith.constant 128 : i32
    %add3A_172 = vector.broadcast %add3A_171 : i32 to vector<16xi32>
    %add3A_173 = arith.addi %iota3A, %add3A_172 : vector<16xi32>
    %gather3A_174 = tpu.vector_load_idx %arg6[%add3A_173, %add3A_78] : memref<256x128xf32, #tpu.memory_space<vmem>>[vector<16xi32>, vector<16xi32>], vector<16xf32>,
    %mul3A_175 = vector.broadcast %reduce_sum3A_43 : f32 to vector<16xf32>
    %mul3A_176 = arith.mulf %gather3A_174, %mul3A_175 : vector<16xf32>
    %swap3A_177 = arith.constant 1 : i32
    %swap3A_178 = arith.index_cast %swap3A_177 : i32 to index
    %swap3A_179 = arith.constant 0 : index
    %swap3A_180 = tpu.vector_load %arg8[%swap3A_178, %swap3A_179] {strides = array<i32>} : memref<16x128xf32, #tpu.memory_space<vmem>>, vector<16xf32>,
    tpu.vector_store %arg8[%swap3A_178, %swap3A_179], %mul3A_176 {strides = array<i32>} : memref<16x128xf32, #tpu.memory_space<vmem>>, vector<16xf32>,
    %add3A_181 = arith.constant 144 : i32
    %add3A_182 = vector.broadcast %add3A_181 : i32 to vector<16xi32>
    %add3A_183 = arith.addi %iota3A, %add3A_182 : vector<16xi32>
    %gather3A_184 = tpu.vector_load_idx %arg6[%add3A_183, %add3A_78] : memref<256x128xf32, #tpu.memory_space<vmem>>[vector<16xi32>, vector<16xi32>], vector<16xf32>,
    %mul3A_185 = vector.broadcast %reduce_sum3A_43 : f32 to vector<16xf32>
    %mul3A_186 = arith.mulf %gather3A_184, %mul3A_185 : vector<16xf32>
    %swap3A_187 = arith.constant 1 : i32
    %swap3A_188 = arith.index_cast %swap3A_187 : i32 to index
    %swap3A_189 = arith.constant 16 : index
    %swap3A_190 = tpu.vector_load %arg8[%swap3A_188, %swap3A_189] {strides = array<i32>} : memref<16x128xf32, #tpu.memory_space<vmem>>, vector<16xf32>,
    tpu.vector_store %arg8[%swap3A_188, %swap3A_189], %mul3A_186 {strides = array<i32>} : memref<16x128xf32, #tpu.memory_space<vmem>>, vector<16xf32>,
    %add3A_191 = arith.constant 160 : i32
    %add3A_192 = vector.broadcast %add3A_191 : i32 to vector<16xi32>
    %add3A_193 = arith.addi %iota3A, %add3A_192 : vector<16xi32>
    %gather3A_194 = tpu.vector_load_idx %arg6[%add3A_193, %add3A_78] : memref<256x128xf32, #tpu.memory_space<vmem>>[vector<16xi32>, vector<16xi32>], vector<16xf32>,
    %mul3A_195 = vector.broadcast %reduce_sum3A_43 : f32 to vector<16xf32>
    %mul3A_196 = arith.mulf %gather3A_194, %mul3A_195 : vector<16xf32>
    %swap3A_197 = arith.constant 1 : i32
    %swap3A_198 = arith.index_cast %swap3A_197 : i32 to index
    %swap3A_199 = arith.constant 32 : index
    %swap3A_200 = tpu.vector_load %arg8[%swap3A_198, %swap3A_199] {strides = array<i32>} : memref<16x128xf32, #tpu.memory_space<vmem>>, vector<16xf32>,
    tpu.vector_store %arg8[%swap3A_198, %swap3A_199], %mul3A_196 {strides = array<i32>} : memref<16x128xf32, #tpu.memory_space<vmem>>, vector<16xf32>,
    %add3A_201 = arith.constant 176 : i32
    %add3A_202 = vector.broadcast %add3A_201 : i32 to vector<16xi32>
    %add3A_203 = arith.addi %iota3A, %add3A_202 : vector<16xi32>
    %gather3A_204 = tpu.vector_load_idx %arg6[%add3A_203, %add3A_78] : memref<256x128xf32, #tpu.memory_space<vmem>>[vector<16xi32>, vector<16xi32>], vector<16xf32>,
    %mul3A_205 = vector.broadcast %reduce_sum3A_43 : f32 to vector<16xf32>
    %mul3A_206 = arith.mulf %gather3A_204, %mul3A_205 : vector<16xf32>
    %swap3A_207 = arith.constant 1 : i32
    %swap3A_208 = arith.index_cast %swap3A_207 : i32 to index
    %swap3A_209 = arith.constant 48 : index
    %swap3A_210 = tpu.vector_load %arg8[%swap3A_208, %swap3A_209] {strides = array<i32>} : memref<16x128xf32, #tpu.memory_space<vmem>>, vector<16xf32>,
    tpu.vector_store %arg8[%swap3A_208, %swap3A_209], %mul3A_206 {strides = array<i32>} : memref<16x128xf32, #tpu.memory_space<vmem>>, vector<16xf32>,
    %add3A_211 = arith.constant 192 : i32
    %add3A_212 = vector.broadcast %add3A_211 : i32 to vector<16xi32>
    %add3A_213 = arith.addi %iota3A, %add3A_212 : vector<16xi32>
    %gather3A_214 = tpu.vector_load_idx %arg6[%add3A_213, %add3A_78] : memref<256x128xf32, #tpu.memory_space<vmem>>[vector<16xi32>, vector<16xi32>], vector<16xf32>,
    %mul3A_215 = vector.broadcast %reduce_sum3A_43 : f32 to vector<16xf32>
    %mul3A_216 = arith.mulf %gather3A_214, %mul3A_215 : vector<16xf32>
    %swap3A_217 = arith.constant 1 : i32
    %swap3A_218 = arith.index_cast %swap3A_217 : i32 to index
    %swap3A_219 = arith.constant 64 : index
    %swap3A_220 = tpu.vector_load %arg8[%swap3A_218, %swap3A_219] {strides = array<i32>} : memref<16x128xf32, #tpu.memory_space<vmem>>, vector<16xf32>,
    tpu.vector_store %arg8[%swap3A_218, %swap3A_219], %mul3A_216 {strides = array<i32>} : memref<16x128xf32, #tpu.memory_space<vmem>>, vector<16xf32>,
    %add3A_221 = arith.constant 208 : i32
    %add3A_222 = vector.broadcast %add3A_221 : i32 to vector<16xi32>
    %add3A_223 = arith.addi %iota3A, %add3A_222 : vector<16xi32>
    %gather3A_224 = tpu.vector_load_idx %arg6[%add3A_223, %add3A_78] : memref<256x128xf32, #tpu.memory_space<vmem>>[vector<16xi32>, vector<16xi32>], vector<16xf32>,
    %mul3A_225 = vector.broadcast %reduce_sum3A_43 : f32 to vector<16xf32>
    %mul3A_226 = arith.mulf %gather3A_224, %mul3A_225 : vector<16xf32>
    %swap3A_227 = arith.constant 1 : i32
    %swap3A_228 = arith.index_cast %swap3A_227 : i32 to index
    %swap3A_229 = arith.constant 80 : index
    %swap3A_230 = tpu.vector_load %arg8[%swap3A_228, %swap3A_229] {strides = array<i32>} : memref<16x128xf32, #tpu.memory_space<vmem>>, vector<16xf32>,
    tpu.vector_store %arg8[%swap3A_228, %swap3A_229], %mul3A_226 {strides = array<i32>} : memref<16x128xf32, #tpu.memory_space<vmem>>, vector<16xf32>,
    %add3A_231 = arith.constant 224 : i32
    %add3A_232 = vector.broadcast %add3A_231 : i32 to vector<16xi32>
    %add3A_233 = arith.addi %iota3A, %add3A_232 : vector<16xi32>
    %gather3A_234 = tpu.vector_load_idx %arg6[%add3A_233, %add3A_78] : memref<256x128xf32, #tpu.memory_space<vmem>>[vector<16xi32>, vector<16xi32>], vector<16xf32>,
    %mul3A_235 = vector.broadcast %reduce_sum3A_43 : f32 to vector<16xf32>
    %mul3A_236 = arith.mulf %gather3A_234, %mul3A_235 : vector<16xf32>
    %swap3A_237 = arith.constant 1 : i32
    %swap3A_238 = arith.index_cast %swap3A_237 : i32 to index
    %swap3A_239 = arith.constant 96 : index
    %swap3A_240 = tpu.vector_load %arg8[%swap3A_238, %swap3A_239] {strides = array<i32>} : memref<16x128xf32, #tpu.memory_space<vmem>>, vector<16xf32>,
    tpu.vector_store %arg8[%swap3A_238, %swap3A_239], %mul3A_236 {strides = array<i32>} : memref<16x128xf32, #tpu.memory_space<vmem>>, vector<16xf32>,
    %add3A_241 = arith.constant 240 : i32
    %add3A_242 = vector.broadcast %add3A_241 : i32 to vector<16xi32>
    %add3A_243 = arith.addi %iota3A, %add3A_242 : vector<16xi32>
    %gather3A_244 = tpu.vector_load_idx %arg6[%add3A_243, %add3A_78] : memref<256x128xf32, #tpu.memory_space<vmem>>[vector<16xi32>, vector<16xi32>], vector<16xf32>,
    %mul3A_245 = vector.broadcast %reduce_sum3A_43 : f32 to vector<16xf32>
    %mul3A_246 = arith.mulf %gather3A_244, %mul3A_245 : vector<16xf32>
    %swap3A_247 = arith.constant 1 : i32
    %swap3A_248 = arith.index_cast %swap3A_247 : i32 to index
    %swap3A_249 = arith.constant 112 : index
    %swap3A_250 = tpu.vector_load %arg8[%swap3A_248, %swap3A_249] {strides = array<i32>} : memref<16x128xf32, #tpu.memory_space<vmem>>, vector<16xf32>,
    tpu.vector_store %arg8[%swap3A_248, %swap3A_249], %mul3A_246 {strides = array<i32>} : memref<16x128xf32, #tpu.memory_space<vmem>>, vector<16xf32>,
    %mul3A_251 = arith.constant 128 : i32
    %mul3A_252 = arith.muli %select_n3A_61, %mul3A_251 : i32
    %dma_start3A_253 = arith.constant 512 : i32
    %dma_start3A_254 = tpu.memref_slice %arg2[%dma_start3A_253, %mul3A_252] : memref<2048x32768xf32, #tpu.memory_space<hbm>> -> memref<256x128xf32, #tpu.memory_space<hbm>>
    %dma_start3A_255 = arith.constant 512 : i32
    %dma_start3A_256 = tpu.memref_slice %arg2[%dma_start3A_255, %mul3A_252] : memref<2048x32768xf32, #tpu.memory_space<hbm>> -> memref<256x128xf32, #tpu.memory_space<hbm>>
    tpu.enqueue_dma source(%dma_start3A_256 : memref<256x128xf32, #tpu.memory_space<hbm>>) target(%arg6 : memref<256x128xf32, #tpu.memory_space<vmem>>) target_semaphore(%arg11 : memref<!tpu.dma_semaphore, #tpu.memory_space<semaphore_mem>>)
    %dma_wait3A_257 = arith.constant 256 : i32
    %dma_wait3A_258 = tpu.memref_slice %arg2[%dma_wait3A_257, %mul3A_85] : memref<2048x32768xf32, #tpu.memory_space<hbm>> -> memref<256x128xf32, #tpu.memory_space<hbm>>
    %dma_wait3A_259 = arith.constant 256 : i32
    %dma_wait3A_260 = tpu.memref_slice %arg2[%dma_wait3A_259, %mul3A_85] : memref<2048x32768xf32, #tpu.memory_space<hbm>> -> memref<256x128xf32, #tpu.memory_space<hbm>>
    tpu.wait_dma2 semaphore(%arg12 : memref<!tpu.dma_semaphore, #tpu.memory_space<semaphore_mem>>) src(%dma_wait3A_260 : memref<256x128xf32, #tpu.memory_space<hbm>>) dst(%arg7 : memref<256x128xf32, #tpu.memory_space<vmem>>)
    %add3A_261 = arith.constant 0 : i32
    %add3A_262 = vector.broadcast %add3A_261 : i32 to vector<16xi32>
    %add3A_263 = arith.addi %iota3A, %add3A_262 : vector<16xi32>
    %gather3A_264 = tpu.vector_load_idx %arg7[%add3A_263, %add3A_78] : memref<256x128xf32, #tpu.memory_space<vmem>>[vector<16xi32>, vector<16xi32>], vector<16xf32>,
    %mul3A_265 = vector.broadcast %reduce_sum3A_43 : f32 to vector<16xf32>
    %mul3A_266 = arith.mulf %gather3A_264, %mul3A_265 : vector<16xf32>
    %swap3A_267 = arith.constant 2 : i32
    %swap3A_268 = arith.index_cast %swap3A_267 : i32 to index
    %swap3A_269 = arith.constant 0 : index
    %swap3A_270 = tpu.vector_load %arg8[%swap3A_268, %swap3A_269] {strides = array<i32>} : memref<16x128xf32, #tpu.memory_space<vmem>>, vector<16xf32>,
    tpu.vector_store %arg8[%swap3A_268, %swap3A_269], %mul3A_266 {strides = array<i32>} : memref<16x128xf32, #tpu.memory_space<vmem>>, vector<16xf32>,
    %add3A_271 = arith.constant 16 : i32
    %add3A_272 = vector.broadcast %add3A_271 : i32 to vector<16xi32>
    %add3A_273 = arith.addi %iota3A, %add3A_272 : vector<16xi32>
    %gather3A_274 = tpu.vector_load_idx %arg7[%add3A_273, %add3A_78] : memref<256x128xf32, #tpu.memory_space<vmem>>[vector<16xi32>, vector<16xi32>], vector<16xf32>,
    %mul3A_275 = vector.broadcast %reduce_sum3A_43 : f32 to vector<16xf32>
    %mul3A_276 = arith.mulf %gather3A_274, %mul3A_275 : vector<16xf32>
    %swap3A_277 = arith.constant 2 : i32
    %swap3A_278 = arith.index_cast %swap3A_277 : i32 to index
    %swap3A_279 = arith.constant 16 : index
    %swap3A_280 = tpu.vector_load %arg8[%swap3A_278, %swap3A_279] {strides = array<i32>} : memref<16x128xf32, #tpu.memory_space<vmem>>, vector<16xf32>,
    tpu.vector_store %arg8[%swap3A_278, %swap3A_279], %mul3A_276 {strides = array<i32>} : memref<16x128xf32, #tpu.memory_space<vmem>>, vector<16xf32>,
    %add3A_281 = arith.constant 32 : i32
    %add3A_282 = vector.broadcast %add3A_281 : i32 to vector<16xi32>
    %add3A_283 = arith.addi %iota3A, %add3A_282 : vector<16xi32>
    %gather3A_284 = tpu.vector_load_idx %arg7[%add3A_283, %add3A_78] : memref<256x128xf32, #tpu.memory_space<vmem>>[vector<16xi32>, vector<16xi32>], vector<16xf32>,
    %mul3A_285 = vector.broadcast %reduce_sum3A_43 : f32 to vector<16xf32>
    %mul3A_286 = arith.mulf %gather3A_284, %mul3A_285 : vector<16xf32>
    %swap3A_287 = arith.constant 2 : i32
    %swap3A_288 = arith.index_cast %swap3A_287 : i32 to index
    %swap3A_289 = arith.constant 32 : index
    %swap3A_290 = tpu.vector_load %arg8[%swap3A_288, %swap3A_289] {strides = array<i32>} : memref<16x128xf32, #tpu.memory_space<vmem>>, vector<16xf32>,
    tpu.vector_store %arg8[%swap3A_288, %swap3A_289], %mul3A_286 {strides = array<i32>} : memref<16x128xf32, #tpu.memory_space<vmem>>, vector<16xf32>,
    %add3A_291 = arith.constant 48 : i32
    %add3A_292 = vector.broadcast %add3A_291 : i32 to vector<16xi32>
    %add3A_293 = arith.addi %iota3A, %add3A_292 : vector<16xi32>
    %gather3A_294 = tpu.vector_load_idx %arg7[%add3A_293, %add3A_78] : memref<256x128xf32, #tpu.memory_space<vmem>>[vector<16xi32>, vector<16xi32>], vector<16xf32>,
    %mul3A_295 = vector.broadcast %reduce_sum3A_43 : f32 to vector<16xf32>
    %mul3A_296 = arith.mulf %gather3A_294, %mul3A_295 : vector<16xf32>
    %swap3A_297 = arith.constant 2 : i32
    %swap3A_298 = arith.index_cast %swap3A_297 : i32 to index
    %swap3A_299 = arith.constant 48 : index
    %swap3A_300 = tpu.vector_load %arg8[%swap3A_298, %swap3A_299] {strides = array<i32>} : memref<16x128xf32, #tpu.memory_space<vmem>>, vector<16xf32>,
    tpu.vector_store %arg8[%swap3A_298, %swap3A_299], %mul3A_296 {strides = array<i32>} : memref<16x128xf32, #tpu.memory_space<vmem>>, vector<16xf32>,
    %add3A_301 = arith.constant 64 : i32
    %add3A_302 = vector.broadcast %add3A_301 : i32 to vector<16xi32>
    %add3A_303 = arith.addi %iota3A, %add3A_302 : vector<16xi32>
    %gather3A_304 = tpu.vector_load_idx %arg7[%add3A_303, %add3A_78] : memref<256x128xf32, #tpu.memory_space<vmem>>[vector<16xi32>, vector<16xi32>], vector<16xf32>,
    %mul3A_305 = vector.broadcast %reduce_sum3A_43 : f32 to vector<16xf32>
    %mul3A_306 = arith.mulf %gather3A_304, %mul3A_305 : vector<16xf32>
    %swap3A_307 = arith.constant 2 : i32
    %swap3A_308 = arith.index_cast %swap3A_307 : i32 to index
    %swap3A_309 = arith.constant 64 : index
    %swap3A_310 = tpu.vector_load %arg8[%swap3A_308, %swap3A_309] {strides = array<i32>} : memref<16x128xf32, #tpu.memory_space<vmem>>, vector<16xf32>,
    tpu.vector_store %arg8[%swap3A_308, %swap3A_309], %mul3A_306 {strides = array<i32>} : memref<16x128xf32, #tpu.memory_space<vmem>>, vector<16xf32>,
    %add3A_311 = arith.constant 80 : i32
    %add3A_312 = vector.broadcast %add3A_311 : i32 to vector<16xi32>
    %add3A_313 = arith.addi %iota3A, %add3A_312 : vector<16xi32>
    %gather3A_314 = tpu.vector_load_idx %arg7[%add3A_313, %add3A_78] : memref<256x128xf32, #tpu.memory_space<vmem>>[vector<16xi32>, vector<16xi32>], vector<16xf32>,
    %mul3A_315 = vector.broadcast %reduce_sum3A_43 : f32 to vector<16xf32>
    %mul3A_316 = arith.mulf %gather3A_314, %mul3A_315 : vector<16xf32>
    %swap3A_317 = arith.constant 2 : i32
    %swap3A_318 = arith.index_cast %swap3A_317 : i32 to index
    %swap3A_319 = arith.constant 80 : index
    %swap3A_320 = tpu.vector_load %arg8[%swap3A_318, %swap3A_319] {strides = array<i32>} : memref<16x128xf32, #tpu.memory_space<vmem>>, vector<16xf32>,
    tpu.vector_store %arg8[%swap3A_318, %swap3A_319], %mul3A_316 {strides = array<i32>} : memref<16x128xf32, #tpu.memory_space<vmem>>, vector<16xf32>,
    %add3A_321 = arith.constant 96 : i32
    %add3A_322 = vector.broadcast %add3A_321 : i32 to vector<16xi32>
    %add3A_323 = arith.addi %iota3A, %add3A_322 : vector<16xi32>
    %gather3A_324 = tpu.vector_load_idx %arg7[%add3A_323, %add3A_78] : memref<256x128xf32, #tpu.memory_space<vmem>>[vector<16xi32>, vector<16xi32>], vector<16xf32>,
    %mul3A_325 = vector.broadcast %reduce_sum3A_43 : f32 to vector<16xf32>
    %mul3A_326 = arith.mulf %gather3A_324, %mul3A_325 : vector<16xf32>
    %swap3A_327 = arith.constant 2 : i32
    %swap3A_328 = arith.index_cast %swap3A_327 : i32 to index
    %swap3A_329 = arith.constant 96 : index
    %swap3A_330 = tpu.vector_load %arg8[%swap3A_328, %swap3A_329] {strides = array<i32>} : memref<16x128xf32, #tpu.memory_space<vmem>>, vector<16xf32>,
    tpu.vector_store %arg8[%swap3A_328, %swap3A_329], %mul3A_326 {strides = array<i32>} : memref<16x128xf32, #tpu.memory_space<vmem>>, vector<16xf32>,
    %add3A_331 = arith.constant 112 : i32
    %add3A_332 = vector.broadcast %add3A_331 : i32 to vector<16xi32>
    %add3A_333 = arith.addi %iota3A, %add3A_332 : vector<16xi32>
    %gather3A_334 = tpu.vector_load_idx %arg7[%add3A_333, %add3A_78] : memref<256x128xf32, #tpu.memory_space<vmem>>[vector<16xi32>, vector<16xi32>], vector<16xf32>,
    %mul3A_335 = vector.broadcast %reduce_sum3A_43 : f32 to vector<16xf32>
    %mul3A_336 = arith.mulf %gather3A_334, %mul3A_335 : vector<16xf32>
    %swap3A_337 = arith.constant 2 : i32
    %swap3A_338 = arith.index_cast %swap3A_337 : i32 to index
    %swap3A_339 = arith.constant 112 : index
    %swap3A_340 = tpu.vector_load %arg8[%swap3A_338, %swap3A_339] {strides = array<i32>} : memref<16x128xf32, #tpu.memory_space<vmem>>, vector<16xf32>,
    tpu.vector_store %arg8[%swap3A_338, %swap3A_339], %mul3A_336 {strides = array<i32>} : memref<16x128xf32, #tpu.memory_space<vmem>>, vector<16xf32>,
    %add3A_341 = arith.constant 128 : i32
    %add3A_342 = vector.broadcast %add3A_341 : i32 to vector<16xi32>
    %add3A_343 = arith.addi %iota3A, %add3A_342 : vector<16xi32>
    %gather3A_344 = tpu.vector_load_idx %arg7[%add3A_343, %add3A_78] : memref<256x128xf32, #tpu.memory_space<vmem>>[vector<16xi32>, vector<16xi32>], vector<16xf32>,
    %mul3A_345 = vector.broadcast %reduce_sum3A_43 : f32 to vector<16xf32>
    %mul3A_346 = arith.mulf %gather3A_344, %mul3A_345 : vector<16xf32>
    %swap3A_347 = arith.constant 3 : i32
    %swap3A_348 = arith.index_cast %swap3A_347 : i32 to index
    %swap3A_349 = arith.constant 0 : index
    %swap3A_350 = tpu.vector_load %arg8[%swap3A_348, %swap3A_349] {strides = array<i32>} : memref<16x128xf32, #tpu.memory_space<vmem>>, vector<16xf32>,
    tpu.vector_store %arg8[%swap3A_348, %swap3A_349], %mul3A_346 {strides = array<i32>} : memref<16x128xf32, #tpu.memory_space<vmem>>, vector<16xf32>,
    %add3A_351 = arith.constant 144 : i32
    %add3A_352 = vector.broadcast %add3A_351 : i32 to vector<16xi32>
    %add3A_353 = arith.addi %iota3A, %add3A_352 : vector<16xi32>
    %gather3A_354 = tpu.vector_load_idx %arg7[%add3A_353, %add3A_78] : memref<256x128xf32, #tpu.memory_space<vmem>>[vector<16xi32>, vector<16xi32>], vector<16xf32>,
    %mul3A_355 = vector.broadcast %reduce_sum3A_43 : f32 to vector<16xf32>
    %mul3A_356 = arith.mulf %gather3A_354, %mul3A_355 : vector<16xf32>
    %swap3A_357 = arith.constant 3 : i32
    %swap3A_358 = arith.index_cast %swap3A_357 : i32 to index
    %swap3A_359 = arith.constant 16 : index
    %swap3A_360 = tpu.vector_load %arg8[%swap3A_358, %swap3A_359] {strides = array<i32>} : memref<16x128xf32, #tpu.memory_space<vmem>>, vector<16xf32>,
    tpu.vector_store %arg8[%swap3A_358, %swap3A_359], %mul3A_356 {strides = array<i32>} : memref<16x128xf32, #tpu.memory_space<vmem>>, vector<16xf32>,
    %add3A_361 = arith.constant 160 : i32
    %add3A_362 = vector.broadcast %add3A_361 : i32 to vector<16xi32>
    %add3A_363 = arith.addi %iota3A, %add3A_362 : vector<16xi32>
    %gather3A_364 = tpu.vector_load_idx %arg7[%add3A_363, %add3A_78] : memref<256x128xf32, #tpu.memory_space<vmem>>[vector<16xi32>, vector<16xi32>], vector<16xf32>,
    %mul3A_365 = vector.broadcast %reduce_sum3A_43 : f32 to vector<16xf32>
    %mul3A_366 = arith.mulf %gather3A_364, %mul3A_365 : vector<16xf32>
    %swap3A_367 = arith.constant 3 : i32
    %swap3A_368 = arith.index_cast %swap3A_367 : i32 to index
    %swap3A_369 = arith.constant 32 : index
    %swap3A_370 = tpu.vector_load %arg8[%swap3A_368, %swap3A_369] {strides = array<i32>} : memref<16x128xf32, #tpu.memory_space<vmem>>, vector<16xf32>,
    tpu.vector_store %arg8[%swap3A_368, %swap3A_369], %mul3A_366 {strides = array<i32>} : memref<16x128xf32, #tpu.memory_space<vmem>>, vector<16xf32>,
    %add3A_371 = arith.constant 176 : i32
    %add3A_372 = vector.broadcast %add3A_371 : i32 to vector<16xi32>
    %add3A_373 = arith.addi %iota3A, %add3A_372 : vector<16xi32>
    %gather3A_374 = tpu.vector_load_idx %arg7[%add3A_373, %add3A_78] : memref<256x128xf32, #tpu.memory_space<vmem>>[vector<16xi32>, vector<16xi32>], vector<16xf32>,
    %mul3A_375 = vector.broadcast %reduce_sum3A_43 : f32 to vector<16xf32>
    %mul3A_376 = arith.mulf %gather3A_374, %mul3A_375 : vector<16xf32>
    %swap3A_377 = arith.constant 3 : i32
    %swap3A_378 = arith.index_cast %swap3A_377 : i32 to index
    %swap3A_379 = arith.constant 48 : index
    %swap3A_380 = tpu.vector_load %arg8[%swap3A_378, %swap3A_379] {strides = array<i32>} : memref<16x128xf32, #tpu.memory_space<vmem>>, vector<16xf32>,
    tpu.vector_store %arg8[%swap3A_378, %swap3A_379], %mul3A_376 {strides = array<i32>} : memref<16x128xf32, #tpu.memory_space<vmem>>, vector<16xf32>,
    %add3A_381 = arith.constant 192 : i32
    %add3A_382 = vector.broadcast %add3A_381 : i32 to vector<16xi32>
    %add3A_383 = arith.addi %iota3A, %add3A_382 : vector<16xi32>
    %gather3A_384 = tpu.vector_load_idx %arg7[%add3A_383, %add3A_78] : memref<256x128xf32, #tpu.memory_space<vmem>>[vector<16xi32>, vector<16xi32>], vector<16xf32>,
    %mul3A_385 = vector.broadcast %reduce_sum3A_43 : f32 to vector<16xf32>
    %mul3A_386 = arith.mulf %gather3A_384, %mul3A_385 : vector<16xf32>
    %swap3A_387 = arith.constant 3 : i32
    %swap3A_388 = arith.index_cast %swap3A_387 : i32 to index
    %swap3A_389 = arith.constant 64 : index
    %swap3A_390 = tpu.vector_load %arg8[%swap3A_388, %swap3A_389] {strides = array<i32>} : memref<16x128xf32, #tpu.memory_space<vmem>>, vector<16xf32>,
    tpu.vector_store %arg8[%swap3A_388, %swap3A_389], %mul3A_386 {strides = array<i32>} : memref<16x128xf32, #tpu.memory_space<vmem>>, vector<16xf32>,
    %add3A_391 = arith.constant 208 : i32
    %add3A_392 = vector.broadcast %add3A_391 : i32 to vector<16xi32>
    %add3A_393 = arith.addi %iota3A, %add3A_392 : vector<16xi32>
    %gather3A_394 = tpu.vector_load_idx %arg7[%add3A_393, %add3A_78] : memref<256x128xf32, #tpu.memory_space<vmem>>[vector<16xi32>, vector<16xi32>], vector<16xf32>,
    %mul3A_395 = vector.broadcast %reduce_sum3A_43 : f32 to vector<16xf32>
    %mul3A_396 = arith.mulf %gather3A_394, %mul3A_395 : vector<16xf32>
    %swap3A_397 = arith.constant 3 : i32
    %swap3A_398 = arith.index_cast %swap3A_397 : i32 to index
    %swap3A_399 = arith.constant 80 : index
    %swap3A_400 = tpu.vector_load %arg8[%swap3A_398, %swap3A_399] {strides = array<i32>} : memref<16x128xf32, #tpu.memory_space<vmem>>, vector<16xf32>,
    tpu.vector_store %arg8[%swap3A_398, %swap3A_399], %mul3A_396 {strides = array<i32>} : memref<16x128xf32, #tpu.memory_space<vmem>>, vector<16xf32>,
    %add3A_401 = arith.constant 224 : i32
    %add3A_402 = vector.broadcast %add3A_401 : i32 to vector<16xi32>
    %add3A_403 = arith.addi %iota3A, %add3A_402 : vector<16xi32>
    %gather3A_404 = tpu.vector_load_idx %arg7[%add3A_403, %add3A_78] : memref<256x128xf32, #tpu.memory_space<vmem>>[vector<16xi32>, vector<16xi32>], vector<16xf32>,
    %mul3A_405 = vector.broadcast %reduce_sum3A_43 : f32 to vector<16xf32>
    %mul3A_406 = arith.mulf %gather3A_404, %mul3A_405 : vector<16xf32>
    %swap3A_407 = arith.constant 3 : i32
    %swap3A_408 = arith.index_cast %swap3A_407 : i32 to index
    %swap3A_409 = arith.constant 96 : index
    %swap3A_410 = tpu.vector_load %arg8[%swap3A_408, %swap3A_409] {strides = array<i32>} : memref<16x128xf32, #tpu.memory_space<vmem>>, vector<16xf32>,
    tpu.vector_store %arg8[%swap3A_408, %swap3A_409], %mul3A_406 {strides = array<i32>} : memref<16x128xf32, #tpu.memory_space<vmem>>, vector<16xf32>,
    %add3A_411 = arith.constant 240 : i32
    %add3A_412 = vector.broadcast %add3A_411 : i32 to vector<16xi32>
    %add3A_413 = arith.addi %iota3A, %add3A_412 : vector<16xi32>
    %gather3A_414 = tpu.vector_load_idx %arg7[%add3A_413, %add3A_78] : memref<256x128xf32, #tpu.memory_space<vmem>>[vector<16xi32>, vector<16xi32>], vector<16xf32>,
    %mul3A_415 = vector.broadcast %reduce_sum3A_43 : f32 to vector<16xf32>
    %mul3A_416 = arith.mulf %gather3A_414, %mul3A_415 : vector<16xf32>
    %swap3A_417 = arith.constant 3 : i32
    %swap3A_418 = arith.index_cast %swap3A_417 : i32 to index
    %swap3A_419 = arith.constant 112 : index
    %swap3A_420 = tpu.vector_load %arg8[%swap3A_418, %swap3A_419] {strides = array<i32>} : memref<16x128xf32, #tpu.memory_space<vmem>>, vector<16xf32>,
    tpu.vector_store %arg8[%swap3A_418, %swap3A_419], %mul3A_416 {strides = array<i32>} : memref<16x128xf32, #tpu.memory_space<vmem>>, vector<16xf32>,
    %mul3A_421 = arith.constant 128 : i32
    %mul3A_422 = arith.muli %select_n3A_61, %mul3A_421 : i32
    %dma_start3A_423 = arith.constant 768 : i32
    %dma_start3A_424 = tpu.memref_slice %arg2[%dma_start3A_423, %mul3A_422] : memref<2048x32768xf32, #tpu.memory_space<hbm>> -> memref<256x128xf32, #tpu.memory_space<hbm>>
    %dma_start3A_425 = arith.constant 768 : i32
    %dma_start3A_426 = tpu.memref_slice %arg2[%dma_start3A_425, %mul3A_422] : memref<2048x32768xf32, #tpu.memory_space<hbm>> -> memref<256x128xf32, #tpu.memory_space<hbm>>
    tpu.enqueue_dma source(%dma_start3A_426 : memref<256x128xf32, #tpu.memory_space<hbm>>) target(%arg7 : memref<256x128xf32, #tpu.memory_space<vmem>>) target_semaphore(%arg12 : memref<!tpu.dma_semaphore, #tpu.memory_space<semaphore_mem>>)
    %dma_wait3A_427 = arith.constant 512 : i32
    %dma_wait3A_428 = tpu.memref_slice %arg2[%dma_wait3A_427, %mul3A_252] : memref<2048x32768xf32, #tpu.memory_space<hbm>> -> memref<256x128xf32, #tpu.memory_space<hbm>>
    %dma_wait3A_429 = arith.constant 512 : i32
    %dma_wait3A_430 = tpu.memref_slice %arg2[%dma_wait3A_429, %mul3A_252] : memref<2048x32768xf32, #tpu.memory_space<hbm>> -> memref<256x128xf32, #tpu.memory_space<hbm>>
    tpu.wait_dma2 semaphore(%arg11 : memref<!tpu.dma_semaphore, #tpu.memory_space<semaphore_mem>>) src(%dma_wait3A_430 : memref<256x128xf32, #tpu.memory_space<hbm>>) dst(%arg6 : memref<256x128xf32, #tpu.memory_space<vmem>>)
    %add3A_431 = arith.constant 0 : i32
    %add3A_432 = vector.broadcast %add3A_431 : i32 to vector<16xi32>
    %add3A_433 = arith.addi %iota3A, %add3A_432 : vector<16xi32>
    %gather3A_434 = tpu.vector_load_idx %arg6[%add3A_433, %add3A_78] : memref<256x128xf32, #tpu.memory_space<vmem>>[vector<16xi32>, vector<16xi32>], vector<16xf32>,
    %mul3A_435 = vector.broadcast %reduce_sum3A_43 : f32 to vector<16xf32>
    %mul3A_436 = arith.mulf %gather3A_434, %mul3A_435 : vector<16xf32>
    %swap3A_437 = arith.constant 4 : i32
    %swap3A_438 = arith.index_cast %swap3A_437 : i32 to index
    %swap3A_439 = arith.constant 0 : index
    %swap3A_440 = tpu.vector_load %arg8[%swap3A_438, %swap3A_439] {strides = array<i32>} : memref<16x128xf32, #tpu.memory_space<vmem>>, vector<16xf32>,
    tpu.vector_store %arg8[%swap3A_438, %swap3A_439], %mul3A_436 {strides = array<i32>} : memref<16x128xf32, #tpu.memory_space<vmem>>, vector<16xf32>,
    %add3A_441 = arith.constant 16 : i32
    %add3A_442 = vector.broadcast %add3A_441 : i32 to vector<16xi32>
    %add3A_443 = arith.addi %iota3A, %add3A_442 : vector<16xi32>
    %gather3A_444 = tpu.vector_load_idx %arg6[%add3A_443, %add3A_78] : memref<256x128xf32, #tpu.memory_space<vmem>>[vector<16xi32>, vector<16xi32>], vector<16xf32>,
    %mul3A_445 = vector.broadcast %reduce_sum3A_43 : f32 to vector<16xf32>
    %mul3A_446 = arith.mulf %gather3A_444, %mul3A_445 : vector<16xf32>
    %swap3A_447 = arith.constant 4 : i32
    %swap3A_448 = arith.index_cast %swap3A_447 : i32 to index
    %swap3A_449 = arith.constant 16 : index
    %swap3A_450 = tpu.vector_load %arg8[%swap3A_448, %swap3A_449] {strides = array<i32>} : memref<16x128xf32, #tpu.memory_space<vmem>>, vector<16xf32>,
    tpu.vector_store %arg8[%swap3A_448, %swap3A_449], %mul3A_446 {strides = array<i32>} : memref<16x128xf32, #tpu.memory_space<vmem>>, vector<16xf32>,
    %add3A_451 = arith.constant 32 : i32
    %add3A_452 = vector.broadcast %add3A_451 : i32 to vector<16xi32>
    %add3A_453 = arith.addi %iota3A, %add3A_452 : vector<16xi32>
    %gather3A_454 = tpu.vector_load_idx %arg6[%add3A_453, %add3A_78] : memref<256x128xf32, #tpu.memory_space<vmem>>[vector<16xi32>, vector<16xi32>], vector<16xf32>,
    %mul3A_455 = vector.broadcast %reduce_sum3A_43 : f32 to vector<16xf32>
    %mul3A_456 = arith.mulf %gather3A_454, %mul3A_455 : vector<16xf32>
    %swap3A_457 = arith.constant 4 : i32
    %swap3A_458 = arith.index_cast %swap3A_457 : i32 to index
    %swap3A_459 = arith.constant 32 : index
    %swap3A_460 = tpu.vector_load %arg8[%swap3A_458, %swap3A_459] {strides = array<i32>} : memref<16x128xf32, #tpu.memory_space<vmem>>, vector<16xf32>,
    tpu.vector_store %arg8[%swap3A_458, %swap3A_459], %mul3A_456 {strides = array<i32>} : memref<16x128xf32, #tpu.memory_space<vmem>>, vector<16xf32>,
    %add3A_461 = arith.constant 48 : i32
    %add3A_462 = vector.broadcast %add3A_461 : i32 to vector<16xi32>
    %add3A_463 = arith.addi %iota3A, %add3A_462 : vector<16xi32>
    %gather3A_464 = tpu.vector_load_idx %arg6[%add3A_463, %add3A_78] : memref<256x128xf32, #tpu.memory_space<vmem>>[vector<16xi32>, vector<16xi32>], vector<16xf32>,
    %mul3A_465 = vector.broadcast %reduce_sum3A_43 : f32 to vector<16xf32>
    %mul3A_466 = arith.mulf %gather3A_464, %mul3A_465 : vector<16xf32>
    %swap3A_467 = arith.constant 4 : i32
    %swap3A_468 = arith.index_cast %swap3A_467 : i32 to index
    %swap3A_469 = arith.constant 48 : index
    %swap3A_470 = tpu.vector_load %arg8[%swap3A_468, %swap3A_469] {strides = array<i32>} : memref<16x128xf32, #tpu.memory_space<vmem>>, vector<16xf32>,
    tpu.vector_store %arg8[%swap3A_468, %swap3A_469], %mul3A_466 {strides = array<i32>} : memref<16x128xf32, #tpu.memory_space<vmem>>, vector<16xf32>,
    %add3A_471 = arith.constant 64 : i32
    %add3A_472 = vector.broadcast %add3A_471 : i32 to vector<16xi32>
    %add3A_473 = arith.addi %iota3A, %add3A_472 : vector<16xi32>
    %gather3A_474 = tpu.vector_load_idx %arg6[%add3A_473, %add3A_78] : memref<256x128xf32, #tpu.memory_space<vmem>>[vector<16xi32>, vector<16xi32>], vector<16xf32>,
    %mul3A_475 = vector.broadcast %reduce_sum3A_43 : f32 to vector<16xf32>
    %mul3A_476 = arith.mulf %gather3A_474, %mul3A_475 : vector<16xf32>
    %swap3A_477 = arith.constant 4 : i32
    %swap3A_478 = arith.index_cast %swap3A_477 : i32 to index
    %swap3A_479 = arith.constant 64 : index
    %swap3A_480 = tpu.vector_load %arg8[%swap3A_478, %swap3A_479] {strides = array<i32>} : memref<16x128xf32, #tpu.memory_space<vmem>>, vector<16xf32>,
    tpu.vector_store %arg8[%swap3A_478, %swap3A_479], %mul3A_476 {strides = array<i32>} : memref<16x128xf32, #tpu.memory_space<vmem>>, vector<16xf32>,
    %add3A_481 = arith.constant 80 : i32
    %add3A_482 = vector.broadcast %add3A_481 : i32 to vector<16xi32>
    %add3A_483 = arith.addi %iota3A, %add3A_482 : vector<16xi32>
    %gather3A_484 = tpu.vector_load_idx %arg6[%add3A_483, %add3A_78] : memref<256x128xf32, #tpu.memory_space<vmem>>[vector<16xi32>, vector<16xi32>], vector<16xf32>,
    %mul3A_485 = vector.broadcast %reduce_sum3A_43 : f32 to vector<16xf32>
    %mul3A_486 = arith.mulf %gather3A_484, %mul3A_485 : vector<16xf32>
    %swap3A_487 = arith.constant 4 : i32
    %swap3A_488 = arith.index_cast %swap3A_487 : i32 to index
    %swap3A_489 = arith.constant 80 : index
    %swap3A_490 = tpu.vector_load %arg8[%swap3A_488, %swap3A_489] {strides = array<i32>} : memref<16x128xf32, #tpu.memory_space<vmem>>, vector<16xf32>,
    tpu.vector_store %arg8[%swap3A_488, %swap3A_489], %mul3A_486 {strides = array<i32>} : memref<16x128xf32, #tpu.memory_space<vmem>>, vector<16xf32>,
    %add3A_491 = arith.constant 96 : i32
    %add3A_492 = vector.broadcast %add3A_491 : i32 to vector<16xi32>
    %add3A_493 = arith.addi %iota3A, %add3A_492 : vector<16xi32>
    %gather3A_494 = tpu.vector_load_idx %arg6[%add3A_493, %add3A_78] : memref<256x128xf32, #tpu.memory_space<vmem>>[vector<16xi32>, vector<16xi32>], vector<16xf32>,
    %mul3A_495 = vector.broadcast %reduce_sum3A_43 : f32 to vector<16xf32>
    %mul3A_496 = arith.mulf %gather3A_494, %mul3A_495 : vector<16xf32>
    %swap3A_497 = arith.constant 4 : i32
    %swap3A_498 = arith.index_cast %swap3A_497 : i32 to index
    %swap3A_499 = arith.constant 96 : index
    %swap3A_500 = tpu.vector_load %arg8[%swap3A_498, %swap3A_499] {strides = array<i32>} : memref<16x128xf32, #tpu.memory_space<vmem>>, vector<16xf32>,
    tpu.vector_store %arg8[%swap3A_498, %swap3A_499], %mul3A_496 {strides = array<i32>} : memref<16x128xf32, #tpu.memory_space<vmem>>, vector<16xf32>,
    %add3A_501 = arith.constant 112 : i32
    %add3A_502 = vector.broadcast %add3A_501 : i32 to vector<16xi32>
    %add3A_503 = arith.addi %iota3A, %add3A_502 : vector<16xi32>
    %gather3A_504 = tpu.vector_load_idx %arg6[%add3A_503, %add3A_78] : memref<256x128xf32, #tpu.memory_space<vmem>>[vector<16xi32>, vector<16xi32>], vector<16xf32>,
    %mul3A_505 = vector.broadcast %reduce_sum3A_43 : f32 to vector<16xf32>
    %mul3A_506 = arith.mulf %gather3A_504, %mul3A_505 : vector<16xf32>
    %swap3A_507 = arith.constant 4 : i32
    %swap3A_508 = arith.index_cast %swap3A_507 : i32 to index
    %swap3A_509 = arith.constant 112 : index
    %swap3A_510 = tpu.vector_load %arg8[%swap3A_508, %swap3A_509] {strides = array<i32>} : memref<16x128xf32, #tpu.memory_space<vmem>>, vector<16xf32>,
    tpu.vector_store %arg8[%swap3A_508, %swap3A_509], %mul3A_506 {strides = array<i32>} : memref<16x128xf32, #tpu.memory_space<vmem>>, vector<16xf32>,
    %add3A_511 = arith.constant 128 : i32
    %add3A_512 = vector.broadcast %add3A_511 : i32 to vector<16xi32>
    %add3A_513 = arith.addi %iota3A, %add3A_512 : vector<16xi32>
    %gather3A_514 = tpu.vector_load_idx %arg6[%add3A_513, %add3A_78] : memref<256x128xf32, #tpu.memory_space<vmem>>[vector<16xi32>, vector<16xi32>], vector<16xf32>,
    %mul3A_515 = vector.broadcast %reduce_sum3A_43 : f32 to vector<16xf32>
    %mul3A_516 = arith.mulf %gather3A_514, %mul3A_515 : vector<16xf32>
    %swap3A_517 = arith.constant 5 : i32
    %swap3A_518 = arith.index_cast %swap3A_517 : i32 to index
    %swap3A_519 = arith.constant 0 : index
    %swap3A_520 = tpu.vector_load %arg8[%swap3A_518, %swap3A_519] {strides = array<i32>} : memref<16x128xf32, #tpu.memory_space<vmem>>, vector<16xf32>,
    tpu.vector_store %arg8[%swap3A_518, %swap3A_519], %mul3A_516 {strides = array<i32>} : memref<16x128xf32, #tpu.memory_space<vmem>>, vector<16xf32>,
    %add3A_521 = arith.constant 144 : i32
    %add3A_522 = vector.broadcast %add3A_521 : i32 to vector<16xi32>
    %add3A_523 = arith.addi %iota3A, %add3A_522 : vector<16xi32>
    %gather3A_524 = tpu.vector_load_idx %arg6[%add3A_523, %add3A_78] : memref<256x128xf32, #tpu.memory_space<vmem>>[vector<16xi32>, vector<16xi32>], vector<16xf32>,
    %mul3A_525 = vector.broadcast %reduce_sum3A_43 : f32 to vector<16xf32>
    %mul3A_526 = arith.mulf %gather3A_524, %mul3A_525 : vector<16xf32>
    %swap3A_527 = arith.constant 5 : i32
    %swap3A_528 = arith.index_cast %swap3A_527 : i32 to index
    %swap3A_529 = arith.constant 16 : index
    %swap3A_530 = tpu.vector_load %arg8[%swap3A_528, %swap3A_529] {strides = array<i32>} : memref<16x128xf32, #tpu.memory_space<vmem>>, vector<16xf32>,
    tpu.vector_store %arg8[%swap3A_528, %swap3A_529], %mul3A_526 {strides = array<i32>} : memref<16x128xf32, #tpu.memory_space<vmem>>, vector<16xf32>,
    %add3A_531 = arith.constant 160 : i32
    %add3A_532 = vector.broadcast %add3A_531 : i32 to vector<16xi32>
    %add3A_533 = arith.addi %iota3A, %add3A_532 : vector<16xi32>
    %gather3A_534 = tpu.vector_load_idx %arg6[%add3A_533, %add3A_78] : memref<256x128xf32, #tpu.memory_space<vmem>>[vector<16xi32>, vector<16xi32>], vector<16xf32>,
    %mul3A_535 = vector.broadcast %reduce_sum3A_43 : f32 to vector<16xf32>
    %mul3A_536 = arith.mulf %gather3A_534, %mul3A_535 : vector<16xf32>
    %swap3A_537 = arith.constant 5 : i32
    %swap3A_538 = arith.index_cast %swap3A_537 : i32 to index
    %swap3A_539 = arith.constant 32 : index
    %swap3A_540 = tpu.vector_load %arg8[%swap3A_538, %swap3A_539] {strides = array<i32>} : memref<16x128xf32, #tpu.memory_space<vmem>>, vector<16xf32>,
    tpu.vector_store %arg8[%swap3A_538, %swap3A_539], %mul3A_536 {strides = array<i32>} : memref<16x128xf32, #tpu.memory_space<vmem>>, vector<16xf32>,
    %add3A_541 = arith.constant 176 : i32
    %add3A_542 = vector.broadcast %add3A_541 : i32 to vector<16xi32>
    %add3A_543 = arith.addi %iota3A, %add3A_542 : vector<16xi32>
    %gather3A_544 = tpu.vector_load_idx %arg6[%add3A_543, %add3A_78] : memref<256x128xf32, #tpu.memory_space<vmem>>[vector<16xi32>, vector<16xi32>], vector<16xf32>,
    %mul3A_545 = vector.broadcast %reduce_sum3A_43 : f32 to vector<16xf32>
    %mul3A_546 = arith.mulf %gather3A_544, %mul3A_545 : vector<16xf32>
    %swap3A_547 = arith.constant 5 : i32
    %swap3A_548 = arith.index_cast %swap3A_547 : i32 to index
    %swap3A_549 = arith.constant 48 : index
    %swap3A_550 = tpu.vector_load %arg8[%swap3A_548, %swap3A_549] {strides = array<i32>} : memref<16x128xf32, #tpu.memory_space<vmem>>, vector<16xf32>,
    tpu.vector_store %arg8[%swap3A_548, %swap3A_549], %mul3A_546 {strides = array<i32>} : memref<16x128xf32, #tpu.memory_space<vmem>>, vector<16xf32>,
    %add3A_551 = arith.constant 192 : i32
    %add3A_552 = vector.broadcast %add3A_551 : i32 to vector<16xi32>
    %add3A_553 = arith.addi %iota3A, %add3A_552 : vector<16xi32>
    %gather3A_554 = tpu.vector_load_idx %arg6[%add3A_553, %add3A_78] : memref<256x128xf32, #tpu.memory_space<vmem>>[vector<16xi32>, vector<16xi32>], vector<16xf32>,
    %mul3A_555 = vector.broadcast %reduce_sum3A_43 : f32 to vector<16xf32>
    %mul3A_556 = arith.mulf %gather3A_554, %mul3A_555 : vector<16xf32>
    %swap3A_557 = arith.constant 5 : i32
    %swap3A_558 = arith.index_cast %swap3A_557 : i32 to index
    %swap3A_559 = arith.constant 64 : index
    %swap3A_560 = tpu.vector_load %arg8[%swap3A_558, %swap3A_559] {strides = array<i32>} : memref<16x128xf32, #tpu.memory_space<vmem>>, vector<16xf32>,
    tpu.vector_store %arg8[%swap3A_558, %swap3A_559], %mul3A_556 {strides = array<i32>} : memref<16x128xf32, #tpu.memory_space<vmem>>, vector<16xf32>,
    %add3A_561 = arith.constant 208 : i32
    %add3A_562 = vector.broadcast %add3A_561 : i32 to vector<16xi32>
    %add3A_563 = arith.addi %iota3A, %add3A_562 : vector<16xi32>
    %gather3A_564 = tpu.vector_load_idx %arg6[%add3A_563, %add3A_78] : memref<256x128xf32, #tpu.memory_space<vmem>>[vector<16xi32>, vector<16xi32>], vector<16xf32>,
    %mul3A_565 = vector.broadcast %reduce_sum3A_43 : f32 to vector<16xf32>
    %mul3A_566 = arith.mulf %gather3A_564, %mul3A_565 : vector<16xf32>
    %swap3A_567 = arith.constant 5 : i32
    %swap3A_568 = arith.index_cast %swap3A_567 : i32 to index
    %swap3A_569 = arith.constant 80 : index
    %swap3A_570 = tpu.vector_load %arg8[%swap3A_568, %swap3A_569] {strides = array<i32>} : memref<16x128xf32, #tpu.memory_space<vmem>>, vector<16xf32>,
    tpu.vector_store %arg8[%swap3A_568, %swap3A_569], %mul3A_566 {strides = array<i32>} : memref<16x128xf32, #tpu.memory_space<vmem>>, vector<16xf32>,
    %add3A_571 = arith.constant 224 : i32
    %add3A_572 = vector.broadcast %add3A_571 : i32 to vector<16xi32>
    %add3A_573 = arith.addi %iota3A, %add3A_572 : vector<16xi32>
    %gather3A_574 = tpu.vector_load_idx %arg6[%add3A_573, %add3A_78] : memref<256x128xf32, #tpu.memory_space<vmem>>[vector<16xi32>, vector<16xi32>], vector<16xf32>,
    %mul3A_575 = vector.broadcast %reduce_sum3A_43 : f32 to vector<16xf32>
    %mul3A_576 = arith.mulf %gather3A_574, %mul3A_575 : vector<16xf32>
    %swap3A_577 = arith.constant 5 : i32
    %swap3A_578 = arith.index_cast %swap3A_577 : i32 to index
    %swap3A_579 = arith.constant 96 : index
    %swap3A_580 = tpu.vector_load %arg8[%swap3A_578, %swap3A_579] {strides = array<i32>} : memref<16x128xf32, #tpu.memory_space<vmem>>, vector<16xf32>,
    tpu.vector_store %arg8[%swap3A_578, %swap3A_579], %mul3A_576 {strides = array<i32>} : memref<16x128xf32, #tpu.memory_space<vmem>>, vector<16xf32>,
    %add3A_581 = arith.constant 240 : i32
    %add3A_582 = vector.broadcast %add3A_581 : i32 to vector<16xi32>
    %add3A_583 = arith.addi %iota3A, %add3A_582 : vector<16xi32>
    %gather3A_584 = tpu.vector_load_idx %arg6[%add3A_583, %add3A_78] : memref<256x128xf32, #tpu.memory_space<vmem>>[vector<16xi32>, vector<16xi32>], vector<16xf32>,
    %mul3A_585 = vector.broadcast %reduce_sum3A_43 : f32 to vector<16xf32>
    %mul3A_586 = arith.mulf %gather3A_584, %mul3A_585 : vector<16xf32>
    %swap3A_587 = arith.constant 5 : i32
    %swap3A_588 = arith.index_cast %swap3A_587 : i32 to index
    %swap3A_589 = arith.constant 112 : index
    %swap3A_590 = tpu.vector_load %arg8[%swap3A_588, %swap3A_589] {strides = array<i32>} : memref<16x128xf32, #tpu.memory_space<vmem>>, vector<16xf32>,
    tpu.vector_store %arg8[%swap3A_588, %swap3A_589], %mul3A_586 {strides = array<i32>} : memref<16x128xf32, #tpu.memory_space<vmem>>, vector<16xf32>,
    %mul3A_591 = arith.constant 128 : i32
    %mul3A_592 = arith.muli %select_n3A_61, %mul3A_591 : i32
    %dma_start3A_593 = arith.constant 1024 : i32
    %dma_start3A_594 = tpu.memref_slice %arg2[%dma_start3A_593, %mul3A_592] : memref<2048x32768xf32, #tpu.memory_space<hbm>> -> memref<256x128xf32, #tpu.memory_space<hbm>>
    %dma_start3A_595 = arith.constant 1024 : i32
    %dma_start3A_596 = tpu.memref_slice %arg2[%dma_start3A_595, %mul3A_592] : memref<2048x32768xf32, #tpu.memory_space<hbm>> -> memref<256x128xf32, #tpu.memory_space<hbm>>
    tpu.enqueue_dma source(%dma_start3A_596 : memref<256x128xf32, #tpu.memory_space<hbm>>) target(%arg6 : memref<256x128xf32, #tpu.memory_space<vmem>>) target_semaphore(%arg11 : memref<!tpu.dma_semaphore, #tpu.memory_space<semaphore_mem>>)
    %dma_wait3A_597 = arith.constant 768 : i32
    %dma_wait3A_598 = tpu.memref_slice %arg2[%dma_wait3A_597, %mul3A_422] : memref<2048x32768xf32, #tpu.memory_space<hbm>> -> memref<256x128xf32, #tpu.memory_space<hbm>>
    %dma_wait3A_599 = arith.constant 768 : i32
    %dma_wait3A_600 = tpu.memref_slice %arg2[%dma_wait3A_599, %mul3A_422] : memref<2048x32768xf32, #tpu.memory_space<hbm>> -> memref<256x128xf32, #tpu.memory_space<hbm>>
    tpu.wait_dma2 semaphore(%arg12 : memref<!tpu.dma_semaphore, #tpu.memory_space<semaphore_mem>>) src(%dma_wait3A_600 : memref<256x128xf32, #tpu.memory_space<hbm>>) dst(%arg7 : memref<256x128xf32, #tpu.memory_space<vmem>>)
    %add3A_601 = arith.constant 0 : i32
    %add3A_602 = vector.broadcast %add3A_601 : i32 to vector<16xi32>
    %add3A_603 = arith.addi %iota3A, %add3A_602 : vector<16xi32>
    %gather3A_604 = tpu.vector_load_idx %arg7[%add3A_603, %add3A_78] : memref<256x128xf32, #tpu.memory_space<vmem>>[vector<16xi32>, vector<16xi32>], vector<16xf32>,
    %mul3A_605 = vector.broadcast %reduce_sum3A_43 : f32 to vector<16xf32>
    %mul3A_606 = arith.mulf %gather3A_604, %mul3A_605 : vector<16xf32>
    %swap3A_607 = arith.constant 6 : i32
    %swap3A_608 = arith.index_cast %swap3A_607 : i32 to index
    %swap3A_609 = arith.constant 0 : index
    %swap3A_610 = tpu.vector_load %arg8[%swap3A_608, %swap3A_609] {strides = array<i32>} : memref<16x128xf32, #tpu.memory_space<vmem>>, vector<16xf32>,
    tpu.vector_store %arg8[%swap3A_608, %swap3A_609], %mul3A_606 {strides = array<i32>} : memref<16x128xf32, #tpu.memory_space<vmem>>, vector<16xf32>,
    %add3A_611 = arith.constant 16 : i32
    %add3A_612 = vector.broadcast %add3A_611 : i32 to vector<16xi32>
    %add3A_613 = arith.addi %iota3A, %add3A_612 : vector<16xi32>
    %gather3A_614 = tpu.vector_load_idx %arg7[%add3A_613, %add3A_78] : memref<256x128xf32, #tpu.memory_space<vmem>>[vector<16xi32>, vector<16xi32>], vector<16xf32>,
    %mul3A_615 = vector.broadcast %reduce_sum3A_43 : f32 to vector<16xf32>
    %mul3A_616 = arith.mulf %gather3A_614, %mul3A_615 : vector<16xf32>
    %swap3A_617 = arith.constant 6 : i32
    %swap3A_618 = arith.index_cast %swap3A_617 : i32 to index
    %swap3A_619 = arith.constant 16 : index
    %swap3A_620 = tpu.vector_load %arg8[%swap3A_618, %swap3A_619] {strides = array<i32>} : memref<16x128xf32, #tpu.memory_space<vmem>>, vector<16xf32>,
    tpu.vector_store %arg8[%swap3A_618, %swap3A_619], %mul3A_616 {strides = array<i32>} : memref<16x128xf32, #tpu.memory_space<vmem>>, vector<16xf32>,
    %add3A_621 = arith.constant 32 : i32
    %add3A_622 = vector.broadcast %add3A_621 : i32 to vector<16xi32>
    %add3A_623 = arith.addi %iota3A, %add3A_622 : vector<16xi32>
    %gather3A_624 = tpu.vector_load_idx %arg7[%add3A_623, %add3A_78] : memref<256x128xf32, #tpu.memory_space<vmem>>[vector<16xi32>, vector<16xi32>], vector<16xf32>,
    %mul3A_625 = vector.broadcast %reduce_sum3A_43 : f32 to vector<16xf32>
    %mul3A_626 = arith.mulf %gather3A_624, %mul3A_625 : vector<16xf32>
    %swap3A_627 = arith.constant 6 : i32
    %swap3A_628 = arith.index_cast %swap3A_627 : i32 to index
    %swap3A_629 = arith.constant 32 : index
    %swap3A_630 = tpu.vector_load %arg8[%swap3A_628, %swap3A_629] {strides = array<i32>} : memref<16x128xf32, #tpu.memory_space<vmem>>, vector<16xf32>,
    tpu.vector_store %arg8[%swap3A_628, %swap3A_629], %mul3A_626 {strides = array<i32>} : memref<16x128xf32, #tpu.memory_space<vmem>>, vector<16xf32>,
    %add3A_631 = arith.constant 48 : i32
    %add3A_632 = vector.broadcast %add3A_631 : i32 to vector<16xi32>
    %add3A_633 = arith.addi %iota3A, %add3A_632 : vector<16xi32>
    %gather3A_634 = tpu.vector_load_idx %arg7[%add3A_633, %add3A_78] : memref<256x128xf32, #tpu.memory_space<vmem>>[vector<16xi32>, vector<16xi32>], vector<16xf32>,
    %mul3A_635 = vector.broadcast %reduce_sum3A_43 : f32 to vector<16xf32>
    %mul3A_636 = arith.mulf %gather3A_634, %mul3A_635 : vector<16xf32>
    %swap3A_637 = arith.constant 6 : i32
    %swap3A_638 = arith.index_cast %swap3A_637 : i32 to index
    %swap3A_639 = arith.constant 48 : index
    %swap3A_640 = tpu.vector_load %arg8[%swap3A_638, %swap3A_639] {strides = array<i32>} : memref<16x128xf32, #tpu.memory_space<vmem>>, vector<16xf32>,
    tpu.vector_store %arg8[%swap3A_638, %swap3A_639], %mul3A_636 {strides = array<i32>} : memref<16x128xf32, #tpu.memory_space<vmem>>, vector<16xf32>,
    %add3A_641 = arith.constant 64 : i32
    %add3A_642 = vector.broadcast %add3A_641 : i32 to vector<16xi32>
    %add3A_643 = arith.addi %iota3A, %add3A_642 : vector<16xi32>
    %gather3A_644 = tpu.vector_load_idx %arg7[%add3A_643, %add3A_78] : memref<256x128xf32, #tpu.memory_space<vmem>>[vector<16xi32>, vector<16xi32>], vector<16xf32>,
    %mul3A_645 = vector.broadcast %reduce_sum3A_43 : f32 to vector<16xf32>
    %mul3A_646 = arith.mulf %gather3A_644, %mul3A_645 : vector<16xf32>
    %swap3A_647 = arith.constant 6 : i32
    %swap3A_648 = arith.index_cast %swap3A_647 : i32 to index
    %swap3A_649 = arith.constant 64 : index
    %swap3A_650 = tpu.vector_load %arg8[%swap3A_648, %swap3A_649] {strides = array<i32>} : memref<16x128xf32, #tpu.memory_space<vmem>>, vector<16xf32>,
    tpu.vector_store %arg8[%swap3A_648, %swap3A_649], %mul3A_646 {strides = array<i32>} : memref<16x128xf32, #tpu.memory_space<vmem>>, vector<16xf32>,
    %add3A_651 = arith.constant 80 : i32
    %add3A_652 = vector.broadcast %add3A_651 : i32 to vector<16xi32>
    %add3A_653 = arith.addi %iota3A, %add3A_652 : vector<16xi32>
    %gather3A_654 = tpu.vector_load_idx %arg7[%add3A_653, %add3A_78] : memref<256x128xf32, #tpu.memory_space<vmem>>[vector<16xi32>, vector<16xi32>], vector<16xf32>,
    %mul3A_655 = vector.broadcast %reduce_sum3A_43 : f32 to vector<16xf32>
    %mul3A_656 = arith.mulf %gather3A_654, %mul3A_655 : vector<16xf32>
    %swap3A_657 = arith.constant 6 : i32
    %swap3A_658 = arith.index_cast %swap3A_657 : i32 to index
    %swap3A_659 = arith.constant 80 : index
    %swap3A_660 = tpu.vector_load %arg8[%swap3A_658, %swap3A_659] {strides = array<i32>} : memref<16x128xf32, #tpu.memory_space<vmem>>, vector<16xf32>,
    tpu.vector_store %arg8[%swap3A_658, %swap3A_659], %mul3A_656 {strides = array<i32>} : memref<16x128xf32, #tpu.memory_space<vmem>>, vector<16xf32>,
    %add3A_661 = arith.constant 96 : i32
    %add3A_662 = vector.broadcast %add3A_661 : i32 to vector<16xi32>
    %add3A_663 = arith.addi %iota3A, %add3A_662 : vector<16xi32>
    %gather3A_664 = tpu.vector_load_idx %arg7[%add3A_663, %add3A_78] : memref<256x128xf32, #tpu.memory_space<vmem>>[vector<16xi32>, vector<16xi32>], vector<16xf32>,
    %mul3A_665 = vector.broadcast %reduce_sum3A_43 : f32 to vector<16xf32>
    %mul3A_666 = arith.mulf %gather3A_664, %mul3A_665 : vector<16xf32>
    %swap3A_667 = arith.constant 6 : i32
    %swap3A_668 = arith.index_cast %swap3A_667 : i32 to index
    %swap3A_669 = arith.constant 96 : index
    %swap3A_670 = tpu.vector_load %arg8[%swap3A_668, %swap3A_669] {strides = array<i32>} : memref<16x128xf32, #tpu.memory_space<vmem>>, vector<16xf32>,
    tpu.vector_store %arg8[%swap3A_668, %swap3A_669], %mul3A_666 {strides = array<i32>} : memref<16x128xf32, #tpu.memory_space<vmem>>, vector<16xf32>,
    %add3A_671 = arith.constant 112 : i32
    %add3A_672 = vector.broadcast %add3A_671 : i32 to vector<16xi32>
    %add3A_673 = arith.addi %iota3A, %add3A_672 : vector<16xi32>
    %gather3A_674 = tpu.vector_load_idx %arg7[%add3A_673, %add3A_78] : memref<256x128xf32, #tpu.memory_space<vmem>>[vector<16xi32>, vector<16xi32>], vector<16xf32>,
    %mul3A_675 = vector.broadcast %reduce_sum3A_43 : f32 to vector<16xf32>
    %mul3A_676 = arith.mulf %gather3A_674, %mul3A_675 : vector<16xf32>
    %swap3A_677 = arith.constant 6 : i32
    %swap3A_678 = arith.index_cast %swap3A_677 : i32 to index
    %swap3A_679 = arith.constant 112 : index
    %swap3A_680 = tpu.vector_load %arg8[%swap3A_678, %swap3A_679] {strides = array<i32>} : memref<16x128xf32, #tpu.memory_space<vmem>>, vector<16xf32>,
    tpu.vector_store %arg8[%swap3A_678, %swap3A_679], %mul3A_676 {strides = array<i32>} : memref<16x128xf32, #tpu.memory_space<vmem>>, vector<16xf32>,
    %add3A_681 = arith.constant 128 : i32
    %add3A_682 = vector.broadcast %add3A_681 : i32 to vector<16xi32>
    %add3A_683 = arith.addi %iota3A, %add3A_682 : vector<16xi32>
    %gather3A_684 = tpu.vector_load_idx %arg7[%add3A_683, %add3A_78] : memref<256x128xf32, #tpu.memory_space<vmem>>[vector<16xi32>, vector<16xi32>], vector<16xf32>,
    %mul3A_685 = vector.broadcast %reduce_sum3A_43 : f32 to vector<16xf32>
    %mul3A_686 = arith.mulf %gather3A_684, %mul3A_685 : vector<16xf32>
    %swap3A_687 = arith.constant 7 : i32
    %swap3A_688 = arith.index_cast %swap3A_687 : i32 to index
    %swap3A_689 = arith.constant 0 : index
    %swap3A_690 = tpu.vector_load %arg8[%swap3A_688, %swap3A_689] {strides = array<i32>} : memref<16x128xf32, #tpu.memory_space<vmem>>, vector<16xf32>,
    tpu.vector_store %arg8[%swap3A_688, %swap3A_689], %mul3A_686 {strides = array<i32>} : memref<16x128xf32, #tpu.memory_space<vmem>>, vector<16xf32>,
    %add3A_691 = arith.constant 144 : i32
    %add3A_692 = vector.broadcast %add3A_691 : i32 to vector<16xi32>
    %add3A_693 = arith.addi %iota3A, %add3A_692 : vector<16xi32>
    %gather3A_694 = tpu.vector_load_idx %arg7[%add3A_693, %add3A_78] : memref<256x128xf32, #tpu.memory_space<vmem>>[vector<16xi32>, vector<16xi32>], vector<16xf32>,
    %mul3A_695 = vector.broadcast %reduce_sum3A_43 : f32 to vector<16xf32>
    %mul3A_696 = arith.mulf %gather3A_694, %mul3A_695 : vector<16xf32>
    %swap3A_697 = arith.constant 7 : i32
    %swap3A_698 = arith.index_cast %swap3A_697 : i32 to index
    %swap3A_699 = arith.constant 16 : index
    %swap3A_700 = tpu.vector_load %arg8[%swap3A_698, %swap3A_699] {strides = array<i32>} : memref<16x128xf32, #tpu.memory_space<vmem>>, vector<16xf32>,
    tpu.vector_store %arg8[%swap3A_698, %swap3A_699], %mul3A_696 {strides = array<i32>} : memref<16x128xf32, #tpu.memory_space<vmem>>, vector<16xf32>,
    %add3A_701 = arith.constant 160 : i32
    %add3A_702 = vector.broadcast %add3A_701 : i32 to vector<16xi32>
    %add3A_703 = arith.addi %iota3A, %add3A_702 : vector<16xi32>
    %gather3A_704 = tpu.vector_load_idx %arg7[%add3A_703, %add3A_78] : memref<256x128xf32, #tpu.memory_space<vmem>>[vector<16xi32>, vector<16xi32>], vector<16xf32>,
    %mul3A_705 = vector.broadcast %reduce_sum3A_43 : f32 to vector<16xf32>
    %mul3A_706 = arith.mulf %gather3A_704, %mul3A_705 : vector<16xf32>
    %swap3A_707 = arith.constant 7 : i32
    %swap3A_708 = arith.index_cast %swap3A_707 : i32 to index
    %swap3A_709 = arith.constant 32 : index
    %swap3A_710 = tpu.vector_load %arg8[%swap3A_708, %swap3A_709] {strides = array<i32>} : memref<16x128xf32, #tpu.memory_space<vmem>>, vector<16xf32>,
    tpu.vector_store %arg8[%swap3A_708, %swap3A_709], %mul3A_706 {strides = array<i32>} : memref<16x128xf32, #tpu.memory_space<vmem>>, vector<16xf32>,
    %add3A_711 = arith.constant 176 : i32
    %add3A_712 = vector.broadcast %add3A_711 : i32 to vector<16xi32>
    %add3A_713 = arith.addi %iota3A, %add3A_712 : vector<16xi32>
    %gather3A_714 = tpu.vector_load_idx %arg7[%add3A_713, %add3A_78] : memref<256x128xf32, #tpu.memory_space<vmem>>[vector<16xi32>, vector<16xi32>], vector<16xf32>,
    %mul3A_715 = vector.broadcast %reduce_sum3A_43 : f32 to vector<16xf32>
    %mul3A_716 = arith.mulf %gather3A_714, %mul3A_715 : vector<16xf32>
    %swap3A_717 = arith.constant 7 : i32
    %swap3A_718 = arith.index_cast %swap3A_717 : i32 to index
    %swap3A_719 = arith.constant 48 : index
    %swap3A_720 = tpu.vector_load %arg8[%swap3A_718, %swap3A_719] {strides = array<i32>} : memref<16x128xf32, #tpu.memory_space<vmem>>, vector<16xf32>,
    tpu.vector_store %arg8[%swap3A_718, %swap3A_719], %mul3A_716 {strides = array<i32>} : memref<16x128xf32, #tpu.memory_space<vmem>>, vector<16xf32>,
    %add3A_721 = arith.constant 192 : i32
    %add3A_722 = vector.broadcast %add3A_721 : i32 to vector<16xi32>
    %add3A_723 = arith.addi %iota3A, %add3A_722 : vector<16xi32>
    %gather3A_724 = tpu.vector_load_idx %arg7[%add3A_723, %add3A_78] : memref<256x128xf32, #tpu.memory_space<vmem>>[vector<16xi32>, vector<16xi32>], vector<16xf32>,
    %mul3A_725 = vector.broadcast %reduce_sum3A_43 : f32 to vector<16xf32>
    %mul3A_726 = arith.mulf %gather3A_724, %mul3A_725 : vector<16xf32>
    %swap3A_727 = arith.constant 7 : i32
    %swap3A_728 = arith.index_cast %swap3A_727 : i32 to index
    %swap3A_729 = arith.constant 64 : index
    %swap3A_730 = tpu.vector_load %arg8[%swap3A_728, %swap3A_729] {strides = array<i32>} : memref<16x128xf32, #tpu.memory_space<vmem>>, vector<16xf32>,
    tpu.vector_store %arg8[%swap3A_728, %swap3A_729], %mul3A_726 {strides = array<i32>} : memref<16x128xf32, #tpu.memory_space<vmem>>, vector<16xf32>,
    %add3A_731 = arith.constant 208 : i32
    %add3A_732 = vector.broadcast %add3A_731 : i32 to vector<16xi32>
    %add3A_733 = arith.addi %iota3A, %add3A_732 : vector<16xi32>
    %gather3A_734 = tpu.vector_load_idx %arg7[%add3A_733, %add3A_78] : memref<256x128xf32, #tpu.memory_space<vmem>>[vector<16xi32>, vector<16xi32>], vector<16xf32>,
    %mul3A_735 = vector.broadcast %reduce_sum3A_43 : f32 to vector<16xf32>
    %mul3A_736 = arith.mulf %gather3A_734, %mul3A_735 : vector<16xf32>
    %swap3A_737 = arith.constant 7 : i32
    %swap3A_738 = arith.index_cast %swap3A_737 : i32 to index
    %swap3A_739 = arith.constant 80 : index
    %swap3A_740 = tpu.vector_load %arg8[%swap3A_738, %swap3A_739] {strides = array<i32>} : memref<16x128xf32, #tpu.memory_space<vmem>>, vector<16xf32>,
    tpu.vector_store %arg8[%swap3A_738, %swap3A_739], %mul3A_736 {strides = array<i32>} : memref<16x128xf32, #tpu.memory_space<vmem>>, vector<16xf32>,
    %add3A_741 = arith.constant 224 : i32
    %add3A_742 = vector.broadcast %add3A_741 : i32 to vector<16xi32>
    %add3A_743 = arith.addi %iota3A, %add3A_742 : vector<16xi32>
    %gather3A_744 = tpu.vector_load_idx %arg7[%add3A_743, %add3A_78] : memref<256x128xf32, #tpu.memory_space<vmem>>[vector<16xi32>, vector<16xi32>], vector<16xf32>,
    %mul3A_745 = vector.broadcast %reduce_sum3A_43 : f32 to vector<16xf32>
    %mul3A_746 = arith.mulf %gather3A_744, %mul3A_745 : vector<16xf32>
    %swap3A_747 = arith.constant 7 : i32
    %swap3A_748 = arith.index_cast %swap3A_747 : i32 to index
    %swap3A_749 = arith.constant 96 : index
    %swap3A_750 = tpu.vector_load %arg8[%swap3A_748, %swap3A_749] {strides = array<i32>} : memref<16x128xf32, #tpu.memory_space<vmem>>, vector<16xf32>,
    tpu.vector_store %arg8[%swap3A_748, %swap3A_749], %mul3A_746 {strides = array<i32>} : memref<16x128xf32, #tpu.memory_space<vmem>>, vector<16xf32>,
    %add3A_751 = arith.constant 240 : i32
    %add3A_752 = vector.broadcast %add3A_751 : i32 to vector<16xi32>
    %add3A_753 = arith.addi %iota3A, %add3A_752 : vector<16xi32>
    %gather3A_754 = tpu.vector_load_idx %arg7[%add3A_753, %add3A_78] : memref<256x128xf32, #tpu.memory_space<vmem>>[vector<16xi32>, vector<16xi32>], vector<16xf32>,
    %mul3A_755 = vector.broadcast %reduce_sum3A_43 : f32 to vector<16xf32>
    %mul3A_756 = arith.mulf %gather3A_754, %mul3A_755 : vector<16xf32>
    %swap3A_757 = arith.constant 7 : i32
    %swap3A_758 = arith.index_cast %swap3A_757 : i32 to index
    %swap3A_759 = arith.constant 112 : index
    %swap3A_760 = tpu.vector_load %arg8[%swap3A_758, %swap3A_759] {strides = array<i32>} : memref<16x128xf32, #tpu.memory_space<vmem>>, vector<16xf32>,
    tpu.vector_store %arg8[%swap3A_758, %swap3A_759], %mul3A_756 {strides = array<i32>} : memref<16x128xf32, #tpu.memory_space<vmem>>, vector<16xf32>,
    %mul3A_761 = arith.constant 128 : i32
    %mul3A_762 = arith.muli %select_n3A_61, %mul3A_761 : i32
    %dma_start3A_763 = arith.constant 1280 : i32
    %dma_start3A_764 = tpu.memref_slice %arg2[%dma_start3A_763, %mul3A_762] : memref<2048x32768xf32, #tpu.memory_space<hbm>> -> memref<256x128xf32, #tpu.memory_space<hbm>>
    %dma_start3A_765 = arith.constant 1280 : i32
    %dma_start3A_766 = tpu.memref_slice %arg2[%dma_start3A_765, %mul3A_762] : memref<2048x32768xf32, #tpu.memory_space<hbm>> -> memref<256x128xf32, #tpu.memory_space<hbm>>
    tpu.enqueue_dma source(%dma_start3A_766 : memref<256x128xf32, #tpu.memory_space<hbm>>) target(%arg7 : memref<256x128xf32, #tpu.memory_space<vmem>>) target_semaphore(%arg12 : memref<!tpu.dma_semaphore, #tpu.memory_space<semaphore_mem>>)
    %dma_wait3A_767 = arith.constant 1024 : i32
    %dma_wait3A_768 = tpu.memref_slice %arg2[%dma_wait3A_767, %mul3A_592] : memref<2048x32768xf32, #tpu.memory_space<hbm>> -> memref<256x128xf32, #tpu.memory_space<hbm>>
    %dma_wait3A_769 = arith.constant 1024 : i32
    %dma_wait3A_770 = tpu.memref_slice %arg2[%dma_wait3A_769, %mul3A_592] : memref<2048x32768xf32, #tpu.memory_space<hbm>> -> memref<256x128xf32, #tpu.memory_space<hbm>>
    tpu.wait_dma2 semaphore(%arg11 : memref<!tpu.dma_semaphore, #tpu.memory_space<semaphore_mem>>) src(%dma_wait3A_770 : memref<256x128xf32, #tpu.memory_space<hbm>>) dst(%arg6 : memref<256x128xf32, #tpu.memory_space<vmem>>)
    %add3A_771 = arith.constant 0 : i32
    %add3A_772 = vector.broadcast %add3A_771 : i32 to vector<16xi32>
    %add3A_773 = arith.addi %iota3A, %add3A_772 : vector<16xi32>
    %gather3A_774 = tpu.vector_load_idx %arg6[%add3A_773, %add3A_78] : memref<256x128xf32, #tpu.memory_space<vmem>>[vector<16xi32>, vector<16xi32>], vector<16xf32>,
    %mul3A_775 = vector.broadcast %reduce_sum3A_43 : f32 to vector<16xf32>
    %mul3A_776 = arith.mulf %gather3A_774, %mul3A_775 : vector<16xf32>
    %swap3A_777 = arith.constant 8 : i32
    %swap3A_778 = arith.index_cast %swap3A_777 : i32 to index
    %swap3A_779 = arith.constant 0 : index
    %swap3A_780 = tpu.vector_load %arg8[%swap3A_778, %swap3A_779] {strides = array<i32>} : memref<16x128xf32, #tpu.memory_space<vmem>>, vector<16xf32>,
    tpu.vector_store %arg8[%swap3A_778, %swap3A_779], %mul3A_776 {strides = array<i32>} : memref<16x128xf32, #tpu.memory_space<vmem>>, vector<16xf32>,
    %add3A_781 = arith.constant 16 : i32
    %add3A_782 = vector.broadcast %add3A_781 : i32 to vector<16xi32>
    %add3A_783 = arith.addi %iota3A, %add3A_782 : vector<16xi32>
    %gather3A_784 = tpu.vector_load_idx %arg6[%add3A_783, %add3A_78] : memref<256x128xf32, #tpu.memory_space<vmem>>[vector<16xi32>, vector<16xi32>], vector<16xf32>,
    %mul3A_785 = vector.broadcast %reduce_sum3A_43 : f32 to vector<16xf32>
    %mul3A_786 = arith.mulf %gather3A_784, %mul3A_785 : vector<16xf32>
    %swap3A_787 = arith.constant 8 : i32
    %swap3A_788 = arith.index_cast %swap3A_787 : i32 to index
    %swap3A_789 = arith.constant 16 : index
    %swap3A_790 = tpu.vector_load %arg8[%swap3A_788, %swap3A_789] {strides = array<i32>} : memref<16x128xf32, #tpu.memory_space<vmem>>, vector<16xf32>,
    tpu.vector_store %arg8[%swap3A_788, %swap3A_789], %mul3A_786 {strides = array<i32>} : memref<16x128xf32, #tpu.memory_space<vmem>>, vector<16xf32>,
    %add3A_791 = arith.constant 32 : i32
    %add3A_792 = vector.broadcast %add3A_791 : i32 to vector<16xi32>
    %add3A_793 = arith.addi %iota3A, %add3A_792 : vector<16xi32>
    %gather3A_794 = tpu.vector_load_idx %arg6[%add3A_793, %add3A_78] : memref<256x128xf32, #tpu.memory_space<vmem>>[vector<16xi32>, vector<16xi32>], vector<16xf32>,
    %mul3A_795 = vector.broadcast %reduce_sum3A_43 : f32 to vector<16xf32>
    %mul3A_796 = arith.mulf %gather3A_794, %mul3A_795 : vector<16xf32>
    %swap3A_797 = arith.constant 8 : i32
    %swap3A_798 = arith.index_cast %swap3A_797 : i32 to index
    %swap3A_799 = arith.constant 32 : index
    %swap3A_800 = tpu.vector_load %arg8[%swap3A_798, %swap3A_799] {strides = array<i32>} : memref<16x128xf32, #tpu.memory_space<vmem>>, vector<16xf32>,
    tpu.vector_store %arg8[%swap3A_798, %swap3A_799], %mul3A_796 {strides = array<i32>} : memref<16x128xf32, #tpu.memory_space<vmem>>, vector<16xf32>,
    %add3A_801 = arith.constant 48 : i32
    %add3A_802 = vector.broadcast %add3A_801 : i32 to vector<16xi32>
    %add3A_803 = arith.addi %iota3A, %add3A_802 : vector<16xi32>
    %gather3A_804 = tpu.vector_load_idx %arg6[%add3A_803, %add3A_78] : memref<256x128xf32, #tpu.memory_space<vmem>>[vector<16xi32>, vector<16xi32>], vector<16xf32>,
    %mul3A_805 = vector.broadcast %reduce_sum3A_43 : f32 to vector<16xf32>
    %mul3A_806 = arith.mulf %gather3A_804, %mul3A_805 : vector<16xf32>
    %swap3A_807 = arith.constant 8 : i32
    %swap3A_808 = arith.index_cast %swap3A_807 : i32 to index
    %swap3A_809 = arith.constant 48 : index
    %swap3A_810 = tpu.vector_load %arg8[%swap3A_808, %swap3A_809] {strides = array<i32>} : memref<16x128xf32, #tpu.memory_space<vmem>>, vector<16xf32>,
    tpu.vector_store %arg8[%swap3A_808, %swap3A_809], %mul3A_806 {strides = array<i32>} : memref<16x128xf32, #tpu.memory_space<vmem>>, vector<16xf32>,
    %add3A_811 = arith.constant 64 : i32
    %add3A_812 = vector.broadcast %add3A_811 : i32 to vector<16xi32>
    %add3A_813 = arith.addi %iota3A, %add3A_812 : vector<16xi32>
    %gather3A_814 = tpu.vector_load_idx %arg6[%add3A_813, %add3A_78] : memref<256x128xf32, #tpu.memory_space<vmem>>[vector<16xi32>, vector<16xi32>], vector<16xf32>,
    %mul3A_815 = vector.broadcast %reduce_sum3A_43 : f32 to vector<16xf32>
    %mul3A_816 = arith.mulf %gather3A_814, %mul3A_815 : vector<16xf32>
    %swap3A_817 = arith.constant 8 : i32
    %swap3A_818 = arith.index_cast %swap3A_817 : i32 to index
    %swap3A_819 = arith.constant 64 : index
    %swap3A_820 = tpu.vector_load %arg8[%swap3A_818, %swap3A_819] {strides = array<i32>} : memref<16x128xf32, #tpu.memory_space<vmem>>, vector<16xf32>,
    tpu.vector_store %arg8[%swap3A_818, %swap3A_819], %mul3A_816 {strides = array<i32>} : memref<16x128xf32, #tpu.memory_space<vmem>>, vector<16xf32>,
    %add3A_821 = arith.constant 80 : i32
    %add3A_822 = vector.broadcast %add3A_821 : i32 to vector<16xi32>
    %add3A_823 = arith.addi %iota3A, %add3A_822 : vector<16xi32>
    %gather3A_824 = tpu.vector_load_idx %arg6[%add3A_823, %add3A_78] : memref<256x128xf32, #tpu.memory_space<vmem>>[vector<16xi32>, vector<16xi32>], vector<16xf32>,
    %mul3A_825 = vector.broadcast %reduce_sum3A_43 : f32 to vector<16xf32>
    %mul3A_826 = arith.mulf %gather3A_824, %mul3A_825 : vector<16xf32>
    %swap3A_827 = arith.constant 8 : i32
    %swap3A_828 = arith.index_cast %swap3A_827 : i32 to index
    %swap3A_829 = arith.constant 80 : index
    %swap3A_830 = tpu.vector_load %arg8[%swap3A_828, %swap3A_829] {strides = array<i32>} : memref<16x128xf32, #tpu.memory_space<vmem>>, vector<16xf32>,
    tpu.vector_store %arg8[%swap3A_828, %swap3A_829], %mul3A_826 {strides = array<i32>} : memref<16x128xf32, #tpu.memory_space<vmem>>, vector<16xf32>,
    %add3A_831 = arith.constant 96 : i32
    %add3A_832 = vector.broadcast %add3A_831 : i32 to vector<16xi32>
    %add3A_833 = arith.addi %iota3A, %add3A_832 : vector<16xi32>
    %gather3A_834 = tpu.vector_load_idx %arg6[%add3A_833, %add3A_78] : memref<256x128xf32, #tpu.memory_space<vmem>>[vector<16xi32>, vector<16xi32>], vector<16xf32>,
    %mul3A_835 = vector.broadcast %reduce_sum3A_43 : f32 to vector<16xf32>
    %mul3A_836 = arith.mulf %gather3A_834, %mul3A_835 : vector<16xf32>
    %swap3A_837 = arith.constant 8 : i32
    %swap3A_838 = arith.index_cast %swap3A_837 : i32 to index
    %swap3A_839 = arith.constant 96 : index
    %swap3A_840 = tpu.vector_load %arg8[%swap3A_838, %swap3A_839] {strides = array<i32>} : memref<16x128xf32, #tpu.memory_space<vmem>>, vector<16xf32>,
    tpu.vector_store %arg8[%swap3A_838, %swap3A_839], %mul3A_836 {strides = array<i32>} : memref<16x128xf32, #tpu.memory_space<vmem>>, vector<16xf32>,
    %add3A_841 = arith.constant 112 : i32
    %add3A_842 = vector.broadcast %add3A_841 : i32 to vector<16xi32>
    %add3A_843 = arith.addi %iota3A, %add3A_842 : vector<16xi32>
    %gather3A_844 = tpu.vector_load_idx %arg6[%add3A_843, %add3A_78] : memref<256x128xf32, #tpu.memory_space<vmem>>[vector<16xi32>, vector<16xi32>], vector<16xf32>,
    %mul3A_845 = vector.broadcast %reduce_sum3A_43 : f32 to vector<16xf32>
    %mul3A_846 = arith.mulf %gather3A_844, %mul3A_845 : vector<16xf32>
    %swap3A_847 = arith.constant 8 : i32
    %swap3A_848 = arith.index_cast %swap3A_847 : i32 to index
    %swap3A_849 = arith.constant 112 : index
    %swap3A_850 = tpu.vector_load %arg8[%swap3A_848, %swap3A_849] {strides = array<i32>} : memref<16x128xf32, #tpu.memory_space<vmem>>, vector<16xf32>,
    tpu.vector_store %arg8[%swap3A_848, %swap3A_849], %mul3A_846 {strides = array<i32>} : memref<16x128xf32, #tpu.memory_space<vmem>>, vector<16xf32>,
    %add3A_851 = arith.constant 128 : i32
    %add3A_852 = vector.broadcast %add3A_851 : i32 to vector<16xi32>
    %add3A_853 = arith.addi %iota3A, %add3A_852 : vector<16xi32>
    %gather3A_854 = tpu.vector_load_idx %arg6[%add3A_853, %add3A_78] : memref<256x128xf32, #tpu.memory_space<vmem>>[vector<16xi32>, vector<16xi32>], vector<16xf32>,
    %mul3A_855 = vector.broadcast %reduce_sum3A_43 : f32 to vector<16xf32>
    %mul3A_856 = arith.mulf %gather3A_854, %mul3A_855 : vector<16xf32>
    %swap3A_857 = arith.constant 9 : i32
    %swap3A_858 = arith.index_cast %swap3A_857 : i32 to index
    %swap3A_859 = arith.constant 0 : index
    %swap3A_860 = tpu.vector_load %arg8[%swap3A_858, %swap3A_859] {strides = array<i32>} : memref<16x128xf32, #tpu.memory_space<vmem>>, vector<16xf32>,
    tpu.vector_store %arg8[%swap3A_858, %swap3A_859], %mul3A_856 {strides = array<i32>} : memref<16x128xf32, #tpu.memory_space<vmem>>, vector<16xf32>,
    %add3A_861 = arith.constant 144 : i32
    %add3A_862 = vector.broadcast %add3A_861 : i32 to vector<16xi32>
    %add3A_863 = arith.addi %iota3A, %add3A_862 : vector<16xi32>
    %gather3A_864 = tpu.vector_load_idx %arg6[%add3A_863, %add3A_78] : memref<256x128xf32, #tpu.memory_space<vmem>>[vector<16xi32>, vector<16xi32>], vector<16xf32>,
    %mul3A_865 = vector.broadcast %reduce_sum3A_43 : f32 to vector<16xf32>
    %mul3A_866 = arith.mulf %gather3A_864, %mul3A_865 : vector<16xf32>
    %swap3A_867 = arith.constant 9 : i32
    %swap3A_868 = arith.index_cast %swap3A_867 : i32 to index
    %swap3A_869 = arith.constant 16 : index
    %swap3A_870 = tpu.vector_load %arg8[%swap3A_868, %swap3A_869] {strides = array<i32>} : memref<16x128xf32, #tpu.memory_space<vmem>>, vector<16xf32>,
    tpu.vector_store %arg8[%swap3A_868, %swap3A_869], %mul3A_866 {strides = array<i32>} : memref<16x128xf32, #tpu.memory_space<vmem>>, vector<16xf32>,
    %add3A_871 = arith.constant 160 : i32
    %add3A_872 = vector.broadcast %add3A_871 : i32 to vector<16xi32>
    %add3A_873 = arith.addi %iota3A, %add3A_872 : vector<16xi32>
    %gather3A_874 = tpu.vector_load_idx %arg6[%add3A_873, %add3A_78] : memref<256x128xf32, #tpu.memory_space<vmem>>[vector<16xi32>, vector<16xi32>], vector<16xf32>,
    %mul3A_875 = vector.broadcast %reduce_sum3A_43 : f32 to vector<16xf32>
    %mul3A_876 = arith.mulf %gather3A_874, %mul3A_875 : vector<16xf32>
    %swap3A_877 = arith.constant 9 : i32
    %swap3A_878 = arith.index_cast %swap3A_877 : i32 to index
    %swap3A_879 = arith.constant 32 : index
    %swap3A_880 = tpu.vector_load %arg8[%swap3A_878, %swap3A_879] {strides = array<i32>} : memref<16x128xf32, #tpu.memory_space<vmem>>, vector<16xf32>,
    tpu.vector_store %arg8[%swap3A_878, %swap3A_879], %mul3A_876 {strides = array<i32>} : memref<16x128xf32, #tpu.memory_space<vmem>>, vector<16xf32>,
    %add3A_881 = arith.constant 176 : i32
    %add3A_882 = vector.broadcast %add3A_881 : i32 to vector<16xi32>
    %add3A_883 = arith.addi %iota3A, %add3A_882 : vector<16xi32>
    %gather3A_884 = tpu.vector_load_idx %arg6[%add3A_883, %add3A_78] : memref<256x128xf32, #tpu.memory_space<vmem>>[vector<16xi32>, vector<16xi32>], vector<16xf32>,
    %mul3A_885 = vector.broadcast %reduce_sum3A_43 : f32 to vector<16xf32>
    %mul3A_886 = arith.mulf %gather3A_884, %mul3A_885 : vector<16xf32>
    %swap3A_887 = arith.constant 9 : i32
    %swap3A_888 = arith.index_cast %swap3A_887 : i32 to index
    %swap3A_889 = arith.constant 48 : index
    %swap3A_890 = tpu.vector_load %arg8[%swap3A_888, %swap3A_889] {strides = array<i32>} : memref<16x128xf32, #tpu.memory_space<vmem>>, vector<16xf32>,
    tpu.vector_store %arg8[%swap3A_888, %swap3A_889], %mul3A_886 {strides = array<i32>} : memref<16x128xf32, #tpu.memory_space<vmem>>, vector<16xf32>,
    %add3A_891 = arith.constant 192 : i32
    %add3A_892 = vector.broadcast %add3A_891 : i32 to vector<16xi32>
    %add3A_893 = arith.addi %iota3A, %add3A_892 : vector<16xi32>
    %gather3A_894 = tpu.vector_load_idx %arg6[%add3A_893, %add3A_78] : memref<256x128xf32, #tpu.memory_space<vmem>>[vector<16xi32>, vector<16xi32>], vector<16xf32>,
    %mul3A_895 = vector.broadcast %reduce_sum3A_43 : f32 to vector<16xf32>
    %mul3A_896 = arith.mulf %gather3A_894, %mul3A_895 : vector<16xf32>
    %swap3A_897 = arith.constant 9 : i32
    %swap3A_898 = arith.index_cast %swap3A_897 : i32 to index
    %swap3A_899 = arith.constant 64 : index
    %swap3A_900 = tpu.vector_load %arg8[%swap3A_898, %swap3A_899] {strides = array<i32>} : memref<16x128xf32, #tpu.memory_space<vmem>>, vector<16xf32>,
    tpu.vector_store %arg8[%swap3A_898, %swap3A_899], %mul3A_896 {strides = array<i32>} : memref<16x128xf32, #tpu.memory_space<vmem>>, vector<16xf32>,
    %add3A_901 = arith.constant 208 : i32
    %add3A_902 = vector.broadcast %add3A_901 : i32 to vector<16xi32>
    %add3A_903 = arith.addi %iota3A, %add3A_902 : vector<16xi32>
    %gather3A_904 = tpu.vector_load_idx %arg6[%add3A_903, %add3A_78] : memref<256x128xf32, #tpu.memory_space<vmem>>[vector<16xi32>, vector<16xi32>], vector<16xf32>,
    %mul3A_905 = vector.broadcast %reduce_sum3A_43 : f32 to vector<16xf32>
    %mul3A_906 = arith.mulf %gather3A_904, %mul3A_905 : vector<16xf32>
    %swap3A_907 = arith.constant 9 : i32
    %swap3A_908 = arith.index_cast %swap3A_907 : i32 to index
    %swap3A_909 = arith.constant 80 : index
    %swap3A_910 = tpu.vector_load %arg8[%swap3A_908, %swap3A_909] {strides = array<i32>} : memref<16x128xf32, #tpu.memory_space<vmem>>, vector<16xf32>,
    tpu.vector_store %arg8[%swap3A_908, %swap3A_909], %mul3A_906 {strides = array<i32>} : memref<16x128xf32, #tpu.memory_space<vmem>>, vector<16xf32>,
    %add3A_911 = arith.constant 224 : i32
    %add3A_912 = vector.broadcast %add3A_911 : i32 to vector<16xi32>
    %add3A_913 = arith.addi %iota3A, %add3A_912 : vector<16xi32>
    %gather3A_914 = tpu.vector_load_idx %arg6[%add3A_913, %add3A_78] : memref<256x128xf32, #tpu.memory_space<vmem>>[vector<16xi32>, vector<16xi32>], vector<16xf32>,
    %mul3A_915 = vector.broadcast %reduce_sum3A_43 : f32 to vector<16xf32>
    %mul3A_916 = arith.mulf %gather3A_914, %mul3A_915 : vector<16xf32>
    %swap3A_917 = arith.constant 9 : i32
    %swap3A_918 = arith.index_cast %swap3A_917 : i32 to index
    %swap3A_919 = arith.constant 96 : index
    %swap3A_920 = tpu.vector_load %arg8[%swap3A_918, %swap3A_919] {strides = array<i32>} : memref<16x128xf32, #tpu.memory_space<vmem>>, vector<16xf32>,
    tpu.vector_store %arg8[%swap3A_918, %swap3A_919], %mul3A_916 {strides = array<i32>} : memref<16x128xf32, #tpu.memory_space<vmem>>, vector<16xf32>,
    %add3A_921 = arith.constant 240 : i32
    %add3A_922 = vector.broadcast %add3A_921 : i32 to vector<16xi32>
    %add3A_923 = arith.addi %iota3A, %add3A_922 : vector<16xi32>
    %gather3A_924 = tpu.vector_load_idx %arg6[%add3A_923, %add3A_78] : memref<256x128xf32, #tpu.memory_space<vmem>>[vector<16xi32>, vector<16xi32>], vector<16xf32>,
    %mul3A_925 = vector.broadcast %reduce_sum3A_43 : f32 to vector<16xf32>
    %mul3A_926 = arith.mulf %gather3A_924, %mul3A_925 : vector<16xf32>
    %swap3A_927 = arith.constant 9 : i32
    %swap3A_928 = arith.index_cast %swap3A_927 : i32 to index
    %swap3A_929 = arith.constant 112 : index
    %swap3A_930 = tpu.vector_load %arg8[%swap3A_928, %swap3A_929] {strides = array<i32>} : memref<16x128xf32, #tpu.memory_space<vmem>>, vector<16xf32>,
    tpu.vector_store %arg8[%swap3A_928, %swap3A_929], %mul3A_926 {strides = array<i32>} : memref<16x128xf32, #tpu.memory_space<vmem>>, vector<16xf32>,
    %mul3A_931 = arith.constant 128 : i32
    %mul3A_932 = arith.muli %select_n3A_61, %mul3A_931 : i32
    %dma_start3A_933 = arith.constant 1536 : i32
    %dma_start3A_934 = tpu.memref_slice %arg2[%dma_start3A_933, %mul3A_932] : memref<2048x32768xf32, #tpu.memory_space<hbm>> -> memref<256x128xf32, #tpu.memory_space<hbm>>
    %dma_start3A_935 = arith.constant 1536 : i32
    %dma_start3A_936 = tpu.memref_slice %arg2[%dma_start3A_935, %mul3A_932] : memref<2048x32768xf32, #tpu.memory_space<hbm>> -> memref<256x128xf32, #tpu.memory_space<hbm>>
    tpu.enqueue_dma source(%dma_start3A_936 : memref<256x128xf32, #tpu.memory_space<hbm>>) target(%arg6 : memref<256x128xf32, #tpu.memory_space<vmem>>) target_semaphore(%arg11 : memref<!tpu.dma_semaphore, #tpu.memory_space<semaphore_mem>>)
    %dma_wait3A_937 = arith.constant 1280 : i32
    %dma_wait3A_938 = tpu.memref_slice %arg2[%dma_wait3A_937, %mul3A_762] : memref<2048x32768xf32, #tpu.memory_space<hbm>> -> memref<256x128xf32, #tpu.memory_space<hbm>>
    %dma_wait3A_939 = arith.constant 1280 : i32
    %dma_wait3A_940 = tpu.memref_slice %arg2[%dma_wait3A_939, %mul3A_762] : memref<2048x32768xf32, #tpu.memory_space<hbm>> -> memref<256x128xf32, #tpu.memory_space<hbm>>
    tpu.wait_dma2 semaphore(%arg12 : memref<!tpu.dma_semaphore, #tpu.memory_space<semaphore_mem>>) src(%dma_wait3A_940 : memref<256x128xf32, #tpu.memory_space<hbm>>) dst(%arg7 : memref<256x128xf32, #tpu.memory_space<vmem>>)
    %add3A_941 = arith.constant 0 : i32
    %add3A_942 = vector.broadcast %add3A_941 : i32 to vector<16xi32>
    %add3A_943 = arith.addi %iota3A, %add3A_942 : vector<16xi32>
    %gather3A_944 = tpu.vector_load_idx %arg7[%add3A_943, %add3A_78] : memref<256x128xf32, #tpu.memory_space<vmem>>[vector<16xi32>, vector<16xi32>], vector<16xf32>,
    %mul3A_945 = vector.broadcast %reduce_sum3A_43 : f32 to vector<16xf32>
    %mul3A_946 = arith.mulf %gather3A_944, %mul3A_945 : vector<16xf32>
    %swap3A_947 = arith.constant 10 : i32
    %swap3A_948 = arith.index_cast %swap3A_947 : i32 to index
    %swap3A_949 = arith.constant 0 : index
    %swap3A_950 = tpu.vector_load %arg8[%swap3A_948, %swap3A_949] {strides = array<i32>} : memref<16x128xf32, #tpu.memory_space<vmem>>, vector<16xf32>,
    tpu.vector_store %arg8[%swap3A_948, %swap3A_949], %mul3A_946 {strides = array<i32>} : memref<16x128xf32, #tpu.memory_space<vmem>>, vector<16xf32>,
    %add3A_951 = arith.constant 16 : i32
    %add3A_952 = vector.broadcast %add3A_951 : i32 to vector<16xi32>
    %add3A_953 = arith.addi %iota3A, %add3A_952 : vector<16xi32>
    %gather3A_954 = tpu.vector_load_idx %arg7[%add3A_953, %add3A_78] : memref<256x128xf32, #tpu.memory_space<vmem>>[vector<16xi32>, vector<16xi32>], vector<16xf32>,
    %mul3A_955 = vector.broadcast %reduce_sum3A_43 : f32 to vector<16xf32>
    %mul3A_956 = arith.mulf %gather3A_954, %mul3A_955 : vector<16xf32>
    %swap3A_957 = arith.constant 10 : i32
    %swap3A_958 = arith.index_cast %swap3A_957 : i32 to index
    %swap3A_959 = arith.constant 16 : index
    %swap3A_960 = tpu.vector_load %arg8[%swap3A_958, %swap3A_959] {strides = array<i32>} : memref<16x128xf32, #tpu.memory_space<vmem>>, vector<16xf32>,
    tpu.vector_store %arg8[%swap3A_958, %swap3A_959], %mul3A_956 {strides = array<i32>} : memref<16x128xf32, #tpu.memory_space<vmem>>, vector<16xf32>,
    %add3A_961 = arith.constant 32 : i32
    %add3A_962 = vector.broadcast %add3A_961 : i32 to vector<16xi32>
    %add3A_963 = arith.addi %iota3A, %add3A_962 : vector<16xi32>
    %gather3A_964 = tpu.vector_load_idx %arg7[%add3A_963, %add3A_78] : memref<256x128xf32, #tpu.memory_space<vmem>>[vector<16xi32>, vector<16xi32>], vector<16xf32>,
    %mul3A_965 = vector.broadcast %reduce_sum3A_43 : f32 to vector<16xf32>
    %mul3A_966 = arith.mulf %gather3A_964, %mul3A_965 : vector<16xf32>
    %swap3A_967 = arith.constant 10 : i32
    %swap3A_968 = arith.index_cast %swap3A_967 : i32 to index
    %swap3A_969 = arith.constant 32 : index
    %swap3A_970 = tpu.vector_load %arg8[%swap3A_968, %swap3A_969] {strides = array<i32>} : memref<16x128xf32, #tpu.memory_space<vmem>>, vector<16xf32>,
    tpu.vector_store %arg8[%swap3A_968, %swap3A_969], %mul3A_966 {strides = array<i32>} : memref<16x128xf32, #tpu.memory_space<vmem>>, vector<16xf32>,
    %add3A_971 = arith.constant 48 : i32
    %add3A_972 = vector.broadcast %add3A_971 : i32 to vector<16xi32>
    %add3A_973 = arith.addi %iota3A, %add3A_972 : vector<16xi32>
    %gather3A_974 = tpu.vector_load_idx %arg7[%add3A_973, %add3A_78] : memref<256x128xf32, #tpu.memory_space<vmem>>[vector<16xi32>, vector<16xi32>], vector<16xf32>,
    %mul3A_975 = vector.broadcast %reduce_sum3A_43 : f32 to vector<16xf32>
    %mul3A_976 = arith.mulf %gather3A_974, %mul3A_975 : vector<16xf32>
    %swap3A_977 = arith.constant 10 : i32
    %swap3A_978 = arith.index_cast %swap3A_977 : i32 to index
    %swap3A_979 = arith.constant 48 : index
    %swap3A_980 = tpu.vector_load %arg8[%swap3A_978, %swap3A_979] {strides = array<i32>} : memref<16x128xf32, #tpu.memory_space<vmem>>, vector<16xf32>,
    tpu.vector_store %arg8[%swap3A_978, %swap3A_979], %mul3A_976 {strides = array<i32>} : memref<16x128xf32, #tpu.memory_space<vmem>>, vector<16xf32>,
    %add3A_981 = arith.constant 64 : i32
    %add3A_982 = vector.broadcast %add3A_981 : i32 to vector<16xi32>
    %add3A_983 = arith.addi %iota3A, %add3A_982 : vector<16xi32>
    %gather3A_984 = tpu.vector_load_idx %arg7[%add3A_983, %add3A_78] : memref<256x128xf32, #tpu.memory_space<vmem>>[vector<16xi32>, vector<16xi32>], vector<16xf32>,
    %mul3A_985 = vector.broadcast %reduce_sum3A_43 : f32 to vector<16xf32>
    %mul3A_986 = arith.mulf %gather3A_984, %mul3A_985 : vector<16xf32>
    %swap3A_987 = arith.constant 10 : i32
    %swap3A_988 = arith.index_cast %swap3A_987 : i32 to index
    %swap3A_989 = arith.constant 64 : index
    %swap3A_990 = tpu.vector_load %arg8[%swap3A_988, %swap3A_989] {strides = array<i32>} : memref<16x128xf32, #tpu.memory_space<vmem>>, vector<16xf32>,
    tpu.vector_store %arg8[%swap3A_988, %swap3A_989], %mul3A_986 {strides = array<i32>} : memref<16x128xf32, #tpu.memory_space<vmem>>, vector<16xf32>,
    %add3A_991 = arith.constant 80 : i32
    %add3A_992 = vector.broadcast %add3A_991 : i32 to vector<16xi32>
    %add3A_993 = arith.addi %iota3A, %add3A_992 : vector<16xi32>
    %gather3A_994 = tpu.vector_load_idx %arg7[%add3A_993, %add3A_78] : memref<256x128xf32, #tpu.memory_space<vmem>>[vector<16xi32>, vector<16xi32>], vector<16xf32>,
    %mul3A_995 = vector.broadcast %reduce_sum3A_43 : f32 to vector<16xf32>
    %mul3A_996 = arith.mulf %gather3A_994, %mul3A_995 : vector<16xf32>
    %swap3A_997 = arith.constant 10 : i32
    %swap3A_998 = arith.index_cast %swap3A_997 : i32 to index
    %swap3A_999 = arith.constant 80 : index
    %swap3A_1000 = tpu.vector_load %arg8[%swap3A_998, %swap3A_999] {strides = array<i32>} : memref<16x128xf32, #tpu.memory_space<vmem>>, vector<16xf32>,
    tpu.vector_store %arg8[%swap3A_998, %swap3A_999], %mul3A_996 {strides = array<i32>} : memref<16x128xf32, #tpu.memory_space<vmem>>, vector<16xf32>,
    %add3A_1001 = arith.constant 96 : i32
    %add3A_1002 = vector.broadcast %add3A_1001 : i32 to vector<16xi32>
    %add3A_1003 = arith.addi %iota3A, %add3A_1002 : vector<16xi32>
    %gather3A_1004 = tpu.vector_load_idx %arg7[%add3A_1003, %add3A_78] : memref<256x128xf32, #tpu.memory_space<vmem>>[vector<16xi32>, vector<16xi32>], vector<16xf32>,
    %mul3A_1005 = vector.broadcast %reduce_sum3A_43 : f32 to vector<16xf32>
    %mul3A_1006 = arith.mulf %gather3A_1004, %mul3A_1005 : vector<16xf32>
    %swap3A_1007 = arith.constant 10 : i32
    %swap3A_1008 = arith.index_cast %swap3A_1007 : i32 to index
    %swap3A_1009 = arith.constant 96 : index
    %swap3A_1010 = tpu.vector_load %arg8[%swap3A_1008, %swap3A_1009] {strides = array<i32>} : memref<16x128xf32, #tpu.memory_space<vmem>>, vector<16xf32>,
    tpu.vector_store %arg8[%swap3A_1008, %swap3A_1009], %mul3A_1006 {strides = array<i32>} : memref<16x128xf32, #tpu.memory_space<vmem>>, vector<16xf32>,
    %add3A_1011 = arith.constant 112 : i32
    %add3A_1012 = vector.broadcast %add3A_1011 : i32 to vector<16xi32>
    %add3A_1013 = arith.addi %iota3A, %add3A_1012 : vector<16xi32>
    %gather3A_1014 = tpu.vector_load_idx %arg7[%add3A_1013, %add3A_78] : memref<256x128xf32, #tpu.memory_space<vmem>>[vector<16xi32>, vector<16xi32>], vector<16xf32>,
    %mul3A_1015 = vector.broadcast %reduce_sum3A_43 : f32 to vector<16xf32>
    %mul3A_1016 = arith.mulf %gather3A_1014, %mul3A_1015 : vector<16xf32>
    %swap3A_1017 = arith.constant 10 : i32
    %swap3A_1018 = arith.index_cast %swap3A_1017 : i32 to index
    %swap3A_1019 = arith.constant 112 : index
    %swap3A_1020 = tpu.vector_load %arg8[%swap3A_1018, %swap3A_1019] {strides = array<i32>} : memref<16x128xf32, #tpu.memory_space<vmem>>, vector<16xf32>,
    tpu.vector_store %arg8[%swap3A_1018, %swap3A_1019], %mul3A_1016 {strides = array<i32>} : memref<16x128xf32, #tpu.memory_space<vmem>>, vector<16xf32>,
    %add3A_1021 = arith.constant 128 : i32
    %add3A_1022 = vector.broadcast %add3A_1021 : i32 to vector<16xi32>
    %add3A_1023 = arith.addi %iota3A, %add3A_1022 : vector<16xi32>
    %gather3A_1024 = tpu.vector_load_idx %arg7[%add3A_1023, %add3A_78] : memref<256x128xf32, #tpu.memory_space<vmem>>[vector<16xi32>, vector<16xi32>], vector<16xf32>,
    %mul3A_1025 = vector.broadcast %reduce_sum3A_43 : f32 to vector<16xf32>
    %mul3A_1026 = arith.mulf %gather3A_1024, %mul3A_1025 : vector<16xf32>
    %swap3A_1027 = arith.constant 11 : i32
    %swap3A_1028 = arith.index_cast %swap3A_1027 : i32 to index
    %swap3A_1029 = arith.constant 0 : index
    %swap3A_1030 = tpu.vector_load %arg8[%swap3A_1028, %swap3A_1029] {strides = array<i32>} : memref<16x128xf32, #tpu.memory_space<vmem>>, vector<16xf32>,
    tpu.vector_store %arg8[%swap3A_1028, %swap3A_1029], %mul3A_1026 {strides = array<i32>} : memref<16x128xf32, #tpu.memory_space<vmem>>, vector<16xf32>,
    %add3A_1031 = arith.constant 144 : i32
    %add3A_1032 = vector.broadcast %add3A_1031 : i32 to vector<16xi32>
    %add3A_1033 = arith.addi %iota3A, %add3A_1032 : vector<16xi32>
    %gather3A_1034 = tpu.vector_load_idx %arg7[%add3A_1033, %add3A_78] : memref<256x128xf32, #tpu.memory_space<vmem>>[vector<16xi32>, vector<16xi32>], vector<16xf32>,
    %mul3A_1035 = vector.broadcast %reduce_sum3A_43 : f32 to vector<16xf32>
    %mul3A_1036 = arith.mulf %gather3A_1034, %mul3A_1035 : vector<16xf32>
    %swap3A_1037 = arith.constant 11 : i32
    %swap3A_1038 = arith.index_cast %swap3A_1037 : i32 to index
    %swap3A_1039 = arith.constant 16 : index
    %swap3A_1040 = tpu.vector_load %arg8[%swap3A_1038, %swap3A_1039] {strides = array<i32>} : memref<16x128xf32, #tpu.memory_space<vmem>>, vector<16xf32>,
    tpu.vector_store %arg8[%swap3A_1038, %swap3A_1039], %mul3A_1036 {strides = array<i32>} : memref<16x128xf32, #tpu.memory_space<vmem>>, vector<16xf32>,
    %add3A_1041 = arith.constant 160 : i32
    %add3A_1042 = vector.broadcast %add3A_1041 : i32 to vector<16xi32>
    %add3A_1043 = arith.addi %iota3A, %add3A_1042 : vector<16xi32>
    %gather3A_1044 = tpu.vector_load_idx %arg7[%add3A_1043, %add3A_78] : memref<256x128xf32, #tpu.memory_space<vmem>>[vector<16xi32>, vector<16xi32>], vector<16xf32>,
    %mul3A_1045 = vector.broadcast %reduce_sum3A_43 : f32 to vector<16xf32>
    %mul3A_1046 = arith.mulf %gather3A_1044, %mul3A_1045 : vector<16xf32>
    %swap3A_1047 = arith.constant 11 : i32
    %swap3A_1048 = arith.index_cast %swap3A_1047 : i32 to index
    %swap3A_1049 = arith.constant 32 : index
    %swap3A_1050 = tpu.vector_load %arg8[%swap3A_1048, %swap3A_1049] {strides = array<i32>} : memref<16x128xf32, #tpu.memory_space<vmem>>, vector<16xf32>,
    tpu.vector_store %arg8[%swap3A_1048, %swap3A_1049], %mul3A_1046 {strides = array<i32>} : memref<16x128xf32, #tpu.memory_space<vmem>>, vector<16xf32>,
    %add3A_1051 = arith.constant 176 : i32
    %add3A_1052 = vector.broadcast %add3A_1051 : i32 to vector<16xi32>
    %add3A_1053 = arith.addi %iota3A, %add3A_1052 : vector<16xi32>
    %gather3A_1054 = tpu.vector_load_idx %arg7[%add3A_1053, %add3A_78] : memref<256x128xf32, #tpu.memory_space<vmem>>[vector<16xi32>, vector<16xi32>], vector<16xf32>,
    %mul3A_1055 = vector.broadcast %reduce_sum3A_43 : f32 to vector<16xf32>
    %mul3A_1056 = arith.mulf %gather3A_1054, %mul3A_1055 : vector<16xf32>
    %swap3A_1057 = arith.constant 11 : i32
    %swap3A_1058 = arith.index_cast %swap3A_1057 : i32 to index
    %swap3A_1059 = arith.constant 48 : index
    %swap3A_1060 = tpu.vector_load %arg8[%swap3A_1058, %swap3A_1059] {strides = array<i32>} : memref<16x128xf32, #tpu.memory_space<vmem>>, vector<16xf32>,
    tpu.vector_store %arg8[%swap3A_1058, %swap3A_1059], %mul3A_1056 {strides = array<i32>} : memref<16x128xf32, #tpu.memory_space<vmem>>, vector<16xf32>,
    %add3A_1061 = arith.constant 192 : i32
    %add3A_1062 = vector.broadcast %add3A_1061 : i32 to vector<16xi32>
    %add3A_1063 = arith.addi %iota3A, %add3A_1062 : vector<16xi32>
    %gather3A_1064 = tpu.vector_load_idx %arg7[%add3A_1063, %add3A_78] : memref<256x128xf32, #tpu.memory_space<vmem>>[vector<16xi32>, vector<16xi32>], vector<16xf32>,
    %mul3A_1065 = vector.broadcast %reduce_sum3A_43 : f32 to vector<16xf32>
    %mul3A_1066 = arith.mulf %gather3A_1064, %mul3A_1065 : vector<16xf32>
    %swap3A_1067 = arith.constant 11 : i32
    %swap3A_1068 = arith.index_cast %swap3A_1067 : i32 to index
    %swap3A_1069 = arith.constant 64 : index
    %swap3A_1070 = tpu.vector_load %arg8[%swap3A_1068, %swap3A_1069] {strides = array<i32>} : memref<16x128xf32, #tpu.memory_space<vmem>>, vector<16xf32>,
    tpu.vector_store %arg8[%swap3A_1068, %swap3A_1069], %mul3A_1066 {strides = array<i32>} : memref<16x128xf32, #tpu.memory_space<vmem>>, vector<16xf32>,
    %add3A_1071 = arith.constant 208 : i32
    %add3A_1072 = vector.broadcast %add3A_1071 : i32 to vector<16xi32>
    %add3A_1073 = arith.addi %iota3A, %add3A_1072 : vector<16xi32>
    %gather3A_1074 = tpu.vector_load_idx %arg7[%add3A_1073, %add3A_78] : memref<256x128xf32, #tpu.memory_space<vmem>>[vector<16xi32>, vector<16xi32>], vector<16xf32>,
    %mul3A_1075 = vector.broadcast %reduce_sum3A_43 : f32 to vector<16xf32>
    %mul3A_1076 = arith.mulf %gather3A_1074, %mul3A_1075 : vector<16xf32>
    %swap3A_1077 = arith.constant 11 : i32
    %swap3A_1078 = arith.index_cast %swap3A_1077 : i32 to index
    %swap3A_1079 = arith.constant 80 : index
    %swap3A_1080 = tpu.vector_load %arg8[%swap3A_1078, %swap3A_1079] {strides = array<i32>} : memref<16x128xf32, #tpu.memory_space<vmem>>, vector<16xf32>,
    tpu.vector_store %arg8[%swap3A_1078, %swap3A_1079], %mul3A_1076 {strides = array<i32>} : memref<16x128xf32, #tpu.memory_space<vmem>>, vector<16xf32>,
    %add3A_1081 = arith.constant 224 : i32
    %add3A_1082 = vector.broadcast %add3A_1081 : i32 to vector<16xi32>
    %add3A_1083 = arith.addi %iota3A, %add3A_1082 : vector<16xi32>
    %gather3A_1084 = tpu.vector_load_idx %arg7[%add3A_1083, %add3A_78] : memref<256x128xf32, #tpu.memory_space<vmem>>[vector<16xi32>, vector<16xi32>], vector<16xf32>,
    %mul3A_1085 = vector.broadcast %reduce_sum3A_43 : f32 to vector<16xf32>
    %mul3A_1086 = arith.mulf %gather3A_1084, %mul3A_1085 : vector<16xf32>
    %swap3A_1087 = arith.constant 11 : i32
    %swap3A_1088 = arith.index_cast %swap3A_1087 : i32 to index
    %swap3A_1089 = arith.constant 96 : index
    %swap3A_1090 = tpu.vector_load %arg8[%swap3A_1088, %swap3A_1089] {strides = array<i32>} : memref<16x128xf32, #tpu.memory_space<vmem>>, vector<16xf32>,
    tpu.vector_store %arg8[%swap3A_1088, %swap3A_1089], %mul3A_1086 {strides = array<i32>} : memref<16x128xf32, #tpu.memory_space<vmem>>, vector<16xf32>,
    %add3A_1091 = arith.constant 240 : i32
    %add3A_1092 = vector.broadcast %add3A_1091 : i32 to vector<16xi32>
    %add3A_1093 = arith.addi %iota3A, %add3A_1092 : vector<16xi32>
    %gather3A_1094 = tpu.vector_load_idx %arg7[%add3A_1093, %add3A_78] : memref<256x128xf32, #tpu.memory_space<vmem>>[vector<16xi32>, vector<16xi32>], vector<16xf32>,
    %mul3A_1095 = vector.broadcast %reduce_sum3A_43 : f32 to vector<16xf32>
    %mul3A_1096 = arith.mulf %gather3A_1094, %mul3A_1095 : vector<16xf32>
    %swap3A_1097 = arith.constant 11 : i32
    %swap3A_1098 = arith.index_cast %swap3A_1097 : i32 to index
    %swap3A_1099 = arith.constant 112 : index
    %swap3A_1100 = tpu.vector_load %arg8[%swap3A_1098, %swap3A_1099] {strides = array<i32>} : memref<16x128xf32, #tpu.memory_space<vmem>>, vector<16xf32>,
    tpu.vector_store %arg8[%swap3A_1098, %swap3A_1099], %mul3A_1096 {strides = array<i32>} : memref<16x128xf32, #tpu.memory_space<vmem>>, vector<16xf32>,
    %mul3A_1101 = arith.constant 128 : i32
    %mul3A_1102 = arith.muli %select_n3A_61, %mul3A_1101 : i32
    %dma_start3A_1103 = arith.constant 1792 : i32
    %dma_start3A_1104 = tpu.memref_slice %arg2[%dma_start3A_1103, %mul3A_1102] : memref<2048x32768xf32, #tpu.memory_space<hbm>> -> memref<256x128xf32, #tpu.memory_space<hbm>>
    %dma_start3A_1105 = arith.constant 1792 : i32
    %dma_start3A_1106 = tpu.memref_slice %arg2[%dma_start3A_1105, %mul3A_1102] : memref<2048x32768xf32, #tpu.memory_space<hbm>> -> memref<256x128xf32, #tpu.memory_space<hbm>>
    tpu.enqueue_dma source(%dma_start3A_1106 : memref<256x128xf32, #tpu.memory_space<hbm>>) target(%arg7 : memref<256x128xf32, #tpu.memory_space<vmem>>) target_semaphore(%arg12 : memref<!tpu.dma_semaphore, #tpu.memory_space<semaphore_mem>>)
    %dma_wait3A_1107 = arith.constant 1536 : i32
    %dma_wait3A_1108 = tpu.memref_slice %arg2[%dma_wait3A_1107, %mul3A_932] : memref<2048x32768xf32, #tpu.memory_space<hbm>> -> memref<256x128xf32, #tpu.memory_space<hbm>>
    %dma_wait3A_1109 = arith.constant 1536 : i32
    %dma_wait3A_1110 = tpu.memref_slice %arg2[%dma_wait3A_1109, %mul3A_932] : memref<2048x32768xf32, #tpu.memory_space<hbm>> -> memref<256x128xf32, #tpu.memory_space<hbm>>
    tpu.wait_dma2 semaphore(%arg11 : memref<!tpu.dma_semaphore, #tpu.memory_space<semaphore_mem>>) src(%dma_wait3A_1110 : memref<256x128xf32, #tpu.memory_space<hbm>>) dst(%arg6 : memref<256x128xf32, #tpu.memory_space<vmem>>)
    %add3A_1111 = arith.constant 0 : i32
    %add3A_1112 = vector.broadcast %add3A_1111 : i32 to vector<16xi32>
    %add3A_1113 = arith.addi %iota3A, %add3A_1112 : vector<16xi32>
    %gather3A_1114 = tpu.vector_load_idx %arg6[%add3A_1113, %add3A_78] : memref<256x128xf32, #tpu.memory_space<vmem>>[vector<16xi32>, vector<16xi32>], vector<16xf32>,
    %mul3A_1115 = vector.broadcast %reduce_sum3A_43 : f32 to vector<16xf32>
    %mul3A_1116 = arith.mulf %gather3A_1114, %mul3A_1115 : vector<16xf32>
    %swap3A_1117 = arith.constant 12 : i32
    %swap3A_1118 = arith.index_cast %swap3A_1117 : i32 to index
    %swap3A_1119 = arith.constant 0 : index
    %swap3A_1120 = tpu.vector_load %arg8[%swap3A_1118, %swap3A_1119] {strides = array<i32>} : memref<16x128xf32, #tpu.memory_space<vmem>>, vector<16xf32>,
    tpu.vector_store %arg8[%swap3A_1118, %swap3A_1119], %mul3A_1116 {strides = array<i32>} : memref<16x128xf32, #tpu.memory_space<vmem>>, vector<16xf32>,
    %add3A_1121 = arith.constant 16 : i32
    %add3A_1122 = vector.broadcast %add3A_1121 : i32 to vector<16xi32>
    %add3A_1123 = arith.addi %iota3A, %add3A_1122 : vector<16xi32>
    %gather3A_1124 = tpu.vector_load_idx %arg6[%add3A_1123, %add3A_78] : memref<256x128xf32, #tpu.memory_space<vmem>>[vector<16xi32>, vector<16xi32>], vector<16xf32>,
    %mul3A_1125 = vector.broadcast %reduce_sum3A_43 : f32 to vector<16xf32>
    %mul3A_1126 = arith.mulf %gather3A_1124, %mul3A_1125 : vector<16xf32>
    %swap3A_1127 = arith.constant 12 : i32
    %swap3A_1128 = arith.index_cast %swap3A_1127 : i32 to index
    %swap3A_1129 = arith.constant 16 : index
    %swap3A_1130 = tpu.vector_load %arg8[%swap3A_1128, %swap3A_1129] {strides = array<i32>} : memref<16x128xf32, #tpu.memory_space<vmem>>, vector<16xf32>,
    tpu.vector_store %arg8[%swap3A_1128, %swap3A_1129], %mul3A_1126 {strides = array<i32>} : memref<16x128xf32, #tpu.memory_space<vmem>>, vector<16xf32>,
    %add3A_1131 = arith.constant 32 : i32
    %add3A_1132 = vector.broadcast %add3A_1131 : i32 to vector<16xi32>
    %add3A_1133 = arith.addi %iota3A, %add3A_1132 : vector<16xi32>
    %gather3A_1134 = tpu.vector_load_idx %arg6[%add3A_1133, %add3A_78] : memref<256x128xf32, #tpu.memory_space<vmem>>[vector<16xi32>, vector<16xi32>], vector<16xf32>,
    %mul3A_1135 = vector.broadcast %reduce_sum3A_43 : f32 to vector<16xf32>
    %mul3A_1136 = arith.mulf %gather3A_1134, %mul3A_1135 : vector<16xf32>
    %swap3A_1137 = arith.constant 12 : i32
    %swap3A_1138 = arith.index_cast %swap3A_1137 : i32 to index
    %swap3A_1139 = arith.constant 32 : index
    %swap3A_1140 = tpu.vector_load %arg8[%swap3A_1138, %swap3A_1139] {strides = array<i32>} : memref<16x128xf32, #tpu.memory_space<vmem>>, vector<16xf32>,
    tpu.vector_store %arg8[%swap3A_1138, %swap3A_1139], %mul3A_1136 {strides = array<i32>} : memref<16x128xf32, #tpu.memory_space<vmem>>, vector<16xf32>,
    %add3A_1141 = arith.constant 48 : i32
    %add3A_1142 = vector.broadcast %add3A_1141 : i32 to vector<16xi32>
    %add3A_1143 = arith.addi %iota3A, %add3A_1142 : vector<16xi32>
    %gather3A_1144 = tpu.vector_load_idx %arg6[%add3A_1143, %add3A_78] : memref<256x128xf32, #tpu.memory_space<vmem>>[vector<16xi32>, vector<16xi32>], vector<16xf32>,
    %mul3A_1145 = vector.broadcast %reduce_sum3A_43 : f32 to vector<16xf32>
    %mul3A_1146 = arith.mulf %gather3A_1144, %mul3A_1145 : vector<16xf32>
    %swap3A_1147 = arith.constant 12 : i32
    %swap3A_1148 = arith.index_cast %swap3A_1147 : i32 to index
    %swap3A_1149 = arith.constant 48 : index
    %swap3A_1150 = tpu.vector_load %arg8[%swap3A_1148, %swap3A_1149] {strides = array<i32>} : memref<16x128xf32, #tpu.memory_space<vmem>>, vector<16xf32>,
    tpu.vector_store %arg8[%swap3A_1148, %swap3A_1149], %mul3A_1146 {strides = array<i32>} : memref<16x128xf32, #tpu.memory_space<vmem>>, vector<16xf32>,
    %add3A_1151 = arith.constant 64 : i32
    %add3A_1152 = vector.broadcast %add3A_1151 : i32 to vector<16xi32>
    %add3A_1153 = arith.addi %iota3A, %add3A_1152 : vector<16xi32>
    %gather3A_1154 = tpu.vector_load_idx %arg6[%add3A_1153, %add3A_78] : memref<256x128xf32, #tpu.memory_space<vmem>>[vector<16xi32>, vector<16xi32>], vector<16xf32>,
    %mul3A_1155 = vector.broadcast %reduce_sum3A_43 : f32 to vector<16xf32>
    %mul3A_1156 = arith.mulf %gather3A_1154, %mul3A_1155 : vector<16xf32>
    %swap3A_1157 = arith.constant 12 : i32
    %swap3A_1158 = arith.index_cast %swap3A_1157 : i32 to index
    %swap3A_1159 = arith.constant 64 : index
    %swap3A_1160 = tpu.vector_load %arg8[%swap3A_1158, %swap3A_1159] {strides = array<i32>} : memref<16x128xf32, #tpu.memory_space<vmem>>, vector<16xf32>,
    tpu.vector_store %arg8[%swap3A_1158, %swap3A_1159], %mul3A_1156 {strides = array<i32>} : memref<16x128xf32, #tpu.memory_space<vmem>>, vector<16xf32>,
    %add3A_1161 = arith.constant 80 : i32
    %add3A_1162 = vector.broadcast %add3A_1161 : i32 to vector<16xi32>
    %add3A_1163 = arith.addi %iota3A, %add3A_1162 : vector<16xi32>
    %gather3A_1164 = tpu.vector_load_idx %arg6[%add3A_1163, %add3A_78] : memref<256x128xf32, #tpu.memory_space<vmem>>[vector<16xi32>, vector<16xi32>], vector<16xf32>,
    %mul3A_1165 = vector.broadcast %reduce_sum3A_43 : f32 to vector<16xf32>
    %mul3A_1166 = arith.mulf %gather3A_1164, %mul3A_1165 : vector<16xf32>
    %swap3A_1167 = arith.constant 12 : i32
    %swap3A_1168 = arith.index_cast %swap3A_1167 : i32 to index
    %swap3A_1169 = arith.constant 80 : index
    %swap3A_1170 = tpu.vector_load %arg8[%swap3A_1168, %swap3A_1169] {strides = array<i32>} : memref<16x128xf32, #tpu.memory_space<vmem>>, vector<16xf32>,
    tpu.vector_store %arg8[%swap3A_1168, %swap3A_1169], %mul3A_1166 {strides = array<i32>} : memref<16x128xf32, #tpu.memory_space<vmem>>, vector<16xf32>,
    %add3A_1171 = arith.constant 96 : i32
    %add3A_1172 = vector.broadcast %add3A_1171 : i32 to vector<16xi32>
    %add3A_1173 = arith.addi %iota3A, %add3A_1172 : vector<16xi32>
    %gather3A_1174 = tpu.vector_load_idx %arg6[%add3A_1173, %add3A_78] : memref<256x128xf32, #tpu.memory_space<vmem>>[vector<16xi32>, vector<16xi32>], vector<16xf32>,
    %mul3A_1175 = vector.broadcast %reduce_sum3A_43 : f32 to vector<16xf32>
    %mul3A_1176 = arith.mulf %gather3A_1174, %mul3A_1175 : vector<16xf32>
    %swap3A_1177 = arith.constant 12 : i32
    %swap3A_1178 = arith.index_cast %swap3A_1177 : i32 to index
    %swap3A_1179 = arith.constant 96 : index
    %swap3A_1180 = tpu.vector_load %arg8[%swap3A_1178, %swap3A_1179] {strides = array<i32>} : memref<16x128xf32, #tpu.memory_space<vmem>>, vector<16xf32>,
    tpu.vector_store %arg8[%swap3A_1178, %swap3A_1179], %mul3A_1176 {strides = array<i32>} : memref<16x128xf32, #tpu.memory_space<vmem>>, vector<16xf32>,
    %add3A_1181 = arith.constant 112 : i32
    %add3A_1182 = vector.broadcast %add3A_1181 : i32 to vector<16xi32>
    %add3A_1183 = arith.addi %iota3A, %add3A_1182 : vector<16xi32>
    %gather3A_1184 = tpu.vector_load_idx %arg6[%add3A_1183, %add3A_78] : memref<256x128xf32, #tpu.memory_space<vmem>>[vector<16xi32>, vector<16xi32>], vector<16xf32>,
    %mul3A_1185 = vector.broadcast %reduce_sum3A_43 : f32 to vector<16xf32>
    %mul3A_1186 = arith.mulf %gather3A_1184, %mul3A_1185 : vector<16xf32>
    %swap3A_1187 = arith.constant 12 : i32
    %swap3A_1188 = arith.index_cast %swap3A_1187 : i32 to index
    %swap3A_1189 = arith.constant 112 : index
    %swap3A_1190 = tpu.vector_load %arg8[%swap3A_1188, %swap3A_1189] {strides = array<i32>} : memref<16x128xf32, #tpu.memory_space<vmem>>, vector<16xf32>,
    tpu.vector_store %arg8[%swap3A_1188, %swap3A_1189], %mul3A_1186 {strides = array<i32>} : memref<16x128xf32, #tpu.memory_space<vmem>>, vector<16xf32>,
    %add3A_1191 = arith.constant 128 : i32
    %add3A_1192 = vector.broadcast %add3A_1191 : i32 to vector<16xi32>
    %add3A_1193 = arith.addi %iota3A, %add3A_1192 : vector<16xi32>
    %gather3A_1194 = tpu.vector_load_idx %arg6[%add3A_1193, %add3A_78] : memref<256x128xf32, #tpu.memory_space<vmem>>[vector<16xi32>, vector<16xi32>], vector<16xf32>,
    %mul3A_1195 = vector.broadcast %reduce_sum3A_43 : f32 to vector<16xf32>
    %mul3A_1196 = arith.mulf %gather3A_1194, %mul3A_1195 : vector<16xf32>
    %swap3A_1197 = arith.constant 13 : i32
    %swap3A_1198 = arith.index_cast %swap3A_1197 : i32 to index
    %swap3A_1199 = arith.constant 0 : index
    %swap3A_1200 = tpu.vector_load %arg8[%swap3A_1198, %swap3A_1199] {strides = array<i32>} : memref<16x128xf32, #tpu.memory_space<vmem>>, vector<16xf32>,
    tpu.vector_store %arg8[%swap3A_1198, %swap3A_1199], %mul3A_1196 {strides = array<i32>} : memref<16x128xf32, #tpu.memory_space<vmem>>, vector<16xf32>,
    %add3A_1201 = arith.constant 144 : i32
    %add3A_1202 = vector.broadcast %add3A_1201 : i32 to vector<16xi32>
    %add3A_1203 = arith.addi %iota3A, %add3A_1202 : vector<16xi32>
    %gather3A_1204 = tpu.vector_load_idx %arg6[%add3A_1203, %add3A_78] : memref<256x128xf32, #tpu.memory_space<vmem>>[vector<16xi32>, vector<16xi32>], vector<16xf32>,
    %mul3A_1205 = vector.broadcast %reduce_sum3A_43 : f32 to vector<16xf32>
    %mul3A_1206 = arith.mulf %gather3A_1204, %mul3A_1205 : vector<16xf32>
    %swap3A_1207 = arith.constant 13 : i32
    %swap3A_1208 = arith.index_cast %swap3A_1207 : i32 to index
    %swap3A_1209 = arith.constant 16 : index
    %swap3A_1210 = tpu.vector_load %arg8[%swap3A_1208, %swap3A_1209] {strides = array<i32>} : memref<16x128xf32, #tpu.memory_space<vmem>>, vector<16xf32>,
    tpu.vector_store %arg8[%swap3A_1208, %swap3A_1209], %mul3A_1206 {strides = array<i32>} : memref<16x128xf32, #tpu.memory_space<vmem>>, vector<16xf32>,
    %add3A_1211 = arith.constant 160 : i32
    %add3A_1212 = vector.broadcast %add3A_1211 : i32 to vector<16xi32>
    %add3A_1213 = arith.addi %iota3A, %add3A_1212 : vector<16xi32>
    %gather3A_1214 = tpu.vector_load_idx %arg6[%add3A_1213, %add3A_78] : memref<256x128xf32, #tpu.memory_space<vmem>>[vector<16xi32>, vector<16xi32>], vector<16xf32>,
    %mul3A_1215 = vector.broadcast %reduce_sum3A_43 : f32 to vector<16xf32>
    %mul3A_1216 = arith.mulf %gather3A_1214, %mul3A_1215 : vector<16xf32>
    %swap3A_1217 = arith.constant 13 : i32
    %swap3A_1218 = arith.index_cast %swap3A_1217 : i32 to index
    %swap3A_1219 = arith.constant 32 : index
    %swap3A_1220 = tpu.vector_load %arg8[%swap3A_1218, %swap3A_1219] {strides = array<i32>} : memref<16x128xf32, #tpu.memory_space<vmem>>, vector<16xf32>,
    tpu.vector_store %arg8[%swap3A_1218, %swap3A_1219], %mul3A_1216 {strides = array<i32>} : memref<16x128xf32, #tpu.memory_space<vmem>>, vector<16xf32>,
    %add3A_1221 = arith.constant 176 : i32
    %add3A_1222 = vector.broadcast %add3A_1221 : i32 to vector<16xi32>
    %add3A_1223 = arith.addi %iota3A, %add3A_1222 : vector<16xi32>
    %gather3A_1224 = tpu.vector_load_idx %arg6[%add3A_1223, %add3A_78] : memref<256x128xf32, #tpu.memory_space<vmem>>[vector<16xi32>, vector<16xi32>], vector<16xf32>,
    %mul3A_1225 = vector.broadcast %reduce_sum3A_43 : f32 to vector<16xf32>
    %mul3A_1226 = arith.mulf %gather3A_1224, %mul3A_1225 : vector<16xf32>
    %swap3A_1227 = arith.constant 13 : i32
    %swap3A_1228 = arith.index_cast %swap3A_1227 : i32 to index
    %swap3A_1229 = arith.constant 48 : index
    %swap3A_1230 = tpu.vector_load %arg8[%swap3A_1228, %swap3A_1229] {strides = array<i32>} : memref<16x128xf32, #tpu.memory_space<vmem>>, vector<16xf32>,
    tpu.vector_store %arg8[%swap3A_1228, %swap3A_1229], %mul3A_1226 {strides = array<i32>} : memref<16x128xf32, #tpu.memory_space<vmem>>, vector<16xf32>,
    %add3A_1231 = arith.constant 192 : i32
    %add3A_1232 = vector.broadcast %add3A_1231 : i32 to vector<16xi32>
    %add3A_1233 = arith.addi %iota3A, %add3A_1232 : vector<16xi32>
    %gather3A_1234 = tpu.vector_load_idx %arg6[%add3A_1233, %add3A_78] : memref<256x128xf32, #tpu.memory_space<vmem>>[vector<16xi32>, vector<16xi32>], vector<16xf32>,
    %mul3A_1235 = vector.broadcast %reduce_sum3A_43 : f32 to vector<16xf32>
    %mul3A_1236 = arith.mulf %gather3A_1234, %mul3A_1235 : vector<16xf32>
    %swap3A_1237 = arith.constant 13 : i32
    %swap3A_1238 = arith.index_cast %swap3A_1237 : i32 to index
    %swap3A_1239 = arith.constant 64 : index
    %swap3A_1240 = tpu.vector_load %arg8[%swap3A_1238, %swap3A_1239] {strides = array<i32>} : memref<16x128xf32, #tpu.memory_space<vmem>>, vector<16xf32>,
    tpu.vector_store %arg8[%swap3A_1238, %swap3A_1239], %mul3A_1236 {strides = array<i32>} : memref<16x128xf32, #tpu.memory_space<vmem>>, vector<16xf32>,
    %add3A_1241 = arith.constant 208 : i32
    %add3A_1242 = vector.broadcast %add3A_1241 : i32 to vector<16xi32>
    %add3A_1243 = arith.addi %iota3A, %add3A_1242 : vector<16xi32>
    %gather3A_1244 = tpu.vector_load_idx %arg6[%add3A_1243, %add3A_78] : memref<256x128xf32, #tpu.memory_space<vmem>>[vector<16xi32>, vector<16xi32>], vector<16xf32>,
    %mul3A_1245 = vector.broadcast %reduce_sum3A_43 : f32 to vector<16xf32>
    %mul3A_1246 = arith.mulf %gather3A_1244, %mul3A_1245 : vector<16xf32>
    %swap3A_1247 = arith.constant 13 : i32
    %swap3A_1248 = arith.index_cast %swap3A_1247 : i32 to index
    %swap3A_1249 = arith.constant 80 : index
    %swap3A_1250 = tpu.vector_load %arg8[%swap3A_1248, %swap3A_1249] {strides = array<i32>} : memref<16x128xf32, #tpu.memory_space<vmem>>, vector<16xf32>,
    tpu.vector_store %arg8[%swap3A_1248, %swap3A_1249], %mul3A_1246 {strides = array<i32>} : memref<16x128xf32, #tpu.memory_space<vmem>>, vector<16xf32>,
    %add3A_1251 = arith.constant 224 : i32
    %add3A_1252 = vector.broadcast %add3A_1251 : i32 to vector<16xi32>
    %add3A_1253 = arith.addi %iota3A, %add3A_1252 : vector<16xi32>
    %gather3A_1254 = tpu.vector_load_idx %arg6[%add3A_1253, %add3A_78] : memref<256x128xf32, #tpu.memory_space<vmem>>[vector<16xi32>, vector<16xi32>], vector<16xf32>,
    %mul3A_1255 = vector.broadcast %reduce_sum3A_43 : f32 to vector<16xf32>
    %mul3A_1256 = arith.mulf %gather3A_1254, %mul3A_1255 : vector<16xf32>
    %swap3A_1257 = arith.constant 13 : i32
    %swap3A_1258 = arith.index_cast %swap3A_1257 : i32 to index
    %swap3A_1259 = arith.constant 96 : index
    %swap3A_1260 = tpu.vector_load %arg8[%swap3A_1258, %swap3A_1259] {strides = array<i32>} : memref<16x128xf32, #tpu.memory_space<vmem>>, vector<16xf32>,
    tpu.vector_store %arg8[%swap3A_1258, %swap3A_1259], %mul3A_1256 {strides = array<i32>} : memref<16x128xf32, #tpu.memory_space<vmem>>, vector<16xf32>,
    %add3A_1261 = arith.constant 240 : i32
    %add3A_1262 = vector.broadcast %add3A_1261 : i32 to vector<16xi32>
    %add3A_1263 = arith.addi %iota3A, %add3A_1262 : vector<16xi32>
    %gather3A_1264 = tpu.vector_load_idx %arg6[%add3A_1263, %add3A_78] : memref<256x128xf32, #tpu.memory_space<vmem>>[vector<16xi32>, vector<16xi32>], vector<16xf32>,
    %mul3A_1265 = vector.broadcast %reduce_sum3A_43 : f32 to vector<16xf32>
    %mul3A_1266 = arith.mulf %gather3A_1264, %mul3A_1265 : vector<16xf32>
    %swap3A_1267 = arith.constant 13 : i32
    %swap3A_1268 = arith.index_cast %swap3A_1267 : i32 to index
    %swap3A_1269 = arith.constant 112 : index
    %swap3A_1270 = tpu.vector_load %arg8[%swap3A_1268, %swap3A_1269] {strides = array<i32>} : memref<16x128xf32, #tpu.memory_space<vmem>>, vector<16xf32>,
    tpu.vector_store %arg8[%swap3A_1268, %swap3A_1269], %mul3A_1266 {strides = array<i32>} : memref<16x128xf32, #tpu.memory_space<vmem>>, vector<16xf32>,
    %dma_wait3A_1271 = arith.constant 1792 : i32
    %dma_wait3A_1272 = tpu.memref_slice %arg2[%dma_wait3A_1271, %mul3A_1102] : memref<2048x32768xf32, #tpu.memory_space<hbm>> -> memref<256x128xf32, #tpu.memory_space<hbm>>
    %dma_wait3A_1273 = arith.constant 1792 : i32
    %dma_wait3A_1274 = tpu.memref_slice %arg2[%dma_wait3A_1273, %mul3A_1102] : memref<2048x32768xf32, #tpu.memory_space<hbm>> -> memref<256x128xf32, #tpu.memory_space<hbm>>
    tpu.wait_dma2 semaphore(%arg12 : memref<!tpu.dma_semaphore, #tpu.memory_space<semaphore_mem>>) src(%dma_wait3A_1274 : memref<256x128xf32, #tpu.memory_space<hbm>>) dst(%arg7 : memref<256x128xf32, #tpu.memory_space<vmem>>)
    %add3A_1275 = arith.constant 0 : i32
    %add3A_1276 = vector.broadcast %add3A_1275 : i32 to vector<16xi32>
    %add3A_1277 = arith.addi %iota3A, %add3A_1276 : vector<16xi32>
    %gather3A_1278 = tpu.vector_load_idx %arg7[%add3A_1277, %add3A_78] : memref<256x128xf32, #tpu.memory_space<vmem>>[vector<16xi32>, vector<16xi32>], vector<16xf32>,
    %mul3A_1279 = vector.broadcast %reduce_sum3A_43 : f32 to vector<16xf32>
    %mul3A_1280 = arith.mulf %gather3A_1278, %mul3A_1279 : vector<16xf32>
    %swap3A_1281 = arith.constant 14 : i32
    %swap3A_1282 = arith.index_cast %swap3A_1281 : i32 to index
    %swap3A_1283 = arith.constant 0 : index
    %swap3A_1284 = tpu.vector_load %arg8[%swap3A_1282, %swap3A_1283] {strides = array<i32>} : memref<16x128xf32, #tpu.memory_space<vmem>>, vector<16xf32>,
    tpu.vector_store %arg8[%swap3A_1282, %swap3A_1283], %mul3A_1280 {strides = array<i32>} : memref<16x128xf32, #tpu.memory_space<vmem>>, vector<16xf32>,
    %add3A_1285 = arith.constant 16 : i32
    %add3A_1286 = vector.broadcast %add3A_1285 : i32 to vector<16xi32>
    %add3A_1287 = arith.addi %iota3A, %add3A_1286 : vector<16xi32>
    %gather3A_1288 = tpu.vector_load_idx %arg7[%add3A_1287, %add3A_78] : memref<256x128xf32, #tpu.memory_space<vmem>>[vector<16xi32>, vector<16xi32>], vector<16xf32>,
    %mul3A_1289 = vector.broadcast %reduce_sum3A_43 : f32 to vector<16xf32>
    %mul3A_1290 = arith.mulf %gather3A_1288, %mul3A_1289 : vector<16xf32>
    %swap3A_1291 = arith.constant 14 : i32
    %swap3A_1292 = arith.index_cast %swap3A_1291 : i32 to index
    %swap3A_1293 = arith.constant 16 : index
    %swap3A_1294 = tpu.vector_load %arg8[%swap3A_1292, %swap3A_1293] {strides = array<i32>} : memref<16x128xf32, #tpu.memory_space<vmem>>, vector<16xf32>,
    tpu.vector_store %arg8[%swap3A_1292, %swap3A_1293], %mul3A_1290 {strides = array<i32>} : memref<16x128xf32, #tpu.memory_space<vmem>>, vector<16xf32>,
    %add3A_1295 = arith.constant 32 : i32
    %add3A_1296 = vector.broadcast %add3A_1295 : i32 to vector<16xi32>
    %add3A_1297 = arith.addi %iota3A, %add3A_1296 : vector<16xi32>
    %gather3A_1298 = tpu.vector_load_idx %arg7[%add3A_1297, %add3A_78] : memref<256x128xf32, #tpu.memory_space<vmem>>[vector<16xi32>, vector<16xi32>], vector<16xf32>,
    %mul3A_1299 = vector.broadcast %reduce_sum3A_43 : f32 to vector<16xf32>
    %mul3A_1300 = arith.mulf %gather3A_1298, %mul3A_1299 : vector<16xf32>
    %swap3A_1301 = arith.constant 14 : i32
    %swap3A_1302 = arith.index_cast %swap3A_1301 : i32 to index
    %swap3A_1303 = arith.constant 32 : index
    %swap3A_1304 = tpu.vector_load %arg8[%swap3A_1302, %swap3A_1303] {strides = array<i32>} : memref<16x128xf32, #tpu.memory_space<vmem>>, vector<16xf32>,
    tpu.vector_store %arg8[%swap3A_1302, %swap3A_1303], %mul3A_1300 {strides = array<i32>} : memref<16x128xf32, #tpu.memory_space<vmem>>, vector<16xf32>,
    %add3A_1305 = arith.constant 48 : i32
    %add3A_1306 = vector.broadcast %add3A_1305 : i32 to vector<16xi32>
    %add3A_1307 = arith.addi %iota3A, %add3A_1306 : vector<16xi32>
    %gather3A_1308 = tpu.vector_load_idx %arg7[%add3A_1307, %add3A_78] : memref<256x128xf32, #tpu.memory_space<vmem>>[vector<16xi32>, vector<16xi32>], vector<16xf32>,
    %mul3A_1309 = vector.broadcast %reduce_sum3A_43 : f32 to vector<16xf32>
    %mul3A_1310 = arith.mulf %gather3A_1308, %mul3A_1309 : vector<16xf32>
    %swap3A_1311 = arith.constant 14 : i32
    %swap3A_1312 = arith.index_cast %swap3A_1311 : i32 to index
    %swap3A_1313 = arith.constant 48 : index
    %swap3A_1314 = tpu.vector_load %arg8[%swap3A_1312, %swap3A_1313] {strides = array<i32>} : memref<16x128xf32, #tpu.memory_space<vmem>>, vector<16xf32>,
    tpu.vector_store %arg8[%swap3A_1312, %swap3A_1313], %mul3A_1310 {strides = array<i32>} : memref<16x128xf32, #tpu.memory_space<vmem>>, vector<16xf32>,
    %add3A_1315 = arith.constant 64 : i32
    %add3A_1316 = vector.broadcast %add3A_1315 : i32 to vector<16xi32>
    %add3A_1317 = arith.addi %iota3A, %add3A_1316 : vector<16xi32>
    %gather3A_1318 = tpu.vector_load_idx %arg7[%add3A_1317, %add3A_78] : memref<256x128xf32, #tpu.memory_space<vmem>>[vector<16xi32>, vector<16xi32>], vector<16xf32>,
    %mul3A_1319 = vector.broadcast %reduce_sum3A_43 : f32 to vector<16xf32>
    %mul3A_1320 = arith.mulf %gather3A_1318, %mul3A_1319 : vector<16xf32>
    %swap3A_1321 = arith.constant 14 : i32
    %swap3A_1322 = arith.index_cast %swap3A_1321 : i32 to index
    %swap3A_1323 = arith.constant 64 : index
    %swap3A_1324 = tpu.vector_load %arg8[%swap3A_1322, %swap3A_1323] {strides = array<i32>} : memref<16x128xf32, #tpu.memory_space<vmem>>, vector<16xf32>,
    tpu.vector_store %arg8[%swap3A_1322, %swap3A_1323], %mul3A_1320 {strides = array<i32>} : memref<16x128xf32, #tpu.memory_space<vmem>>, vector<16xf32>,
    %add3A_1325 = arith.constant 80 : i32
    %add3A_1326 = vector.broadcast %add3A_1325 : i32 to vector<16xi32>
    %add3A_1327 = arith.addi %iota3A, %add3A_1326 : vector<16xi32>
    %gather3A_1328 = tpu.vector_load_idx %arg7[%add3A_1327, %add3A_78] : memref<256x128xf32, #tpu.memory_space<vmem>>[vector<16xi32>, vector<16xi32>], vector<16xf32>,
    %mul3A_1329 = vector.broadcast %reduce_sum3A_43 : f32 to vector<16xf32>
    %mul3A_1330 = arith.mulf %gather3A_1328, %mul3A_1329 : vector<16xf32>
    %swap3A_1331 = arith.constant 14 : i32
    %swap3A_1332 = arith.index_cast %swap3A_1331 : i32 to index
    %swap3A_1333 = arith.constant 80 : index
    %swap3A_1334 = tpu.vector_load %arg8[%swap3A_1332, %swap3A_1333] {strides = array<i32>} : memref<16x128xf32, #tpu.memory_space<vmem>>, vector<16xf32>,
    tpu.vector_store %arg8[%swap3A_1332, %swap3A_1333], %mul3A_1330 {strides = array<i32>} : memref<16x128xf32, #tpu.memory_space<vmem>>, vector<16xf32>,
    %add3A_1335 = arith.constant 96 : i32
    %add3A_1336 = vector.broadcast %add3A_1335 : i32 to vector<16xi32>
    %add3A_1337 = arith.addi %iota3A, %add3A_1336 : vector<16xi32>
    %gather3A_1338 = tpu.vector_load_idx %arg7[%add3A_1337, %add3A_78] : memref<256x128xf32, #tpu.memory_space<vmem>>[vector<16xi32>, vector<16xi32>], vector<16xf32>,
    %mul3A_1339 = vector.broadcast %reduce_sum3A_43 : f32 to vector<16xf32>
    %mul3A_1340 = arith.mulf %gather3A_1338, %mul3A_1339 : vector<16xf32>
    %swap3A_1341 = arith.constant 14 : i32
    %swap3A_1342 = arith.index_cast %swap3A_1341 : i32 to index
    %swap3A_1343 = arith.constant 96 : index
    %swap3A_1344 = tpu.vector_load %arg8[%swap3A_1342, %swap3A_1343] {strides = array<i32>} : memref<16x128xf32, #tpu.memory_space<vmem>>, vector<16xf32>,
    tpu.vector_store %arg8[%swap3A_1342, %swap3A_1343], %mul3A_1340 {strides = array<i32>} : memref<16x128xf32, #tpu.memory_space<vmem>>, vector<16xf32>,
    %add3A_1345 = arith.constant 112 : i32
    %add3A_1346 = vector.broadcast %add3A_1345 : i32 to vector<16xi32>
    %add3A_1347 = arith.addi %iota3A, %add3A_1346 : vector<16xi32>
    %gather3A_1348 = tpu.vector_load_idx %arg7[%add3A_1347, %add3A_78] : memref<256x128xf32, #tpu.memory_space<vmem>>[vector<16xi32>, vector<16xi32>], vector<16xf32>,
    %mul3A_1349 = vector.broadcast %reduce_sum3A_43 : f32 to vector<16xf32>
    %mul3A_1350 = arith.mulf %gather3A_1348, %mul3A_1349 : vector<16xf32>
    %swap3A_1351 = arith.constant 14 : i32
    %swap3A_1352 = arith.index_cast %swap3A_1351 : i32 to index
    %swap3A_1353 = arith.constant 112 : index
    %swap3A_1354 = tpu.vector_load %arg8[%swap3A_1352, %swap3A_1353] {strides = array<i32>} : memref<16x128xf32, #tpu.memory_space<vmem>>, vector<16xf32>,
    tpu.vector_store %arg8[%swap3A_1352, %swap3A_1353], %mul3A_1350 {strides = array<i32>} : memref<16x128xf32, #tpu.memory_space<vmem>>, vector<16xf32>,
    %add3A_1355 = arith.constant 128 : i32
    %add3A_1356 = vector.broadcast %add3A_1355 : i32 to vector<16xi32>
    %add3A_1357 = arith.addi %iota3A, %add3A_1356 : vector<16xi32>
    %gather3A_1358 = tpu.vector_load_idx %arg7[%add3A_1357, %add3A_78] : memref<256x128xf32, #tpu.memory_space<vmem>>[vector<16xi32>, vector<16xi32>], vector<16xf32>,
    %mul3A_1359 = vector.broadcast %reduce_sum3A_43 : f32 to vector<16xf32>
    %mul3A_1360 = arith.mulf %gather3A_1358, %mul3A_1359 : vector<16xf32>
    %swap3A_1361 = arith.constant 15 : i32
    %swap3A_1362 = arith.index_cast %swap3A_1361 : i32 to index
    %swap3A_1363 = arith.constant 0 : index
    %swap3A_1364 = tpu.vector_load %arg8[%swap3A_1362, %swap3A_1363] {strides = array<i32>} : memref<16x128xf32, #tpu.memory_space<vmem>>, vector<16xf32>,
    tpu.vector_store %arg8[%swap3A_1362, %swap3A_1363], %mul3A_1360 {strides = array<i32>} : memref<16x128xf32, #tpu.memory_space<vmem>>, vector<16xf32>,
    %add3A_1365 = arith.constant 144 : i32
    %add3A_1366 = vector.broadcast %add3A_1365 : i32 to vector<16xi32>
    %add3A_1367 = arith.addi %iota3A, %add3A_1366 : vector<16xi32>
    %gather3A_1368 = tpu.vector_load_idx %arg7[%add3A_1367, %add3A_78] : memref<256x128xf32, #tpu.memory_space<vmem>>[vector<16xi32>, vector<16xi32>], vector<16xf32>,
    %mul3A_1369 = vector.broadcast %reduce_sum3A_43 : f32 to vector<16xf32>
    %mul3A_1370 = arith.mulf %gather3A_1368, %mul3A_1369 : vector<16xf32>
    %swap3A_1371 = arith.constant 15 : i32
    %swap3A_1372 = arith.index_cast %swap3A_1371 : i32 to index
    %swap3A_1373 = arith.constant 16 : index
    %swap3A_1374 = tpu.vector_load %arg8[%swap3A_1372, %swap3A_1373] {strides = array<i32>} : memref<16x128xf32, #tpu.memory_space<vmem>>, vector<16xf32>,
    tpu.vector_store %arg8[%swap3A_1372, %swap3A_1373], %mul3A_1370 {strides = array<i32>} : memref<16x128xf32, #tpu.memory_space<vmem>>, vector<16xf32>,
    %add3A_1375 = arith.constant 160 : i32
    %add3A_1376 = vector.broadcast %add3A_1375 : i32 to vector<16xi32>
    %add3A_1377 = arith.addi %iota3A, %add3A_1376 : vector<16xi32>
    %gather3A_1378 = tpu.vector_load_idx %arg7[%add3A_1377, %add3A_78] : memref<256x128xf32, #tpu.memory_space<vmem>>[vector<16xi32>, vector<16xi32>], vector<16xf32>,
    %mul3A_1379 = vector.broadcast %reduce_sum3A_43 : f32 to vector<16xf32>
    %mul3A_1380 = arith.mulf %gather3A_1378, %mul3A_1379 : vector<16xf32>
    %swap3A_1381 = arith.constant 15 : i32
    %swap3A_1382 = arith.index_cast %swap3A_1381 : i32 to index
    %swap3A_1383 = arith.constant 32 : index
    %swap3A_1384 = tpu.vector_load %arg8[%swap3A_1382, %swap3A_1383] {strides = array<i32>} : memref<16x128xf32, #tpu.memory_space<vmem>>, vector<16xf32>,
    tpu.vector_store %arg8[%swap3A_1382, %swap3A_1383], %mul3A_1380 {strides = array<i32>} : memref<16x128xf32, #tpu.memory_space<vmem>>, vector<16xf32>,
    %add3A_1385 = arith.constant 176 : i32
    %add3A_1386 = vector.broadcast %add3A_1385 : i32 to vector<16xi32>
    %add3A_1387 = arith.addi %iota3A, %add3A_1386 : vector<16xi32>
    %gather3A_1388 = tpu.vector_load_idx %arg7[%add3A_1387, %add3A_78] : memref<256x128xf32, #tpu.memory_space<vmem>>[vector<16xi32>, vector<16xi32>], vector<16xf32>,
    %mul3A_1389 = vector.broadcast %reduce_sum3A_43 : f32 to vector<16xf32>
    %mul3A_1390 = arith.mulf %gather3A_1388, %mul3A_1389 : vector<16xf32>
    %swap3A_1391 = arith.constant 15 : i32
    %swap3A_1392 = arith.index_cast %swap3A_1391 : i32 to index
    %swap3A_1393 = arith.constant 48 : index
    %swap3A_1394 = tpu.vector_load %arg8[%swap3A_1392, %swap3A_1393] {strides = array<i32>} : memref<16x128xf32, #tpu.memory_space<vmem>>, vector<16xf32>,
    tpu.vector_store %arg8[%swap3A_1392, %swap3A_1393], %mul3A_1390 {strides = array<i32>} : memref<16x128xf32, #tpu.memory_space<vmem>>, vector<16xf32>,
    %add3A_1395 = arith.constant 192 : i32
    %add3A_1396 = vector.broadcast %add3A_1395 : i32 to vector<16xi32>
    %add3A_1397 = arith.addi %iota3A, %add3A_1396 : vector<16xi32>
    %gather3A_1398 = tpu.vector_load_idx %arg7[%add3A_1397, %add3A_78] : memref<256x128xf32, #tpu.memory_space<vmem>>[vector<16xi32>, vector<16xi32>], vector<16xf32>,
    %mul3A_1399 = vector.broadcast %reduce_sum3A_43 : f32 to vector<16xf32>
    %mul3A_1400 = arith.mulf %gather3A_1398, %mul3A_1399 : vector<16xf32>
    %swap3A_1401 = arith.constant 15 : i32
    %swap3A_1402 = arith.index_cast %swap3A_1401 : i32 to index
    %swap3A_1403 = arith.constant 64 : index
    %swap3A_1404 = tpu.vector_load %arg8[%swap3A_1402, %swap3A_1403] {strides = array<i32>} : memref<16x128xf32, #tpu.memory_space<vmem>>, vector<16xf32>,
    tpu.vector_store %arg8[%swap3A_1402, %swap3A_1403], %mul3A_1400 {strides = array<i32>} : memref<16x128xf32, #tpu.memory_space<vmem>>, vector<16xf32>,
    %add3A_1405 = arith.constant 208 : i32
    %add3A_1406 = vector.broadcast %add3A_1405 : i32 to vector<16xi32>
    %add3A_1407 = arith.addi %iota3A, %add3A_1406 : vector<16xi32>
    %gather3A_1408 = tpu.vector_load_idx %arg7[%add3A_1407, %add3A_78] : memref<256x128xf32, #tpu.memory_space<vmem>>[vector<16xi32>, vector<16xi32>], vector<16xf32>,
    %mul3A_1409 = vector.broadcast %reduce_sum3A_43 : f32 to vector<16xf32>
    %mul3A_1410 = arith.mulf %gather3A_1408, %mul3A_1409 : vector<16xf32>
    %swap3A_1411 = arith.constant 15 : i32
    %swap3A_1412 = arith.index_cast %swap3A_1411 : i32 to index
    %swap3A_1413 = arith.constant 80 : index
    %swap3A_1414 = tpu.vector_load %arg8[%swap3A_1412, %swap3A_1413] {strides = array<i32>} : memref<16x128xf32, #tpu.memory_space<vmem>>, vector<16xf32>,
    tpu.vector_store %arg8[%swap3A_1412, %swap3A_1413], %mul3A_1410 {strides = array<i32>} : memref<16x128xf32, #tpu.memory_space<vmem>>, vector<16xf32>,
    %add3A_1415 = arith.constant 224 : i32
    %add3A_1416 = vector.broadcast %add3A_1415 : i32 to vector<16xi32>
    %add3A_1417 = arith.addi %iota3A, %add3A_1416 : vector<16xi32>
    %gather3A_1418 = tpu.vector_load_idx %arg7[%add3A_1417, %add3A_78] : memref<256x128xf32, #tpu.memory_space<vmem>>[vector<16xi32>, vector<16xi32>], vector<16xf32>,
    %mul3A_1419 = vector.broadcast %reduce_sum3A_43 : f32 to vector<16xf32>
    %mul3A_1420 = arith.mulf %gather3A_1418, %mul3A_1419 : vector<16xf32>
    %swap3A_1421 = arith.constant 15 : i32
    %swap3A_1422 = arith.index_cast %swap3A_1421 : i32 to index
    %swap3A_1423 = arith.constant 96 : index
    %swap3A_1424 = tpu.vector_load %arg8[%swap3A_1422, %swap3A_1423] {strides = array<i32>} : memref<16x128xf32, #tpu.memory_space<vmem>>, vector<16xf32>,
    tpu.vector_store %arg8[%swap3A_1422, %swap3A_1423], %mul3A_1420 {strides = array<i32>} : memref<16x128xf32, #tpu.memory_space<vmem>>, vector<16xf32>,
    %add3A_1425 = arith.constant 240 : i32
    %add3A_1426 = vector.broadcast %add3A_1425 : i32 to vector<16xi32>
    %add3A_1427 = arith.addi %iota3A, %add3A_1426 : vector<16xi32>
    %gather3A_1428 = tpu.vector_load_idx %arg7[%add3A_1427, %add3A_78] : memref<256x128xf32, #tpu.memory_space<vmem>>[vector<16xi32>, vector<16xi32>], vector<16xf32>,
    %mul3A_1429 = vector.broadcast %reduce_sum3A_43 : f32 to vector<16xf32>
    %mul3A_1430 = arith.mulf %gather3A_1428, %mul3A_1429 : vector<16xf32>
    %swap3A_1431 = arith.constant 15 : i32
    %swap3A_1432 = arith.index_cast %swap3A_1431 : i32 to index
    %swap3A_1433 = arith.constant 112 : index
    %swap3A_1434 = tpu.vector_load %arg8[%swap3A_1432, %swap3A_1433] {strides = array<i32>} : memref<16x128xf32, #tpu.memory_space<vmem>>, vector<16xf32>,
    tpu.vector_store %arg8[%swap3A_1432, %swap3A_1433], %mul3A_1430 {strides = array<i32>} : memref<16x128xf32, #tpu.memory_space<vmem>>, vector<16xf32>,
    "tpu.region"() ({
      %run_scoped3A = tpu.sem_alloc : memref<!tpu.dma_semaphore, #tpu.memory_space<semaphore_mem>>
      %dma_start3A_1435 = arith.constant 0 : i32
      %dma_start3A_1436 = arith.constant 0 : i32
      %dma_start3A_1437 = tpu.memref_slice %arg5[%add3A, %dma_start3A_1435, %dma_start3A_1436] : memref<32x16x128xf32, #tpu.memory_space<hbm>> -> memref<1x16x128xf32, #tpu.memory_space<hbm>>
      %dma_start3A_1438 = tpu.memref_squeeze %dma_start3A_1437 : memref<1x16x128xf32, #tpu.memory_space<hbm>> -> memref<16x128xf32, #tpu.memory_space<hbm>>
      %dma_start3A_1439 = arith.constant 0 : i32
      %dma_start3A_1440 = arith.constant 0 : i32
      %dma_start3A_1441 = tpu.memref_slice %arg5[%add3A, %dma_start3A_1439, %dma_start3A_1440] : memref<32x16x128xf32, #tpu.memory_space<hbm>> -> memref<1x16x128xf32, #tpu.memory_space<hbm>>
      %dma_start3A_1442 = tpu.memref_squeeze %dma_start3A_1441 : memref<1x16x128xf32, #tpu.memory_space<hbm>> -> memref<16x128xf32, #tpu.memory_space<hbm>>
      tpu.enqueue_dma source(%arg8 : memref<16x128xf32, #tpu.memory_space<vmem>>) target(%dma_start3A_1442 : memref<16x128xf32, #tpu.memory_space<hbm>>) target_semaphore(%run_scoped3A : memref<!tpu.dma_semaphore, #tpu.memory_space<semaphore_mem>>)
      %dma_wait3A_1443 = arith.constant 0 : i32
      %dma_wait3A_1444 = arith.constant 0 : i32
      %dma_wait3A_1445 = tpu.memref_slice %arg5[%add3A, %dma_wait3A_1443, %dma_wait3A_1444] : memref<32x16x128xf32, #tpu.memory_space<hbm>> -> memref<1x16x128xf32, #tpu.memory_space<hbm>>
      %dma_wait3A_1446 = tpu.memref_squeeze %dma_wait3A_1445 : memref<1x16x128xf32, #tpu.memory_space<hbm>> -> memref<16x128xf32, #tpu.memory_space<hbm>>
      %dma_wait3A_1447 = arith.constant 0 : i32
      %dma_wait3A_1448 = arith.constant 0 : i32
      %dma_wait3A_1449 = tpu.memref_slice %arg5[%add3A, %dma_wait3A_1447, %dma_wait3A_1448] : memref<32x16x128xf32, #tpu.memory_space<hbm>> -> memref<1x16x128xf32, #tpu.memory_space<hbm>>
      %dma_wait3A_1450 = tpu.memref_squeeze %dma_wait3A_1449 : memref<1x16x128xf32, #tpu.memory_space<hbm>> -> memref<16x128xf32, #tpu.memory_space<hbm>>
      tpu.wait_dma2 semaphore(%run_scoped3A : memref<!tpu.dma_semaphore, #tpu.memory_space<semaphore_mem>>) src(%arg8 : memref<16x128xf32, #tpu.memory_space<vmem>>) dst(%dma_wait3A_1450 : memref<16x128xf32, #tpu.memory_space<hbm>>)
      tpu.yield
    }) : () -> ()
    return
  }
}

module attributes {stable_mosaic.version = 14 : i64} {
  func.func @_fin_body(%arg0: memref<32x16x128xf32, #tpu.memory_space<vmem>>, %arg1: memref<16x128xf32, #tpu.memory_space<vmem>>, %arg2: memref<16x128xf32, #tpu.memory_space<vmem>>) attributes {dimension_semantics = [], scalar_prefetch = 0 : i64, scratch_operands = 0 : i64, tpu.core_type = #tpu.core_type<tc>} {
    %get3A = arith.constant 0 : index
    %get3A_0 = arith.constant 0 : index
    %get3A_1 = arith.constant 0 : index
    %get3A_2 = vector.load %arg0[%get3A, %get3A_0, %get3A_1] : memref<32x16x128xf32, #tpu.memory_space<vmem>>, vector<32x16x128xf32>
    %reduce_sum3A = arith.constant dense<0.000000e+00> : vector<16x128xf32>
    %reduce_sum3A_3 = vector.multi_reduction <add>, %get3A_2, %reduce_sum3A [0] : vector<32x16x128xf32> to vector<16x128xf32>
    %get3A_4 = arith.constant 0 : index
    %get3A_5 = arith.constant 0 : index
    %get3A_6 = vector.load %arg1[%get3A_4, %get3A_5] : memref<16x128xf32, #tpu.memory_space<vmem>>, vector<16x128xf32>
    %add3A = arith.addf %reduce_sum3A_3, %get3A_6 : vector<16x128xf32>
    %swap3A = arith.constant 0 : index
    %swap3A_7 = arith.constant 0 : index
    %swap3A_8 = vector.load %arg2[%swap3A, %swap3A_7] : memref<16x128xf32, #tpu.memory_space<vmem>>, vector<16x128xf32>
    tpu.vector_store %arg2[%swap3A, %swap3A_7], %add3A {strides = array<i32>} : memref<16x128xf32, #tpu.memory_space<vmem>>, vector<16x128xf32>,
    return
  }
}

module attributes {stable_mosaic.version = 14 : i64} {
  func.func @_enc_body(%arg0: i32, %arg1: memref<1x2048xf32, #tpu.memory_space<vmem>>, %arg2: memref<2048x2048xf32, #tpu.memory_space<vmem>>, %arg3: memref<1x1x2048xf32, #tpu.memory_space<vmem>>, %arg4: memref<16x1x2048xf32, #tpu.memory_space<vmem>>, %arg5: memref<32xi32, #tpu.memory_space<vmem>>, %arg6: memref<32xf32, #tpu.memory_space<vmem>>, %arg7: memref<16x2048xf32, #tpu.memory_space<vmem>>) attributes {dimension_semantics = [#tpu.dimension_semantics<arbitrary>], iteration_bounds = array<i64: 16>, scalar_prefetch = 0 : i64, scratch_operands = 1 : i64, tpu.core_type = #tpu.core_type<tc>, window_params = [{pipeline_mode = #tpu.pipeline_mode<synchronous>, transform_indices = @transform_0, window_bounds = array<i64: 1, 2048>}, {transform_indices = @transform_1, window_bounds = array<i64: 2048, 2048>}, {transform_indices = @transform_2, window_bounds = array<i64: 1, 1, 2048>}, {pipeline_mode = #tpu.pipeline_mode<synchronous>, transform_indices = @transform_3, window_bounds = array<i64: 16, 1, 2048>}, {pipeline_mode = #tpu.pipeline_mode<synchronous>, transform_indices = @transform_4, window_bounds = array<i64: 32>}, {pipeline_mode = #tpu.pipeline_mode<synchronous>, transform_indices = @transform_5, window_bounds = array<i64: 32>}]} {
    %get3A = arith.constant 0 : index
    %get3A_0 = arith.constant 0 : index
    %get3A_1 = vector.load %arg1[%get3A, %get3A_0] : memref<1x2048xf32, #tpu.memory_space<vmem>>, vector<1x2048xf32>
    %get3A_2 = arith.constant 0 : index
    %get3A_3 = arith.constant 0 : index
    %get3A_4 = vector.load %arg2[%get3A_2, %get3A_3] : memref<2048x2048xf32, #tpu.memory_space<vmem>>, vector<2048x2048xf32>
    %dot_general3A = arith.constant dense<0.000000e+00> : vector<1x2048xf32>
    %dot_general3A_5 = tpu.matmul %get3A_1, %get3A_4, %dot_general3A {dimension_numbers = #tpu.dot_dimension_numbers<[1], [1], [0], [0], [0, 0, 1, 0], [], []>, transpose_lhs_hint = false} : vector<1x2048xf32>, vector<2048x2048xf32>, vector<1x2048xf32> -> vector<1x2048xf32>
    %reshape3A = vector.shape_cast %dot_general3A_5 : vector<1x2048xf32> to vector<1x1x2048xf32>
    %get3A_6 = arith.constant 0 : index
    %get3A_7 = arith.constant 0 : index
    %get3A_8 = arith.constant 0 : index
    %get3A_9 = vector.load %arg3[%get3A_6, %get3A_7, %get3A_8] : memref<1x1x2048xf32, #tpu.memory_space<vmem>>, vector<1x1x2048xf32>
    %add3A = arith.addf %reshape3A, %get3A_9 : vector<1x1x2048xf32>
    %swap3A = arith.index_cast %arg0 : i32 to index
    %swap3A_10 = arith.constant 0 : index
    %swap3A_11 = arith.constant 0 : index
    %swap3A_12 = vector.load %arg4[%swap3A, %swap3A_10, %swap3A_11] : memref<16x1x2048xf32, #tpu.memory_space<vmem>>, vector<1x1x2048xf32>
    tpu.vector_store %arg4[%swap3A, %swap3A_10, %swap3A_11], %add3A {strides = array<i32>} : memref<16x1x2048xf32, #tpu.memory_space<vmem>>, vector<1x1x2048xf32>,
    %abs3A = math.absf %add3A : vector<1x1x2048xf32>
    %reshape3A_13 = vector.shape_cast %abs3A : vector<1x1x2048xf32> to vector<1x2048xf32>
    %swap3A_14 = arith.index_cast %arg0 : i32 to index
    %swap3A_15 = arith.constant 0 : index
    %swap3A_16 = vector.load %arg7[%swap3A_14, %swap3A_15] : memref<16x2048xf32, #tpu.memory_space<vmem>>, vector<1x2048xf32>
    tpu.vector_store %arg7[%swap3A_14, %swap3A_15], %reshape3A_13 {strides = array<i32>} : memref<16x2048xf32, #tpu.memory_space<vmem>>, vector<1x2048xf32>,
    %eq3A = arith.constant 15 : i32
    %eq3A_17 = arith.cmpi eq, %arg0, %eq3A : i32
    %convert_element_type3A = arith.extui %eq3A_17 : i1 to i32
    %cond3A = arith.constant 0 : i32
    %cond3A_18 = arith.cmpi ne, %convert_element_type3A, %cond3A : i32
    scf.if %cond3A_18 {
      %iota3A = tpu.iota {dimensions = array<i32: 0>} : vector<16x1xi32>
      %iota3A_19 = tpu.iota {dimensions = array<i32: 1>} : vector<1x2048xi32>
      %iota3A_20 = tpu.iota {dimensions = array<i32: 1>} : vector<1x32xi32>
      %iota3A_21 = vector.shape_cast %iota3A_20 : vector<1x32xi32> to vector<32xi32>
      %get3A_22 = arith.constant 0 : index
      %get3A_23 = arith.constant 0 : index
      %get3A_24 = vector.load %arg7[%get3A_22, %get3A_23] : memref<16x2048xf32, #tpu.memory_space<vmem>>, vector<16x2048xf32>
      %reduce_max3A = arith.constant dense<0xFF800000> : vector<16xf32>
      %reduce_max3A_25 = vector.multi_reduction <maximumf>, %get3A_24, %reduce_max3A [1] : vector<16x2048xf32> to vector<16xf32>
      %broadcast_in_dim3A = vector.shape_cast %reduce_max3A_25 : vector<16xf32> to vector<16x1xf32>
      %broadcast_in_dim3A_26 = arith.constant 0 : i32
      %broadcast_in_dim3A_27 = vector.broadcast %broadcast_in_dim3A_26 : i32 to vector<32xi32>
      %broadcast_in_dim3A_28 = arith.constant 0.000000e+00 : f32
      %broadcast_in_dim3A_29 = vector.broadcast %broadcast_in_dim3A_28 : f32 to vector<32xf32>
      %scan3A = arith.constant 0 : i32
      %scan3A_30 = arith.constant 32 : i32
      %scan3A_31 = arith.addi %scan3A, %scan3A_30 : i32
      %scan3A_32 = arith.constant 1 : i32
      %scan3A_33:3 = scf.for %scan3A_39 = %scan3A to %scan3A_31 step %scan3A_32 iter_args(%scan3A_40 = %broadcast_in_dim3A, %scan3A_41 = %broadcast_in_dim3A_27, %scan3A_42 = %broadcast_in_dim3A_29) -> (vector<16x1xf32>, vector<32xi32>, vector<32xf32>)  : i32 {
        %reduce_max3A_43 = vector.shape_cast %scan3A_40 : vector<16x1xf32> to vector<1x16x1xf32>
        %reduce_max3A_44 = arith.constant dense<0xFF800000> : vector<1xf32>
        %reduce_max3A_45 = vector.multi_reduction <maximumf>, %reduce_max3A_43, %reduce_max3A_44 [1, 2] : vector<1x16x1xf32> to vector<1xf32>
        %reduce_max3A_46 = vector.shape_cast %reduce_max3A_45 : vector<1xf32> to vector<1x1x1xf32>
        %reduce_max3A_47 = vector.extract %reduce_max3A_46[0, 0, 0] : f32 from vector<1x1x1xf32>
        %eq3A_48 = vector.broadcast %reduce_max3A_47 : f32 to vector<16x1xf32>
        %eq3A_49 = arith.cmpf oeq, %scan3A_40, %eq3A_48 : vector<16x1xf32>
        %jit3A = arith.constant 16 : i32
        %broadcast_in_dim3A_50 = vector.broadcast %jit3A : i32 to vector<16x1xi32>
        %select_n3A = arith.select %eq3A_49, %iota3A, %broadcast_in_dim3A_50 : vector<16x1xi1>, vector<16x1xi32>
        %reduce_min3A = vector.shape_cast %select_n3A : vector<16x1xi32> to vector<1x16x1xi32>
        %reduce_min3A_51 = arith.constant dense<2147483647> : vector<1xi32>
        %reduce_min3A_52 = vector.multi_reduction <minsi>, %reduce_min3A, %reduce_min3A_51 [1, 2] : vector<1x16x1xi32> to vector<1xi32>
        %reduce_min3A_53 = vector.shape_cast %reduce_min3A_52 : vector<1xi32> to vector<1x1x1xi32>
        %reduce_min3A_54 = vector.extract %reduce_min3A_53[0, 0, 0] : i32 from vector<1x1x1xi32>
        %get3A_55 = arith.index_cast %reduce_min3A_54 : i32 to index
        %get3A_56 = arith.constant 0 : index
        %get3A_57 = vector.load %arg7[%get3A_55, %get3A_56] : memref<16x2048xf32, #tpu.memory_space<vmem>>, vector<1x2048xf32>
        %get3A_58 = arith.index_cast %reduce_min3A_54 : i32 to index
        %get3A_59 = arith.constant 0 : index
        %get3A_60 = arith.constant 0 : index
        %get3A_61 = vector.load %arg4[%get3A_58, %get3A_59, %get3A_60] : memref<16x1x2048xf32, #tpu.memory_space<vmem>>, vector<1x1x2048xf32>
        %reshape3A_62 = vector.shape_cast %get3A_61 : vector<1x1x2048xf32> to vector<1x2048xf32>
        %eq3A_63 = vector.broadcast %reduce_max3A_47 : f32 to vector<1x2048xf32>
        %eq3A_64 = arith.cmpf oeq, %get3A_57, %eq3A_63 : vector<1x2048xf32>
        %jit3A_65 = arith.constant 2048 : i32
        %broadcast_in_dim3A_66 = vector.broadcast %jit3A_65 : i32 to vector<1x2048xi32>
        %select_n3A_67 = arith.select %eq3A_64, %iota3A_19, %broadcast_in_dim3A_66 : vector<1x2048xi1>, vector<1x2048xi32>
        %reduce_min3A_68 = vector.shape_cast %select_n3A_67 : vector<1x2048xi32> to vector<1x1x2048xi32>
        %reduce_min3A_69 = arith.constant dense<2147483647> : vector<1xi32>
        %reduce_min3A_70 = vector.multi_reduction <minsi>, %reduce_min3A_68, %reduce_min3A_69 [1, 2] : vector<1x1x2048xi32> to vector<1xi32>
        %reduce_min3A_71 = vector.shape_cast %reduce_min3A_70 : vector<1xi32> to vector<1x1x1xi32>
        %reduce_min3A_72 = vector.extract %reduce_min3A_71[0, 0, 0] : i32 from vector<1x1x1xi32>
        %mul3A = arith.constant 2048 : i32
        %mul3A_73 = arith.muli %reduce_min3A_54, %mul3A : i32
        %add3A_74 = arith.addi %mul3A_73, %reduce_min3A_72 : i32
        %eq3A_75 = vector.broadcast %reduce_min3A_72 : i32 to vector<1x2048xi32>
        %eq3A_76 = arith.cmpi eq, %iota3A_19, %eq3A_75 : vector<1x2048xi32>
        %jit3A_77 = arith.constant 0.000000e+00 : f32
        %broadcast_in_dim3A_78 = vector.broadcast %jit3A_77 : f32 to vector<1x2048xf32>
        %select_n3A_79 = arith.select %eq3A_76, %reshape3A_62, %broadcast_in_dim3A_78 : vector<1x2048xi1>, vector<1x2048xf32>
        %reduce_sum3A = vector.shape_cast %select_n3A_79 : vector<1x2048xf32> to vector<1x1x2048xf32>
        %reduce_sum3A_80 = arith.constant dense<0.000000e+00> : vector<1xf32>
        %reduce_sum3A_81 = vector.multi_reduction <add>, %reduce_sum3A, %reduce_sum3A_80 [1, 2] : vector<1x1x2048xf32> to vector<1xf32>
        %reduce_sum3A_82 = vector.shape_cast %reduce_sum3A_81 : vector<1xf32> to vector<1x1x1xf32>
        %reduce_sum3A_83 = vector.extract %reduce_sum3A_82[0, 0, 0] : f32 from vector<1x1x1xf32>
        %eq3A_84 = vector.broadcast %reduce_min3A_72 : i32 to vector<1x2048xi32>
        %eq3A_85 = arith.cmpi eq, %iota3A_19, %eq3A_84 : vector<1x2048xi32>
        %jit3A_86 = arith.constant -1.000000e+00 : f32
        %broadcast_in_dim3A_87 = vector.broadcast %jit3A_86 : f32 to vector<1x2048xf32>
        %select_n3A_88 = arith.select %eq3A_85, %broadcast_in_dim3A_87, %get3A_57 : vector<1x2048xi1>, vector<1x2048xf32>
        %swap3A_89 = arith.index_cast %reduce_min3A_54 : i32 to index
        %swap3A_90 = arith.constant 0 : index
        %swap3A_91 = vector.load %arg7[%swap3A_89, %swap3A_90] : memref<16x2048xf32, #tpu.memory_space<vmem>>, vector<1x2048xf32>
        tpu.vector_store %arg7[%swap3A_89, %swap3A_90], %select_n3A_88 {strides = array<i32>} : memref<16x2048xf32, #tpu.memory_space<vmem>>, vector<1x2048xf32>,
        %eq3A_92 = vector.broadcast %reduce_min3A_54 : i32 to vector<16x1xi32>
        %eq3A_93 = arith.cmpi eq, %iota3A, %eq3A_92 : vector<16x1xi32>
        %reduce_max3A_94 = vector.shape_cast %select_n3A_88 : vector<1x2048xf32> to vector<1x1x2048xf32>
        %reduce_max3A_95 = arith.constant dense<0xFF800000> : vector<1xf32>
        %reduce_max3A_96 = vector.multi_reduction <maximumf>, %reduce_max3A_94, %reduce_max3A_95 [1, 2] : vector<1x1x2048xf32> to vector<1xf32>
        %reduce_max3A_97 = vector.shape_cast %reduce_max3A_96 : vector<1xf32> to vector<1x1x1xf32>
        %reduce_max3A_98 = vector.extract %reduce_max3A_97[0, 0, 0] : f32 from vector<1x1x1xf32>
        %broadcast_in_dim3A_99 = vector.broadcast %reduce_max3A_98 : f32 to vector<16x1xf32>
        %select_n3A_100 = arith.select %eq3A_93, %broadcast_in_dim3A_99, %scan3A_40 : vector<16x1xi1>, vector<16x1xf32>
        %eq3A_101 = vector.broadcast %scan3A_39 : i32 to vector<32xi32>
        %eq3A_102 = arith.cmpi eq, %iota3A_21, %eq3A_101 : vector<32xi32>
        %broadcast_in_dim3A_103 = vector.broadcast %add3A_74 : i32 to vector<32xi32>
        %select_n3A_104 = arith.select %eq3A_102, %broadcast_in_dim3A_103, %scan3A_41 : vector<32xi1>, vector<32xi32>
        %eq3A_105 = vector.broadcast %scan3A_39 : i32 to vector<32xi32>
        %eq3A_106 = arith.cmpi eq, %iota3A_21, %eq3A_105 : vector<32xi32>
        %broadcast_in_dim3A_107 = vector.broadcast %reduce_sum3A_83 : f32 to vector<32xf32>
        %select_n3A_108 = arith.select %eq3A_106, %broadcast_in_dim3A_107, %scan3A_42 : vector<32xi1>, vector<32xf32>
        scf.yield %select_n3A_100, %select_n3A_104, %select_n3A_108 : vector<16x1xf32>, vector<32xi32>, vector<32xf32>
      }
      %scan3A_34 = arith.constant 32 : i32
      %swap3A_35 = arith.constant 0 : index
      %swap3A_36 = vector.load %arg5[%swap3A_35] : memref<32xi32, #tpu.memory_space<vmem>>, vector<32xi32>
      tpu.vector_store %arg5[%swap3A_35], %scan3A_33#1 {strides = array<i32>} : memref<32xi32, #tpu.memory_space<vmem>>, vector<32xi32>,
      %swap3A_37 = arith.constant 0 : index
      %swap3A_38 = vector.load %arg6[%swap3A_37] : memref<32xf32, #tpu.memory_space<vmem>>, vector<32xf32>
      tpu.vector_store %arg6[%swap3A_37], %scan3A_33#2 {strides = array<i32>} : memref<32xf32, #tpu.memory_space<vmem>>, vector<32xf32>,
    } else {
    }
    return
  }
  func.func @transform_0(%arg0: i32) -> (i32, i32) {
    %c0_i32 = arith.constant 0 : i32
    %c0_i32_0 = arith.constant 0 : i32
    %c0_i32_1 = arith.constant 0 : i32
    return %c0_i32, %c0_i32_0 : i32, i32
  }
  func.func @transform_1(%arg0: i32) -> (i32, i32) {
    %c0_i32 = arith.constant 0 : i32
    %c0_i32_0 = arith.constant 0 : i32
    return %arg0, %c0_i32 : i32, i32
  }
  func.func @transform_2(%arg0: i32) -> (i32, i32, i32) {
    %c0_i32 = arith.constant 0 : i32
    %c0_i32_0 = arith.constant 0 : i32
    %c0_i32_1 = arith.constant 0 : i32
    return %arg0, %c0_i32, %c0_i32_0 : i32, i32, i32
  }
  func.func @transform_3(%arg0: i32) -> (i32, i32, i32) {
    %c0_i32 = arith.constant 0 : i32
    %c0_i32_0 = arith.constant 0 : i32
    %c0_i32_1 = arith.constant 0 : i32
    %c0_i32_2 = arith.constant 0 : i32
    return %c0_i32, %c0_i32_0, %c0_i32_1 : i32, i32, i32
  }
  func.func @transform_4(%arg0: i32) -> i32 {
    %c0_i32 = arith.constant 0 : i32
    %c0_i32_0 = arith.constant 0 : i32
    return %c0_i32 : i32
  }
  func.func @transform_5(%arg0: i32) -> i32 {
    %c0_i32 = arith.constant 0 : i32
    %c0_i32_0 = arith.constant 0 : i32
    return %c0_i32 : i32
  }
}

</mosaic_0001>

<sc_bundles>
// kernel: kernel.5.cloned.1.call-start
scs
__scs_entry_jumppad:
0x0: {  	(pc) =	sbr.rel $0x88, $3  }
0x1: {  	(tag) =	ssettag $0x0;
	lr =	simm.s32 $0x1  }
0x2: {  	[smem:$0x3F9C] =	sst lr;
	_ =	strace $0xD0000000  }
0x3: {  	_ = 	snop  }
0x4: {  	_ = 	snop  }
0x5: {  	_ = 	snop  }
0x6: {  	_ = 	snop  }
0x7: {  	_ = 	snop  }
__scs_overlays_trampoline_lowered:
0x8: {  	[smem:$0x3FAB] =	sst s0  }
0x9: {  	[smem:$0x3FAC] =	sst s1  }
0xa: {  	[smem:$0x3FAD] =	sst s2  }
0xb: {  	[smem:$0x3FAE] =	sst s3  }
0xc: {  	[smem:$0x3FAF] =	sst s4  }
0xd: {  	[smem:$0x3FB0] =	sst s5  }
0xe: {  	[smem:$0x3FB1] =	sst s6  }
0xf: {  	[smem:$0x3FB2] =	sst s7  }
0x10: {  	[smem:$0x3FB3] =	sst s8  }
0x11: {  	[smem:$0x3FB4] =	sst s9;
	s0 =	simm.s32 @!p0 $0x0  }
0x12: {  	s1 =	sld [smem:$0x3F9A];
	s0 =	simm.s32 @p0 $0x1  }
0x13: {  	[smem:$0x3FB5] =	sst s0;
	s0 =	simm.s32 @!p1 $0x0  }
0x14: {  	s2 =	sld [smem:$0x3F99];
	s0 =	simm.s32 @p1 $0x1  }
0x15: {  	[smem:$0x3FB6] =	sst s0;
	s0 =	simm.s32 @!p2 $0x0  }
0x16: {  	s3 =	sld [smem:$0x3FDB];
	s0 =	simm.s32 @p2 $0x1  }
0x17: {  	s4 =	simm.s32 $0x1BF5;
	[smem:$0x3FB8] =	sst s0  }
0x18: {  	s0 =	sld [smem:$0x3F9B];
	_ =	swait.ge [sflag:s4], $0x0  }
0x19: {  	s7 =	sld [smem:$0x3F9C]  }
0x1a: {  	s8 =	sadd.s32 $0xFFFFE003, lr  }
0x1b: {  	s9 =	sadd.s32 $0xFFFFFEF7, lr;
	s5 =	simm.s32 $0xFFFFFFFF;
	p2 =	slt.u32 s8, $0xFFFFF086  }
0x1c: {  	p1 =	slt.u32 s9, $0xF7A;
	s5 =	simm.s32 @!p2 $0x0  }
0x1d: {  	s5 =	simm.s32 @p1 $0x1;
	p0 =	seq.s32 s7, s2  }
0x1e: {  	s7 =	smul.u32 @!p0 $0xF7A, s2;
	p2 =	seq.s32 @!p0 s5, $0x0  }
0x1f: {  	s9 =	smul.u32 $0xF7A, s1;
	s8 =	simm.s32 @!p0 $0x1BF5;
	p2 =	por !p2, p0  }
0x20: {  	[sflag:s8] =	ssyncset.s32 @!p0 $0xFFFFF086;
	s6 =	sadd.s32 @!p0 s3, s7;
	s7 =	simm.s32 @!p0 $0x108  }
0x21: {  	s3 =	sadd.s32 s3, s9;
	s6 =	sadd.s32 @!p0 $0x88, s6;
	s7 =	simm.s32 @p2 $0x1082  }
0x22: {  	[simem:s7], [sflag:s8] =	dma.local @!p0 [hbm:s6], $0xF7A  }
0x23: {  	s9 =	sor.u32 $0xD0000000, s2;
	s6 =	simm.s32 $0x108;
	_ =	swait.ge @!p0 [sflag:s8], $0x0  }
0x24: {  	s3 =	sadd.s32 $0x88, s3;
	s6 =	simm.s32 @!p1 $0x1082;
	[sflag:s4] =	ssyncset.s32 $0xFFFFF086  }
0x25: {  	[simem:s6], [sflag:s4] =	dma.local [hbm:s3], $0xF7A  }
0x26: {  	[smem:$0x3F9C] =	sst s1;
	(tag) =	ssettag s2;
	_ =	strace s9  }
0x27: {  	s1 =	sld [smem:$0x3FAC]  }
0x28: {  	s2 =	sld [smem:$0x3FAD]  }
0x29: {  	s4 =	sld [smem:$0x3FAF]  }
0x2a: {  	p0 =	seq.s32 s5, $0x0;
	s5 =	sld [smem:$0x3FB0]  }
0x2b: {  	s6 =	sld [smem:$0x3FB1]  }
0x2c: {  	s7 =	sld [smem:$0x3FB2]  }
0x2d: {  	s3 =	simm.s32 $0x108;
	s8 =	sld [smem:$0x3FB3]  }
0x2e: {  	s3 =	simm.s32 @!p0 $0x1082;
	s9 =	sld [smem:$0x3FB4]  }
0x2f: {  	lr =	sadd.s32 s0, s3;
	s0 =	sld [smem:$0x3FAB]  }
0x30: {  	s3 =	sld [smem:$0x3FAE]  }
0x31: {  	[smem:$0x3FB7] =	sst s10  }
0x32: {  	s10 =	sld [smem:$0x3FB5];
	_ =	sdelay $0x3  }
0x33: {  	p0 =	seq.s32 s10, $0x1;
	s10 =	sld [smem:$0x3FB7];
	_ =	sdelay $0x3  }
0x34: {  	[smem:$0x3FB7] =	sst s10  }
0x35: {  	s10 =	sld [smem:$0x3FB6];
	_ =	sdelay $0x3  }
0x36: {  	p1 =	seq.s32 s10, $0x1;
	s10 =	sld [smem:$0x3FB7];
	_ =	sdelay $0x3  }
0x37: {  	[smem:$0x3FB7] =	sst s10  }
0x38: {  	s10 =	sld [smem:$0x3FB8]  }
0x39: {  	_ = 	snop;
	(pc) =	sbr.ind lr, $3  }
0x3a: {  	_ = 	snop  }
0x3b: {  	_ = 	snop  }
0x3c: {  	p2 =	seq.s32 s10, $0x1;
	s10 =	sld [smem:$0x3FB7]  }
0x3d: {  	_ =	shalt  }
0x3e: {  	_ =	shalt  }
0x3f: {  	_ =	shalt  }
0x40: {  	_ =	shalt  }
0x41: {  	_ =	shalt  }
0x42: {  	_ =	shalt  }
0x43: {  	_ =	shalt  }
0x44: {  	_ =	shalt  }
0x45: {  	_ =	shalt  }
0x46: {  	_ =	shalt  }
0x47: {  	_ =	shalt  }
0x48: {  	_ =	shalt  }
0x49: {  	_ =	shalt  }
0x4a: {  	_ =	shalt  }
0x4b: {  	_ =	shalt  }
0x4c: {  	_ =	shalt  }
0x4d: {  	_ =	shalt  }
0x4e: {  	_ =	shalt  }
0x4f: {  	_ =	shalt  }
0x50: {  	_ =	shalt  }
0x51: {  	_ =	shalt  }
0x52: {  	_ =	shalt  }
0x53: {  	_ =	shalt  }
0x54: {  	_ =	shalt  }
0x55: {  	_ =	shalt  }
0x56: {  	_ =	shalt  }
0x57: {  	_ =	shalt  }
0x58: {  	_ =	shalt  }
0x59: {  	_ =	shalt  }
0x5a: {  	_ =	shalt  }
0x5b: {  	_ =	shalt  }
0x5c: {  	_ =	shalt  }
0x5d: {  	_ =	shalt  }
0x5e: {  	_ =	shalt  }
0x5f: {  	_ =	shalt  }
0x60: {  	_ =	shalt  }
0x61: {  	_ =	shalt  }
0x62: {  	_ =	shalt  }
0x63: {  	_ =	shalt  }
0x64: {  	_ =	shalt  }
0x65: {  	_ =	shalt  }
0x66: {  	_ =	shalt  }
0x67: {  	_ =	shalt  }
0x68: {  	_ =	shalt  }
0x69: {  	_ =	shalt  }
0x6a: {  	_ =	shalt  }
0x6b: {  	_ =	shalt  }
0x6c: {  	_ =	shalt  }
0x6d: {  	_ =	shalt  }
0x6e: {  	_ =	shalt  }
0x6f: {  	_ =	shalt  }
0x70: {  	_ =	shalt  }
0x71: {  	_ =	shalt  }
0x72: {  	_ =	shalt  }
0x73: {  	_ =	shalt  }
0x74: {  	_ =	shalt  }
0x75: {  	_ =	shalt  }
0x76: {  	_ =	shalt  }
0x77: {  	_ =	shalt  }
0x78: {  	_ =	shalt  }
0x79: {  	_ =	shalt  }
0x7a: {  	_ =	shalt  }
0x7b: {  	_ =	shalt  }
0x7c: {  	_ =	shalt  }
0x7d: {  	_ =	shalt  }
0x7e: {  	_ =	shalt  }
0x7f: {  	_ =	shalt  }
0x80: {  	_ =	shalt  }
0x81: {  	_ =	shalt  }
0x82: {  	_ =	shalt  }
0x83: {  	_ =	shalt  }
0x84: {  	_ =	shalt  }
0x85: {  	_ =	shalt  }
0x86: {  	_ =	shalt  }
0x87: {  	_ =	shalt  }
.Lfunc_end0:
.L_simem_size_0:
called_computation_lowered:
.L_overlay_start_0:
0x88: {  	s2 =	sld [smem:$0x3FD9]  }
0x89: {  	s3 =	sld [smem:$0x3FFE];
	_ =	sdelay $0x1  }
0x8a: {  	s1 =	srdreg.scid  }
0x8b: {  	s0 =	sand.u32 $0x1, s1  }
0x8c: {  	s14 =	sshll.u32 s0, $0xA;
	s2 =	sadd.s32 s3, s2  }
0x8d: {  	s2 =	sadd.s32 s2, s14  }
0x8e: {  	[smem:$0x3FC3] =	sst s2  }
0x8f: {  	_ = 	snop  }
0x90: {  	s2 =	sld [smem:$0x3FD0];
	_ =	sdelay $0x2  }
0x91: {  	s4 =	simm.s32 $0xA;
	s5 =	simm.s32 $0x10;
	s15 =	sld [smem:$0x3FC6]  }
0x92: {  	[smem:s5], [sflag:s4] =	dma.local [hbm:s2], $0x1  }
0x93: {  	_ =	swait.eq [sflag:s4], $0x1  }
0x94: {  	[sflag:s4] =	ssyncset.done $0x0  }
0x95: {  	[sflag:s4] =	ssyncadd.s32 $0xFFFFFFFF  }
0x96: {  	s16 =	sld [smem:$0x11];
	(tm) =	ssettm $0x1  }
0x97: {  	s17 =	sld [smem:$0x3FFB];
	_ =	sdelay $0x3  }
0x98: {  	_ =	strace s17  }
0x99: {  	s4 =	sld [smem:$0x3FFC];
	_ =	sdelay $0x3  }
0x9a: {  	_ =	strace s4  }
0x9b: {  	s4 =	sld [smem:$0x3FFD];
	_ =	sdelay $0x3  }
0x9c: {  	_ =	strace s4  }
0x9d: {  	_ =	strace $0x8FFFFFFF  }
0x9e: {  	s18 =	sld [smem:$0x3FDB];
	_ =	sdelay $0x1  }
0x9f: {  	s19 =	simm.s32 $_scs_section_size  }
0xa0: {  	s6 =	simm.s32 $_size__tile_overlayer_lowered;
	s7 =	simm.s32 $_tile_overlayer_lowered  }
0xa1: {  	s22 =	simm.s32 $0x1BFF;
	s21 =	sshll.u32 s7, $0x1;
	s4 =	sadd.s32 s19, s18  }
0xa2: {  	s8 =	simm.s32 $0x0;
	s20 =	sshll.u32 s6, $0x1;
	s6 =	sadd.s32 s21, s4  }
0xa3: {  	[timem:s8], [sflag:s22] =	dma.local [hbm:s6], s20  }
0xa4: {  	_ =	swait.ge [sflag:s22], s20  }
0xa5: {  	s5 =	ssub.s32 $0x0, s20;
	[sflag:s22] =	ssyncset.done $0x0  }
0xa6: {  	[sflag:s22] =	ssyncadd.s32 s5;
	_ =	sdelay $0x1  }
0xa7: {  	s23 =	simm.s32 $0x1B8B  }
0xa8: {  	_ =	swait.ge [sflag:s23], $0x1  }
0xa9: {  	[sflag:s23] =	ssyncset.done $0x0  }
0xaa: {  	s25 =	simm.s32 $0x1B8E;
	s24 =	sld [smem:$0x3FFE];
	[sflag:s23] =	ssyncadd.s32 $0xFFFFFFFF  }
0xab: {  	s26 =	simm.s32 $execute0_lowered;
	[smem:$0x3FD2] =	sst s25  }
0xac: {  	s6 =	sshll.u32 s26, $0x1;
	_ =	strace $0x80000046;
	[dreg:$0x1] =	wrdreg $0xFFFFFFFF  }
0xad: {  	s28 =	simm.s32 $_size_execute0_lowered;
	s4 =	sadd.s32 s4, s6;
	[dreg:$0x0] =	wrdreg $0x0  }
0xae: {  	s6 =	sshll.u32 s28, $0x1;
	[dreg:$0x2] =	wrdreg s4  }
0xaf: {  	[dreg:$0x3] =	wrdreg s6  }
0xb0: {  	[dreg:$0x4] =	wrdreg $0xC0  }
0xb1: {  	_ =	task [dreg:s8], $0x5FFFF  }
0xb2: {  	[dreg:$0x1] =	wrdreg $0xFFFFFFFF  }
0xb3: {  	[dreg:$0x0] =	wrdreg $0x60  }
0xb4: {  	[dreg:$0x2] =	wrdreg s15  }
0xb5: {  	[dreg:$0x3] =	wrdreg s16  }
0xb6: {  	[dreg:$0x4] =	wrdreg s24  }
0xb7: {  	[dreg:$0x5] =	wrdreg $0x9  }
0xb8: {  	_ =	task.clear_ibuf [dreg:s8], $0x6FFFF;
	_ =	strace $0x90000046  }
0xb9: {  	s29 =	simm.s32 $0x9;
	_ =	strace $0x80000048  }
0xba: {  	_ =	swait.ge [sflag:s29], $0x1  }
0xbb: {  	[sflag:s29] =	ssyncadd.s32 $0xFFFFFFFF  }
0xbc: {  	_ =	strace $0x90000048  }
0xbd: {  	_ =	sfence  }
0xbe: {  	s30 =	sld [smem:$0x0];
	_ =	sdelay $0x2  }
0xbf: {  	s31 =	sshll.u32 s1, $0xD;
	s1 =	sshrl.u32 s1, $0x2  }
0xc0: {  	s3 =	sand.u32 $0x4000, s31;
	s1 =	sadd.s32 s1, s30  }
0xc1: {  	s0 =	sor.u32 s3, s0;
	s1 =	sshll.u32 s1, $0x11  }
0xc2: {  	s0 =	sor.u32 s1, s0  }
0xc3: {  	s0 =	sadd.s32 $0x8F2B, s0  }
0xc4: {  	[sflag:s0] =	ssyncadd.remote.s32 $0x1  }
0xc5: {  	_ =	sfence.sel $0xFFFF  }
0xc6: {  	[dreg:$0x0] =	wrdreg $0xFFFFFFFF;
	(pc) =	sbr.abs _section_cstart, $3  }
0xc7: {  	[dreg:$0x1] =	wrdreg $0xFFFFFFFF  }
0xc8: {  	_ =	task.clear_ibuf [dreg:s8], $0x2FFFF;
	_ =	strace $0x9FFFFFFF  }
0xc9: {  	(tm) =	ssettm $0x7FFFFFFF  }
tec
execute0_lowered:
.L_overlay_start_1:
0x0: {  	(tag) =	ssettag $0x1  }
0x1: {  	s1 =	rddreg [dreg:$0x0]  }
0x2: {  	s0 =	rddreg [dreg:$0x1]  }
0x3: {  	s4 =	rddreg [dreg:$0x2]  }
0x4: {  	s5 =	srdreg.scid;
	s2 =	stileid.u32  }
0x5: {  	s3 =	simm.s32 $0x0;
	s30 =	simm.s32 $0x10800;
	[dreg:$0x5] =	wrdreg s0  }
0x6: {  	v1 =	vlaneseq.u32;
	s31 =	simm.s32 $0x10880;
	s0 =	rddreg [dreg:$0x3];
	s5 =	sand.u32 $0x1, s5  }
0x7: {  	s6 =	sshll.u32 s2, $0x1;
	[smem:$0x7FF] =	sst s3;
	s8 =	sadd.s32 $0xA00, s4;
	v0 =	vmul.u32 $0x80, v1  }
0x8: {  	v3 =	vor.u32 $0x10, v1;
	s6 =	sor.u32 s5, s6;
	_ =	strace $0x80000047;
	[dreg:$0x7] =	wrdreg s8  }
0x9: {  	s11 =	simm.s32 $0x10000;
	s9 =	simm.s32 $0x8000;
	[dreg:$0x4] =	wrdreg s30;
	v2 =	vmov s6;
	v4 =	vor.u32 $0x2000, v0;
	v5 =	vor.u32 $0x2800, v0  }
0xa: {  	s10 =	simm.s32 $0x2;
	s5 =	ssub.s32 $0x2, s5;
	[dreg:$0x6] =	wrdreg s31;
	v6 =	vor.u32 $0x3000, v0;
	v7 =	vor.u32 $0x3800, v0;
	v8 =	vor.u32 $0x4000, v0  }
0xb: {  	s8 =	simm.s32 $0x40000;
	[dreg:$0x9] =	wrdreg s11;
	s7 =	sshll.u32 s6, $0x8;
	v9 =	vor.u32 $0x4800, v0;
	v10 =	vor.u32 $0x5000, v0;
	v11 =	vor.u32 $0x5800, v0  }
0xc: {  	s29 =	sshrl.u32 s5, $0x1;
	s6 =	simm.s32 $0x1;
	v12 =	vor.u32 $0x6000, v0;
	v13 =	vor.u32 $0x6800, v0;
	v14 =	vor.u32 $0x7000, v0;
	s4 =	sadd.s32 s7, s4  }
0xd: {  	v15 =	vor.u32 $0x7800, v0;
	vm0 =	veq.s32 v2, v3;
	vm1 =	veq.s32 v2, v1;
	s5 =	ssub.s32 s5, s29;
	s7 =	simm.s32 $0x400;
	s4 =	sadd.s32 $0xC00, s4  }
0xe: {  	v1 =	vor.u32 $0x800, v0;
	v2 =	vor.u32 $0x1000, v0;
	v3 =	vor.u32 $0x1800, v0;
	[dreg:$0x8] =	wrdreg s4;
	s4 =	smax.u32 s5, $0x1;
	s5 =	simm.s32 $0x3  }
.LBB2_1:
0xf: {  	s11 =	rddreg [dreg:$0x4]  }
0x10: {  	s12 =	rddreg [dreg:$0x5]  }
0x11: {  	[tilespmem:s11], [sflag:$0x3] =	stream.linear.gather [hbm4b:s12+s3], $0x80, $0x38;
	[tilespmem:$0x10900] =	vst v63  }
0x12: {  	_ =	swait.ge [sflag:s5], $0x80  }
0x13: {  	s18 =	rddreg [dreg:$0x6];
	[sflag:s5] =	ssyncset.done $0x0  }
0x14: {  	s19 =	rddreg [dreg:$0x7];
	[sflag:s5] =	ssyncadd.s32 $0xFFFFFF80  }
0x15: {  	[tilespmem:s18], [sflag:$0x3] =	stream.linear.gather [hbm4b:s19+s3], $0x80, $0x38;
	[tilespmem:$0x10900] =	vst v63  }
0x16: {  	_ =	swait.ge [sflag:s5], $0x80  }
0x17: {  	[sflag:s5] =	ssyncset.done $0x0  }
0x18: {  	[sflag:s5] =	ssyncadd.s32 $0xFFFFFF80  }
0x19: {  	v16 =	vld [tilespmem:$0x10800]  }
0x1a: {  	v17 =	vld [tilespmem:$0x10810];
	_ =	sdelay $0x4  }
0x1b: {  	v16 =	vnsel vm1, $0xFFFFFFFF, v16;
	v17 =	vnsel vm0, $0xFFFFFFFF, v17  }
0x1c: {  	vm2 =	vgt.s32 v16, v17  }
0x1d: {  	v16 =	vsel vm2, v16, v17  }
0x1e: {  	v16 =	vxor.u32 $0x80000000, v16  }
0x1f: {  	(xrf0) =	vmax.scan.msk.u32 $0xffff, v16;
	_ =	sdelay $0x5  }
0x20: {  	v16, _, _ =	vpop (xrf0)  }
0x21: {  	(v2sf) =	vpush v16, $0xF;
	_ =	sdelay $0xc  }
0x22: {  	v17 =	vld [tilespmem:$0x10890]  }
0x23: {  	v16 =	vld [tilespmem:$0x10880]  }
0x24: {  	s20 =	spop (v2sf)  }
0x25: {  	s21 =	sxor.u32 $0x80000000, s20  }
0x26: {  	s13 =	sshra.s32 s21, $0x1F  }
0x27: {  	s13 =	sshrl.u32 s13, $0x19  }
0x28: {  	v17 =	vnsel vm0, $0x0, v17;
	v16 =	vnsel vm1, $0x0, v16;
	s13 =	sadd.s32 s13, s21  }
0x29: {  	v16 =	vadd.f32 v17, v16;
	p1 =	sgt.s32 s20, $0xFFFFFFFF;
	p0 =	slt.s32 s21, $0x1;
	s14 =	sand.u32 $0xFFFFFF80, s13  }
0x2a: {  	p0 =	por p1, p0;
	p6 =	sne.s32 s21, s14  }
0x2b: {  	(xrf2) =	vadd.scan.msk.f32 $0xffff, v16;
	p0 =	por !p0, !p6  }
0x2c: {  	s11 =	simm.s32 $0x1;
	p0 =	por !p0, !p0  }
0x2d: {  	s13 =	sshrl.u32 s13, $0x7;
	s11 =	simm.s32 @!p0 $0x0  }
0x2e: {  	s11 =	ssub.s32 s13, s11  }
0x2f: {  	s11 =	sshll.u32 s11, $0xA  }
0x30: {  	s22 =	sshrl.u32 s11, $0x3  }
0x31: {  	s23 =	sadd.s32 $0x800000, s11;
	s13 =	sadd.s32 s1, s22  }
0x32: {  	[tilespmem:s3], [sflag:$0x1] =	stream.strided.gather [hbm4b:s13+s7], $0x8000, s8, s7, $0x38;
	[tilespmem:$0x10900] =	vst v63  }
0x33: {  	s12 =	sand.u32 $0x7F, s20;
	s13 =	sshrl.u32 s23, $0x3  }
0x34: {  	v17 =	vor.u32 s12, v0;
	s13 =	sadd.s32 s1, s13  }
0x35: {  	v16, _, _ =	vpop (xrf2);
	[tilespmem:s9], [sflag:$0x2] =	stream.strided.gather [hbm4b:s13+s7], $0x8000, s8, s7, $0x38;
	[tilespmem:$0x10900] =	vst v63  }
0x36: {  	_ =	swait.ge [sflag:s6], $0x8000  }
0x37: {  	[sflag:s6] =	ssyncset.done $0x0  }
0x38: {  	[sflag:s6] =	ssyncadd.s32 $0xFFFF8000  }
0x39: {  	v19 =	vld.idx.msk [tilespmem:v17+s3+$0x0], $0xffff;
	_ =	sdelay $0x2  }
0x3a: {  	v18 =	vor.u32 s12, v1;
	v16 =	vbroadcast v16, $0xF;
	_ =	sdelay $0x1  }
0x3b: {  	v19 =	vmul.f32 v19, v16;
	_ =	sdelay $0x1  }
0x3c: {  	[tilespmem:$0x10000] =	vst v19  }
0x3d: {  	v20 =	vld.idx.msk [tilespmem:v18+s3+$0x0], $0xffff;
	_ =	sdelay $0x2  }
0x3e: {  	v44 =	vor.u32 s12, v2;
	_ =	sdelay $0x1  }
0x3f: {  	v20 =	vmul.f32 v20, v16;
	_ =	sdelay $0x1  }
0x40: {  	[tilespmem:$0x10010] =	vst v20  }
0x41: {  	v21 =	vld.idx.msk [tilespmem:v44+s3+$0x0], $0xffff;
	_ =	sdelay $0x2  }
0x42: {  	v45 =	vor.u32 s12, v3;
	_ =	sdelay $0x1  }
0x43: {  	v21 =	vmul.f32 v21, v16;
	_ =	sdelay $0x1  }
0x44: {  	[tilespmem:$0x10020] =	vst v21  }
0x45: {  	v22 =	vld.idx.msk [tilespmem:v45+s3+$0x0], $0xffff;
	_ =	sdelay $0x2  }
0x46: {  	v46 =	vor.u32 s12, v4;
	_ =	sdelay $0x1  }
0x47: {  	v22 =	vmul.f32 v22, v16;
	_ =	sdelay $0x1  }
0x48: {  	[tilespmem:$0x10030] =	vst v22  }
0x49: {  	v23 =	vld.idx.msk [tilespmem:v46+s3+$0x0], $0xffff;
	_ =	sdelay $0x2  }
0x4a: {  	v47 =	vor.u32 s12, v5;
	_ =	sdelay $0x1  }
0x4b: {  	v23 =	vmul.f32 v23, v16;
	_ =	sdelay $0x1  }
0x4c: {  	[tilespmem:$0x10040] =	vst v23  }
0x4d: {  	v24 =	vld.idx.msk [tilespmem:v47+s3+$0x0], $0xffff;
	_ =	sdelay $0x2  }
0x4e: {  	v48 =	vor.u32 s12, v6;
	_ =	sdelay $0x1  }
0x4f: {  	v24 =	vmul.f32 v24, v16;
	_ =	sdelay $0x1  }
0x50: {  	[tilespmem:$0x10050] =	vst v24  }
0x51: {  	v25 =	vld.idx.msk [tilespmem:v48+s3+$0x0], $0xffff;
	_ =	sdelay $0x2  }
0x52: {  	v49 =	vor.u32 s12, v7;
	_ =	sdelay $0x1  }
0x53: {  	v25 =	vmul.f32 v25, v16;
	_ =	sdelay $0x1  }
0x54: {  	[tilespmem:$0x10060] =	vst v25  }
0x55: {  	v26 =	vld.idx.msk [tilespmem:v49+s3+$0x0], $0xffff;
	_ =	sdelay $0x2  }
0x56: {  	v50 =	vor.u32 s12, v8;
	_ =	sdelay $0x1  }
0x57: {  	v26 =	vmul.f32 v26, v16;
	_ =	sdelay $0x1  }
0x58: {  	[tilespmem:$0x10070] =	vst v26  }
0x59: {  	v27 =	vld.idx.msk [tilespmem:v50+s3+$0x0], $0xffff;
	_ =	sdelay $0x2  }
0x5a: {  	v51 =	vor.u32 s12, v9;
	_ =	sdelay $0x1  }
0x5b: {  	v27 =	vmul.f32 v27, v16;
	_ =	sdelay $0x1  }
0x5c: {  	[tilespmem:$0x10080] =	vst v27  }
0x5d: {  	v28 =	vld.idx.msk [tilespmem:v51+s3+$0x0], $0xffff;
	_ =	sdelay $0x2  }
0x5e: {  	v52 =	vor.u32 s12, v10;
	_ =	sdelay $0x1  }
0x5f: {  	v28 =	vmul.f32 v28, v16;
	_ =	sdelay $0x1  }
0x60: {  	[tilespmem:$0x10090] =	vst v28  }
0x61: {  	v29 =	vld.idx.msk [tilespmem:v52+s3+$0x0], $0xffff;
	_ =	sdelay $0x2  }
0x62: {  	v53 =	vor.u32 s12, v11;
	_ =	sdelay $0x1  }
0x63: {  	v29 =	vmul.f32 v29, v16;
	_ =	sdelay $0x1  }
0x64: {  	[tilespmem:$0x100A0] =	vst v29  }
0x65: {  	v30 =	vld.idx.msk [tilespmem:v53+s3+$0x0], $0xffff;
	_ =	sdelay $0x2  }
0x66: {  	v54 =	vor.u32 s12, v12;
	_ =	sdelay $0x1  }
0x67: {  	v30 =	vmul.f32 v30, v16;
	_ =	sdelay $0x1  }
0x68: {  	[tilespmem:$0x100B0] =	vst v30  }
0x69: {  	v31 =	vld.idx.msk [tilespmem:v54+s3+$0x0], $0xffff;
	_ =	sdelay $0x2  }
0x6a: {  	v55 =	vor.u32 s12, v13;
	_ =	sdelay $0x1  }
0x6b: {  	v31 =	vmul.f32 v31, v16;
	_ =	sdelay $0x1  }
0x6c: {  	[tilespmem:$0x100C0] =	vst v31  }
0x6d: {  	v32 =	vld.idx.msk [tilespmem:v55+s3+$0x0], $0xffff;
	_ =	sdelay $0x2  }
0x6e: {  	v56 =	vor.u32 s12, v14;
	_ =	sdelay $0x1  }
0x6f: {  	v32 =	vmul.f32 v32, v16;
	_ =	sdelay $0x1  }
0x70: {  	[tilespmem:$0x100D0] =	vst v32  }
0x71: {  	v33 =	vld.idx.msk [tilespmem:v56+s3+$0x0], $0xffff;
	_ =	sdelay $0x2  }
0x72: {  	v57 =	vor.u32 s12, v15;
	_ =	sdelay $0x1  }
0x73: {  	v33 =	vmul.f32 v33, v16;
	_ =	sdelay $0x1  }
0x74: {  	[tilespmem:$0x100E0] =	vst v33  }
0x75: {  	v33 =	vld.idx.msk [tilespmem:v57+s3+$0x0], $0xffff;
	_ =	sdelay $0x4  }
0x76: {  	s24 =	sadd.s32 $0x1000000, s11;
	v33 =	vmul.f32 v33, v16  }
0x77: {  	s12 =	sshrl.u32 s24, $0x3  }
0x78: {  	s12 =	sadd.s32 s1, s12;
	[tilespmem:$0x100F0] =	vst v33  }
0x79: {  	[tilespmem:s3], [sflag:$0x1] =	stream.strided.gather [hbm4b:s12+s7], $0x8000, s8, s7, $0x38;
	[tilespmem:$0x10900] =	vst v63  }
0x7a: {  	_ =	swait.ge [sflag:s10], $0x8000  }
0x7b: {  	[sflag:s10] =	ssyncset.done $0x0  }
0x7c: {  	[sflag:s10] =	ssyncadd.s32 $0xFFFF8000  }
0x7d: {  	v58 =	vld.idx.msk [tilespmem:v17+s9+$0x0], $0xffff;
	_ =	sdelay $0x4  }
0x7e: {  	v33 =	vmul.f32 v58, v16;
	_ =	sdelay $0x1  }
0x7f: {  	[tilespmem:$0x10100] =	vst v33  }
0x80: {  	v33 =	vld.idx.msk [tilespmem:v18+s9+$0x0], $0xffff;
	_ =	sdelay $0x4  }
0x81: {  	v33 =	vmul.f32 v33, v16;
	_ =	sdelay $0x1  }
0x82: {  	[tilespmem:$0x10110] =	vst v33  }
0x83: {  	v33 =	vld.idx.msk [tilespmem:v44+s9+$0x0], $0xffff;
	_ =	sdelay $0x4  }
0x84: {  	v33 =	vmul.f32 v33, v16;
	_ =	sdelay $0x1  }
0x85: {  	[tilespmem:$0x10120] =	vst v33  }
0x86: {  	v33 =	vld.idx.msk [tilespmem:v45+s9+$0x0], $0xffff;
	_ =	sdelay $0x4  }
0x87: {  	v33 =	vmul.f32 v33, v16;
	_ =	sdelay $0x1  }
0x88: {  	[tilespmem:$0x10130] =	vst v33  }
0x89: {  	v33 =	vld.idx.msk [tilespmem:v46+s9+$0x0], $0xffff;
	_ =	sdelay $0x4  }
0x8a: {  	v33 =	vmul.f32 v33, v16;
	_ =	sdelay $0x1  }
0x8b: {  	[tilespmem:$0x10140] =	vst v33  }
0x8c: {  	v33 =	vld.idx.msk [tilespmem:v47+s9+$0x0], $0xffff;
	_ =	sdelay $0x4  }
0x8d: {  	v33 =	vmul.f32 v33, v16;
	_ =	sdelay $0x1  }
0x8e: {  	[tilespmem:$0x10150] =	vst v33  }
0x8f: {  	v33 =	vld.idx.msk [tilespmem:v48+s9+$0x0], $0xffff;
	_ =	sdelay $0x4  }
0x90: {  	v33 =	vmul.f32 v33, v16;
	_ =	sdelay $0x1  }
0x91: {  	[tilespmem:$0x10160] =	vst v33  }
0x92: {  	v33 =	vld.idx.msk [tilespmem:v49+s9+$0x0], $0xffff;
	_ =	sdelay $0x4  }
0x93: {  	v33 =	vmul.f32 v33, v16;
	_ =	sdelay $0x1  }
0x94: {  	[tilespmem:$0x10170] =	vst v33  }
0x95: {  	v33 =	vld.idx.msk [tilespmem:v50+s9+$0x0], $0xffff;
	_ =	sdelay $0x4  }
0x96: {  	v33 =	vmul.f32 v33, v16;
	_ =	sdelay $0x1  }
0x97: {  	[tilespmem:$0x10180] =	vst v33  }
0x98: {  	v33 =	vld.idx.msk [tilespmem:v51+s9+$0x0], $0xffff;
	_ =	sdelay $0x4  }
0x99: {  	v33 =	vmul.f32 v33, v16;
	_ =	sdelay $0x1  }
0x9a: {  	[tilespmem:$0x10190] =	vst v33  }
0x9b: {  	v33 =	vld.idx.msk [tilespmem:v52+s9+$0x0], $0xffff;
	_ =	sdelay $0x4  }
0x9c: {  	v33 =	vmul.f32 v33, v16;
	_ =	sdelay $0x1  }
0x9d: {  	[tilespmem:$0x101A0] =	vst v33  }
0x9e: {  	v33 =	vld.idx.msk [tilespmem:v53+s9+$0x0], $0xffff;
	_ =	sdelay $0x4  }
0x9f: {  	v33 =	vmul.f32 v33, v16;
	_ =	sdelay $0x1  }
0xa0: {  	[tilespmem:$0x101B0] =	vst v33  }
0xa1: {  	v33 =	vld.idx.msk [tilespmem:v54+s9+$0x0], $0xffff;
	_ =	sdelay $0x4  }
0xa2: {  	v33 =	vmul.f32 v33, v16;
	_ =	sdelay $0x1  }
0xa3: {  	[tilespmem:$0x101C0] =	vst v33  }
0xa4: {  	v33 =	vld.idx.msk [tilespmem:v55+s9+$0x0], $0xffff;
	_ =	sdelay $0x4  }
0xa5: {  	v33 =	vmul.f32 v33, v16;
	_ =	sdelay $0x1  }
0xa6: {  	[tilespmem:$0x101D0] =	vst v33  }
0xa7: {  	v33 =	vld.idx.msk [tilespmem:v56+s9+$0x0], $0xffff;
	_ =	sdelay $0x4  }
0xa8: {  	v33 =	vmul.f32 v33, v16;
	_ =	sdelay $0x1  }
0xa9: {  	[tilespmem:$0x101E0] =	vst v33  }
0xaa: {  	v33 =	vld.idx.msk [tilespmem:v57+s9+$0x0], $0xffff;
	_ =	sdelay $0x4  }
0xab: {  	s25 =	sadd.s32 $0x1800000, s11;
	v33 =	vmul.f32 v33, v16  }
0xac: {  	s12 =	sshrl.u32 s25, $0x3  }
0xad: {  	s12 =	sadd.s32 s1, s12;
	[tilespmem:$0x101F0] =	vst v33  }
0xae: {  	[tilespmem:s9], [sflag:$0x2] =	stream.strided.gather [hbm4b:s12+s7], $0x8000, s8, s7, $0x38;
	[tilespmem:$0x10900] =	vst v63  }
0xaf: {  	_ =	swait.ge [sflag:s6], $0x8000  }
0xb0: {  	[sflag:s6] =	ssyncset.done $0x0  }
0xb1: {  	[sflag:s6] =	ssyncadd.s32 $0xFFFF8000  }
0xb2: {  	v59 =	vld.idx.msk [tilespmem:v17+s3+$0x0], $0xffff;
	_ =	sdelay $0x4  }
0xb3: {  	v33 =	vmul.f32 v59, v16;
	_ =	sdelay $0x1  }
0xb4: {  	[tilespmem:$0x10200] =	vst v33  }
0xb5: {  	v33 =	vld.idx.msk [tilespmem:v18+s3+$0x0], $0xffff;
	_ =	sdelay $0x4  }
0xb6: {  	v33 =	vmul.f32 v33, v16;
	_ =	sdelay $0x1  }
0xb7: {  	[tilespmem:$0x10210] =	vst v33  }
0xb8: {  	v33 =	vld.idx.msk [tilespmem:v44+s3+$0x0], $0xffff;
	_ =	sdelay $0x4  }
0xb9: {  	v33 =	vmul.f32 v33, v16;
	_ =	sdelay $0x1  }
0xba: {  	[tilespmem:$0x10220] =	vst v33  }
0xbb: {  	v33 =	vld.idx.msk [tilespmem:v45+s3+$0x0], $0xffff;
	_ =	sdelay $0x4  }
0xbc: {  	v33 =	vmul.f32 v33, v16;
	_ =	sdelay $0x1  }
0xbd: {  	[tilespmem:$0x10230] =	vst v33  }
0xbe: {  	v33 =	vld.idx.msk [tilespmem:v46+s3+$0x0], $0xffff;
	_ =	sdelay $0x4  }
0xbf: {  	v33 =	vmul.f32 v33, v16;
	_ =	sdelay $0x1  }
0xc0: {  	[tilespmem:$0x10240] =	vst v33  }
0xc1: {  	v33 =	vld.idx.msk [tilespmem:v47+s3+$0x0], $0xffff;
	_ =	sdelay $0x4  }
0xc2: {  	v33 =	vmul.f32 v33, v16;
	_ =	sdelay $0x1  }
0xc3: {  	[tilespmem:$0x10250] =	vst v33  }
0xc4: {  	v33 =	vld.idx.msk [tilespmem:v48+s3+$0x0], $0xffff;
	_ =	sdelay $0x4  }
0xc5: {  	v33 =	vmul.f32 v33, v16;
	_ =	sdelay $0x1  }
0xc6: {  	[tilespmem:$0x10260] =	vst v33  }
0xc7: {  	v33 =	vld.idx.msk [tilespmem:v49+s3+$0x0], $0xffff;
	_ =	sdelay $0x4  }
0xc8: {  	v33 =	vmul.f32 v33, v16;
	_ =	sdelay $0x1  }
0xc9: {  	[tilespmem:$0x10270] =	vst v33  }
0xca: {  	v33 =	vld.idx.msk [tilespmem:v50+s3+$0x0], $0xffff;
	_ =	sdelay $0x4  }
0xcb: {  	v33 =	vmul.f32 v33, v16;
	_ =	sdelay $0x1  }
0xcc: {  	[tilespmem:$0x10280] =	vst v33  }
0xcd: {  	v33 =	vld.idx.msk [tilespmem:v51+s3+$0x0], $0xffff;
	_ =	sdelay $0x4  }
0xce: {  	v33 =	vmul.f32 v33, v16;
	_ =	sdelay $0x1  }
0xcf: {  	[tilespmem:$0x10290] =	vst v33  }
0xd0: {  	v33 =	vld.idx.msk [tilespmem:v52+s3+$0x0], $0xffff;
	_ =	sdelay $0x4  }
0xd1: {  	v33 =	vmul.f32 v33, v16;
	_ =	sdelay $0x1  }
0xd2: {  	[tilespmem:$0x102A0] =	vst v33  }
0xd3: {  	v33 =	vld.idx.msk [tilespmem:v53+s3+$0x0], $0xffff;
	_ =	sdelay $0x4  }
0xd4: {  	v33 =	vmul.f32 v33, v16;
	_ =	sdelay $0x1  }
0xd5: {  	[tilespmem:$0x102B0] =	vst v33  }
0xd6: {  	v33 =	vld.idx.msk [tilespmem:v54+s3+$0x0], $0xffff;
	_ =	sdelay $0x4  }
0xd7: {  	v33 =	vmul.f32 v33, v16;
	_ =	sdelay $0x1  }
0xd8: {  	[tilespmem:$0x102C0] =	vst v33  }
0xd9: {  	v33 =	vld.idx.msk [tilespmem:v55+s3+$0x0], $0xffff;
	_ =	sdelay $0x4  }
0xda: {  	v33 =	vmul.f32 v33, v16;
	_ =	sdelay $0x1  }
0xdb: {  	[tilespmem:$0x102D0] =	vst v33  }
0xdc: {  	v33 =	vld.idx.msk [tilespmem:v56+s3+$0x0], $0xffff;
	_ =	sdelay $0x4  }
0xdd: {  	v33 =	vmul.f32 v33, v16;
	_ =	sdelay $0x1  }
0xde: {  	[tilespmem:$0x102E0] =	vst v33  }
0xdf: {  	v33 =	vld.idx.msk [tilespmem:v57+s3+$0x0], $0xffff;
	_ =	sdelay $0x4  }
0xe0: {  	s26 =	sadd.s32 $0x2000000, s11;
	v33 =	vmul.f32 v33, v16  }
0xe1: {  	s12 =	sshrl.u32 s26, $0x3  }
0xe2: {  	s12 =	sadd.s32 s1, s12;
	[tilespmem:$0x102F0] =	vst v33  }
0xe3: {  	[tilespmem:s3], [sflag:$0x1] =	stream.strided.gather [hbm4b:s12+s7], $0x8000, s8, s7, $0x38;
	[tilespmem:$0x10900] =	vst v63  }
0xe4: {  	_ =	swait.ge [sflag:s10], $0x8000  }
0xe5: {  	[sflag:s10] =	ssyncset.done $0x0  }
0xe6: {  	[sflag:s10] =	ssyncadd.s32 $0xFFFF8000  }
0xe7: {  	v60 =	vld.idx.msk [tilespmem:v17+s9+$0x0], $0xffff;
	_ =	sdelay $0x4  }
0xe8: {  	v33 =	vmul.f32 v60, v16;
	_ =	sdelay $0x1  }
0xe9: {  	[tilespmem:$0x10300] =	vst v33  }
0xea: {  	v33 =	vld.idx.msk [tilespmem:v18+s9+$0x0], $0xffff;
	_ =	sdelay $0x4  }
0xeb: {  	v33 =	vmul.f32 v33, v16;
	_ =	sdelay $0x1  }
0xec: {  	[tilespmem:$0x10310] =	vst v33  }
0xed: {  	v33 =	vld.idx.msk [tilespmem:v44+s9+$0x0], $0xffff;
	_ =	sdelay $0x4  }
0xee: {  	v33 =	vmul.f32 v33, v16;
	_ =	sdelay $0x1  }
0xef: {  	[tilespmem:$0x10320] =	vst v33  }
0xf0: {  	v33 =	vld.idx.msk [tilespmem:v45+s9+$0x0], $0xffff;
	_ =	sdelay $0x4  }
0xf1: {  	v33 =	vmul.f32 v33, v16;
	_ =	sdelay $0x1  }
0xf2: {  	[tilespmem:$0x10330] =	vst v33  }
0xf3: {  	v33 =	vld.idx.msk [tilespmem:v46+s9+$0x0], $0xffff;
	_ =	sdelay $0x4  }
0xf4: {  	v33 =	vmul.f32 v33, v16;
	_ =	sdelay $0x1  }
0xf5: {  	[tilespmem:$0x10340] =	vst v33  }
0xf6: {  	v33 =	vld.idx.msk [tilespmem:v47+s9+$0x0], $0xffff;
	_ =	sdelay $0x4  }
0xf7: {  	v33 =	vmul.f32 v33, v16;
	_ =	sdelay $0x1  }
0xf8: {  	[tilespmem:$0x10350] =	vst v33  }
0xf9: {  	v33 =	vld.idx.msk [tilespmem:v48+s9+$0x0], $0xffff;
	_ =	sdelay $0x4  }
0xfa: {  	v33 =	vmul.f32 v33, v16;
	_ =	sdelay $0x1  }
0xfb: {  	[tilespmem:$0x10360] =	vst v33  }
0xfc: {  	v33 =	vld.idx.msk [tilespmem:v49+s9+$0x0], $0xffff;
	_ =	sdelay $0x4  }
0xfd: {  	v33 =	vmul.f32 v33, v16;
	_ =	sdelay $0x1  }
0xfe: {  	[tilespmem:$0x10370] =	vst v33  }
0xff: {  	v33 =	vld.idx.msk [tilespmem:v50+s9+$0x0], $0xffff;
	_ =	sdelay $0x4  }
0x100: {  	v33 =	vmul.f32 v33, v16;
	_ =	sdelay $0x1  }
0x101: {  	[tilespmem:$0x10380] =	vst v33  }
0x102: {  	v33 =	vld.idx.msk [tilespmem:v51+s9+$0x0], $0xffff;
	_ =	sdelay $0x4  }
0x103: {  	v33 =	vmul.f32 v33, v16;
	_ =	sdelay $0x1  }
0x104: {  	[tilespmem:$0x10390] =	vst v33  }
0x105: {  	v33 =	vld.idx.msk [tilespmem:v52+s9+$0x0], $0xffff;
	_ =	sdelay $0x4  }
0x106: {  	v33 =	vmul.f32 v33, v16;
	_ =	sdelay $0x1  }
0x107: {  	[tilespmem:$0x103A0] =	vst v33  }
0x108: {  	v33 =	vld.idx.msk [tilespmem:v53+s9+$0x0], $0xffff;
	_ =	sdelay $0x4  }
0x109: {  	v33 =	vmul.f32 v33, v16;
	_ =	sdelay $0x1  }
0x10a: {  	[tilespmem:$0x103B0] =	vst v33  }
0x10b: {  	v33 =	vld.idx.msk [tilespmem:v54+s9+$0x0], $0xffff;
	_ =	sdelay $0x4  }
0x10c: {  	v33 =	vmul.f32 v33, v16;
	_ =	sdelay $0x1  }
0x10d: {  	[tilespmem:$0x103C0] =	vst v33  }
0x10e: {  	v33 =	vld.idx.msk [tilespmem:v55+s9+$0x0], $0xffff;
	_ =	sdelay $0x4  }
0x10f: {  	v33 =	vmul.f32 v33, v16;
	_ =	sdelay $0x1  }
0x110: {  	[tilespmem:$0x103D0] =	vst v33  }
0x111: {  	v33 =	vld.idx.msk [tilespmem:v56+s9+$0x0], $0xffff;
	_ =	sdelay $0x4  }
0x112: {  	v33 =	vmul.f32 v33, v16;
	_ =	sdelay $0x1  }
0x113: {  	[tilespmem:$0x103E0] =	vst v33  }
0x114: {  	v33 =	vld.idx.msk [tilespmem:v57+s9+$0x0], $0xffff;
	_ =	sdelay $0x4  }
0x115: {  	s28 =	sadd.s32 $0x2800000, s11;
	v33 =	vmul.f32 v33, v16  }
0x116: {  	s12 =	sshrl.u32 s28, $0x3  }
0x117: {  	s12 =	sadd.s32 s1, s12;
	[tilespmem:$0x103F0] =	vst v33  }
0x118: {  	[tilespmem:s9], [sflag:$0x2] =	stream.strided.gather [hbm4b:s12+s7], $0x8000, s8, s7, $0x38;
	[tilespmem:$0x10900] =	vst v63  }
0x119: {  	_ =	swait.ge [sflag:s6], $0x8000  }
0x11a: {  	[sflag:s6] =	ssyncset.done $0x0  }
0x11b: {  	[sflag:s6] =	ssyncadd.s32 $0xFFFF8000  }
0x11c: {  	v61 =	vld.idx.msk [tilespmem:v17+s3+$0x0], $0xffff;
	_ =	sdelay $0x4  }
0x11d: {  	v33 =	vmul.f32 v61, v16;
	_ =	sdelay $0x1  }
0x11e: {  	[tilespmem:$0x10400] =	vst v33  }
0x11f: {  	v33 =	vld.idx.msk [tilespmem:v18+s3+$0x0], $0xffff;
	_ =	sdelay $0x4  }
0x120: {  	v33 =	vmul.f32 v33, v16;
	_ =	sdelay $0x1  }
0x121: {  	[tilespmem:$0x10410] =	vst v33  }
0x122: {  	v33 =	vld.idx.msk [tilespmem:v44+s3+$0x0], $0xffff;
	_ =	sdelay $0x4  }
0x123: {  	v33 =	vmul.f32 v33, v16;
	_ =	sdelay $0x1  }
0x124: {  	[tilespmem:$0x10420] =	vst v33  }
0x125: {  	v33 =	vld.idx.msk [tilespmem:v45+s3+$0x0], $0xffff;
	_ =	sdelay $0x4  }
0x126: {  	v33 =	vmul.f32 v33, v16;
	_ =	sdelay $0x1  }
0x127: {  	[tilespmem:$0x10430] =	vst v33  }
0x128: {  	v33 =	vld.idx.msk [tilespmem:v46+s3+$0x0], $0xffff;
	_ =	sdelay $0x4  }
0x129: {  	v33 =	vmul.f32 v33, v16;
	_ =	sdelay $0x1  }
0x12a: {  	[tilespmem:$0x10440] =	vst v33  }
0x12b: {  	v33 =	vld.idx.msk [tilespmem:v47+s3+$0x0], $0xffff;
	_ =	sdelay $0x4  }
0x12c: {  	v33 =	vmul.f32 v33, v16;
	_ =	sdelay $0x1  }
0x12d: {  	[tilespmem:$0x10450] =	vst v33  }
0x12e: {  	v33 =	vld.idx.msk [tilespmem:v48+s3+$0x0], $0xffff;
	_ =	sdelay $0x4  }
0x12f: {  	v33 =	vmul.f32 v33, v16;
	_ =	sdelay $0x1  }
0x130: {  	[tilespmem:$0x10460] =	vst v33  }
0x131: {  	v33 =	vld.idx.msk [tilespmem:v49+s3+$0x0], $0xffff;
	_ =	sdelay $0x4  }
0x132: {  	v33 =	vmul.f32 v33, v16;
	_ =	sdelay $0x1  }
0x133: {  	[tilespmem:$0x10470] =	vst v33  }
0x134: {  	v33 =	vld.idx.msk [tilespmem:v50+s3+$0x0], $0xffff;
	_ =	sdelay $0x4  }
0x135: {  	v33 =	vmul.f32 v33, v16;
	_ =	sdelay $0x1  }
0x136: {  	[tilespmem:$0x10480] =	vst v33  }
0x137: {  	v33 =	vld.idx.msk [tilespmem:v51+s3+$0x0], $0xffff;
	_ =	sdelay $0x4  }
0x138: {  	v33 =	vmul.f32 v33, v16;
	_ =	sdelay $0x1  }
0x139: {  	[tilespmem:$0x10490] =	vst v33  }
0x13a: {  	v33 =	vld.idx.msk [tilespmem:v52+s3+$0x0], $0xffff;
	_ =	sdelay $0x4  }
0x13b: {  	v33 =	vmul.f32 v33, v16;
	_ =	sdelay $0x1  }
0x13c: {  	[tilespmem:$0x104A0] =	vst v33  }
0x13d: {  	v33 =	vld.idx.msk [tilespmem:v53+s3+$0x0], $0xffff;
	_ =	sdelay $0x4  }
0x13e: {  	v33 =	vmul.f32 v33, v16;
	_ =	sdelay $0x1  }
0x13f: {  	[tilespmem:$0x104B0] =	vst v33  }
0x140: {  	v33 =	vld.idx.msk [tilespmem:v54+s3+$0x0], $0xffff;
	_ =	sdelay $0x4  }
0x141: {  	v33 =	vmul.f32 v33, v16;
	_ =	sdelay $0x1  }
0x142: {  	[tilespmem:$0x104C0] =	vst v33  }
0x143: {  	v33 =	vld.idx.msk [tilespmem:v55+s3+$0x0], $0xffff;
	_ =	sdelay $0x4  }
0x144: {  	v33 =	vmul.f32 v33, v16;
	_ =	sdelay $0x1  }
0x145: {  	[tilespmem:$0x104D0] =	vst v33  }
0x146: {  	v33 =	vld.idx.msk [tilespmem:v56+s3+$0x0], $0xffff;
	_ =	sdelay $0x4  }
0x147: {  	v33 =	vmul.f32 v33, v16;
	_ =	sdelay $0x1  }
0x148: {  	[tilespmem:$0x104E0] =	vst v33  }
0x149: {  	v33 =	vld.idx.msk [tilespmem:v57+s3+$0x0], $0xffff;
	_ =	sdelay $0x4  }
0x14a: {  	s29 =	sadd.s32 $0x3000000, s11;
	v33 =	vmul.f32 v33, v16  }
0x14b: {  	s12 =	sshrl.u32 s29, $0x3  }
0x14c: {  	s12 =	sadd.s32 s1, s12;
	[tilespmem:$0x104F0] =	vst v33  }
0x14d: {  	[tilespmem:s3], [sflag:$0x1] =	stream.strided.gather [hbm4b:s12+s7], $0x8000, s8, s7, $0x38;
	[tilespmem:$0x10900] =	vst v63  }
0x14e: {  	_ =	swait.ge [sflag:s10], $0x8000  }
0x14f: {  	[sflag:s10] =	ssyncset.done $0x0  }
0x150: {  	[sflag:s10] =	ssyncadd.s32 $0xFFFF8000  }
0x151: {  	v62 =	vld.idx.msk [tilespmem:v17+s9+$0x0], $0xffff;
	_ =	sdelay $0x4  }
0x152: {  	v33 =	vmul.f32 v62, v16;
	_ =	sdelay $0x1  }
0x153: {  	[tilespmem:$0x10500] =	vst v33  }
0x154: {  	v33 =	vld.idx.msk [tilespmem:v18+s9+$0x0], $0xffff;
	_ =	sdelay $0x4  }
0x155: {  	v33 =	vmul.f32 v33, v16;
	_ =	sdelay $0x1  }
0x156: {  	[tilespmem:$0x10510] =	vst v33  }
0x157: {  	v33 =	vld.idx.msk [tilespmem:v44+s9+$0x0], $0xffff;
	_ =	sdelay $0x4  }
0x158: {  	v33 =	vmul.f32 v33, v16;
	_ =	sdelay $0x1  }
0x159: {  	[tilespmem:$0x10520] =	vst v33  }
0x15a: {  	v33 =	vld.idx.msk [tilespmem:v45+s9+$0x0], $0xffff;
	_ =	sdelay $0x4  }
0x15b: {  	v33 =	vmul.f32 v33, v16;
	_ =	sdelay $0x1  }
0x15c: {  	[tilespmem:$0x10530] =	vst v33  }
0x15d: {  	v33 =	vld.idx.msk [tilespmem:v46+s9+$0x0], $0xffff;
	_ =	sdelay $0x4  }
0x15e: {  	v33 =	vmul.f32 v33, v16;
	_ =	sdelay $0x1  }
0x15f: {  	[tilespmem:$0x10540] =	vst v33  }
0x160: {  	v33 =	vld.idx.msk [tilespmem:v47+s9+$0x0], $0xffff;
	_ =	sdelay $0x4  }
0x161: {  	v33 =	vmul.f32 v33, v16;
	_ =	sdelay $0x1  }
0x162: {  	[tilespmem:$0x10550] =	vst v33  }
0x163: {  	v33 =	vld.idx.msk [tilespmem:v48+s9+$0x0], $0xffff;
	_ =	sdelay $0x4  }
0x164: {  	v33 =	vmul.f32 v33, v16;
	_ =	sdelay $0x1  }
0x165: {  	[tilespmem:$0x10560] =	vst v33  }
0x166: {  	v33 =	vld.idx.msk [tilespmem:v49+s9+$0x0], $0xffff;
	_ =	sdelay $0x4  }
0x167: {  	v33 =	vmul.f32 v33, v16;
	_ =	sdelay $0x1  }
0x168: {  	[tilespmem:$0x10570] =	vst v33  }
0x169: {  	v33 =	vld.idx.msk [tilespmem:v50+s9+$0x0], $0xffff;
	_ =	sdelay $0x4  }
0x16a: {  	v33 =	vmul.f32 v33, v16;
	_ =	sdelay $0x1  }
0x16b: {  	[tilespmem:$0x10580] =	vst v33  }
0x16c: {  	v33 =	vld.idx.msk [tilespmem:v51+s9+$0x0], $0xffff;
	_ =	sdelay $0x4  }
0x16d: {  	v33 =	vmul.f32 v33, v16;
	_ =	sdelay $0x1  }
0x16e: {  	[tilespmem:$0x10590] =	vst v33  }
0x16f: {  	v33 =	vld.idx.msk [tilespmem:v52+s9+$0x0], $0xffff;
	_ =	sdelay $0x4  }
0x170: {  	v33 =	vmul.f32 v33, v16;
	_ =	sdelay $0x1  }
0x171: {  	[tilespmem:$0x105A0] =	vst v33  }
0x172: {  	v33 =	vld.idx.msk [tilespmem:v53+s9+$0x0], $0xffff;
	_ =	sdelay $0x4  }
0x173: {  	v33 =	vmul.f32 v33, v16;
	_ =	sdelay $0x1  }
0x174: {  	[tilespmem:$0x105B0] =	vst v33  }
0x175: {  	v33 =	vld.idx.msk [tilespmem:v54+s9+$0x0], $0xffff;
	_ =	sdelay $0x4  }
0x176: {  	v33 =	vmul.f32 v33, v16;
	_ =	sdelay $0x1  }
0x177: {  	[tilespmem:$0x105C0] =	vst v33  }
0x178: {  	v33 =	vld.idx.msk [tilespmem:v55+s9+$0x0], $0xffff;
	_ =	sdelay $0x4  }
0x179: {  	v33 =	vmul.f32 v33, v16;
	_ =	sdelay $0x1  }
0x17a: {  	[tilespmem:$0x105D0] =	vst v33  }
0x17b: {  	v33 =	vld.idx.msk [tilespmem:v56+s9+$0x0], $0xffff;
	_ =	sdelay $0x4  }
0x17c: {  	v33 =	vmul.f32 v33, v16;
	_ =	sdelay $0x1  }
0x17d: {  	[tilespmem:$0x105E0] =	vst v33  }
0x17e: {  	v33 =	vld.idx.msk [tilespmem:v57+s9+$0x0], $0xffff;
	_ =	sdelay $0x4  }
0x17f: {  	s11 =	sadd.s32 $0x3800000, s11;
	v33 =	vmul.f32 v33, v16  }
0x180: {  	s11 =	sshrl.u32 s11, $0x3  }
0x181: {  	s11 =	sadd.s32 s1, s11;
	[tilespmem:$0x105F0] =	vst v33  }
0x182: {  	[tilespmem:s9], [sflag:$0x2] =	stream.strided.gather [hbm4b:s11+s7], $0x8000, s8, s7, $0x38;
	[tilespmem:$0x10900] =	vst v63  }
0x183: {  	_ =	swait.ge [sflag:s6], $0x8000  }
0x184: {  	[sflag:s6] =	ssyncset.done $0x0  }
0x185: {  	[sflag:s6] =	ssyncadd.s32 $0xFFFF8000  }
0x186: {  	v63 =	vld.idx.msk [tilespmem:v17+s3+$0x0], $0xffff;
	_ =	sdelay $0x4  }
0x187: {  	v33 =	vmul.f32 v63, v16;
	_ =	sdelay $0x1  }
0x188: {  	[tilespmem:$0x10600] =	vst v33  }
0x189: {  	v33 =	vld.idx.msk [tilespmem:v18+s3+$0x0], $0xffff;
	_ =	sdelay $0x4  }
0x18a: {  	v33 =	vmul.f32 v33, v16;
	_ =	sdelay $0x1  }
0x18b: {  	[tilespmem:$0x10610] =	vst v33  }
0x18c: {  	v33 =	vld.idx.msk [tilespmem:v44+s3+$0x0], $0xffff;
	_ =	sdelay $0x4  }
0x18d: {  	v33 =	vmul.f32 v33, v16;
	_ =	sdelay $0x1  }
0x18e: {  	[tilespmem:$0x10620] =	vst v33  }
0x18f: {  	v33 =	vld.idx.msk [tilespmem:v45+s3+$0x0], $0xffff;
	_ =	sdelay $0x4  }
0x190: {  	v33 =	vmul.f32 v33, v16;
	_ =	sdelay $0x1  }
0x191: {  	[tilespmem:$0x10630] =	vst v33  }
0x192: {  	v33 =	vld.idx.msk [tilespmem:v46+s3+$0x0], $0xffff;
	_ =	sdelay $0x4  }
0x193: {  	v33 =	vmul.f32 v33, v16;
	_ =	sdelay $0x1  }
0x194: {  	[tilespmem:$0x10640] =	vst v33  }
0x195: {  	v33 =	vld.idx.msk [tilespmem:v47+s3+$0x0], $0xffff;
	_ =	sdelay $0x4  }
0x196: {  	v33 =	vmul.f32 v33, v16;
	_ =	sdelay $0x1  }
0x197: {  	[tilespmem:$0x10650] =	vst v33  }
0x198: {  	v33 =	vld.idx.msk [tilespmem:v48+s3+$0x0], $0xffff;
	_ =	sdelay $0x4  }
0x199: {  	v33 =	vmul.f32 v33, v16;
	_ =	sdelay $0x1  }
0x19a: {  	[tilespmem:$0x10660] =	vst v33  }
0x19b: {  	v33 =	vld.idx.msk [tilespmem:v49+s3+$0x0], $0xffff;
	_ =	sdelay $0x4  }
0x19c: {  	v33 =	vmul.f32 v33, v16;
	_ =	sdelay $0x1  }
0x19d: {  	[tilespmem:$0x10670] =	vst v33  }
0x19e: {  	v33 =	vld.idx.msk [tilespmem:v50+s3+$0x0], $0xffff;
	_ =	sdelay $0x4  }
0x19f: {  	v33 =	vmul.f32 v33, v16;
	_ =	sdelay $0x1  }
0x1a0: {  	[tilespmem:$0x10680] =	vst v33  }
0x1a1: {  	v33 =	vld.idx.msk [tilespmem:v51+s3+$0x0], $0xffff;
	_ =	sdelay $0x4  }
0x1a2: {  	v33 =	vmul.f32 v33, v16;
	_ =	sdelay $0x1  }
0x1a3: {  	[tilespmem:$0x10690] =	vst v33  }
0x1a4: {  	v33 =	vld.idx.msk [tilespmem:v52+s3+$0x0], $0xffff;
	_ =	sdelay $0x4  }
0x1a5: {  	v33 =	vmul.f32 v33, v16;
	_ =	sdelay $0x1  }
0x1a6: {  	[tilespmem:$0x106A0] =	vst v33  }
0x1a7: {  	v33 =	vld.idx.msk [tilespmem:v53+s3+$0x0], $0xffff;
	_ =	sdelay $0x4  }
0x1a8: {  	v33 =	vmul.f32 v33, v16;
	_ =	sdelay $0x1  }
0x1a9: {  	[tilespmem:$0x106B0] =	vst v33  }
0x1aa: {  	v33 =	vld.idx.msk [tilespmem:v54+s3+$0x0], $0xffff;
	_ =	sdelay $0x4  }
0x1ab: {  	v33 =	vmul.f32 v33, v16;
	_ =	sdelay $0x1  }
0x1ac: {  	[tilespmem:$0x106C0] =	vst v33  }
0x1ad: {  	v33 =	vld.idx.msk [tilespmem:v55+s3+$0x0], $0xffff;
	_ =	sdelay $0x4  }
0x1ae: {  	v33 =	vmul.f32 v33, v16;
	_ =	sdelay $0x1  }
0x1af: {  	[tilespmem:$0x106D0] =	vst v33  }
0x1b0: {  	v33 =	vld.idx.msk [tilespmem:v56+s3+$0x0], $0xffff;
	_ =	sdelay $0x4  }
0x1b1: {  	v33 =	vmul.f32 v33, v16;
	_ =	sdelay $0x1  }
0x1b2: {  	[tilespmem:$0x106E0] =	vst v33  }
0x1b3: {  	v33 =	vld.idx.msk [tilespmem:v57+s3+$0x0], $0xffff;
	_ =	sdelay $0x4  }
0x1b4: {  	v33 =	vmul.f32 v33, v16;
	_ =	sdelay $0x1  }
0x1b5: {  	[tilespmem:$0x106F0] =	vst v33  }
0x1b6: {  	_ =	swait.ge [sflag:s10], $0x8000  }
0x1b7: {  	[sflag:s10] =	ssyncset.done $0x0  }
0x1b8: {  	[sflag:s10] =	ssyncadd.s32 $0xFFFF8000  }
0x1b9: {  	v17 =	vld.idx.msk [tilespmem:v17+s9+$0x0], $0xffff;
	_ =	sdelay $0x4  }
0x1ba: {  	v17 =	vmul.f32 v17, v16;
	_ =	sdelay $0x1  }
0x1bb: {  	[tilespmem:$0x10700] =	vst v17  }
0x1bc: {  	v17 =	vld.idx.msk [tilespmem:v18+s9+$0x0], $0xffff;
	_ =	sdelay $0x4  }
0x1bd: {  	v17 =	vmul.f32 v17, v16;
	_ =	sdelay $0x1  }
0x1be: {  	[tilespmem:$0x10710] =	vst v17  }
0x1bf: {  	v17 =	vld.idx.msk [tilespmem:v44+s9+$0x0], $0xffff;
	_ =	sdelay $0x4  }
0x1c0: {  	v17 =	vmul.f32 v17, v16;
	_ =	sdelay $0x1  }
0x1c1: {  	[tilespmem:$0x10720] =	vst v17  }
0x1c2: {  	v17 =	vld.idx.msk [tilespmem:v45+s9+$0x0], $0xffff;
	_ =	sdelay $0x4  }
0x1c3: {  	v17 =	vmul.f32 v17, v16;
	_ =	sdelay $0x1  }
0x1c4: {  	[tilespmem:$0x10730] =	vst v17  }
0x1c5: {  	v17 =	vld.idx.msk [tilespmem:v46+s9+$0x0], $0xffff;
	_ =	sdelay $0x4  }
0x1c6: {  	v17 =	vmul.f32 v17, v16;
	_ =	sdelay $0x1  }
0x1c7: {  	[tilespmem:$0x10740] =	vst v17  }
0x1c8: {  	v17 =	vld.idx.msk [tilespmem:v47+s9+$0x0], $0xffff;
	_ =	sdelay $0x4  }
0x1c9: {  	v17 =	vmul.f32 v17, v16;
	_ =	sdelay $0x1  }
0x1ca: {  	[tilespmem:$0x10750] =	vst v17  }
0x1cb: {  	v17 =	vld.idx.msk [tilespmem:v48+s9+$0x0], $0xffff;
	_ =	sdelay $0x4  }
0x1cc: {  	v17 =	vmul.f32 v17, v16;
	_ =	sdelay $0x1  }
0x1cd: {  	[tilespmem:$0x10760] =	vst v17  }
0x1ce: {  	v17 =	vld.idx.msk [tilespmem:v49+s9+$0x0], $0xffff;
	_ =	sdelay $0x4  }
0x1cf: {  	v17 =	vmul.f32 v17, v16;
	_ =	sdelay $0x1  }
0x1d0: {  	[tilespmem:$0x10770] =	vst v17  }
0x1d1: {  	v17 =	vld.idx.msk [tilespmem:v50+s9+$0x0], $0xffff;
	_ =	sdelay $0x4  }
0x1d2: {  	v17 =	vmul.f32 v17, v16;
	_ =	sdelay $0x1  }
0x1d3: {  	[tilespmem:$0x10780] =	vst v17  }
0x1d4: {  	v17 =	vld.idx.msk [tilespmem:v51+s9+$0x0], $0xffff;
	_ =	sdelay $0x4  }
0x1d5: {  	v17 =	vmul.f32 v17, v16;
	_ =	sdelay $0x1  }
0x1d6: {  	[tilespmem:$0x10790] =	vst v17  }
0x1d7: {  	v17 =	vld.idx.msk [tilespmem:v52+s9+$0x0], $0xffff;
	_ =	sdelay $0x4  }
0x1d8: {  	v17 =	vmul.f32 v17, v16;
	_ =	sdelay $0x1  }
0x1d9: {  	[tilespmem:$0x107A0] =	vst v17  }
0x1da: {  	v17 =	vld.idx.msk [tilespmem:v53+s9+$0x0], $0xffff;
	_ =	sdelay $0x4  }
0x1db: {  	v17 =	vmul.f32 v17, v16;
	_ =	sdelay $0x1  }
0x1dc: {  	[tilespmem:$0x107B0] =	vst v17  }
0x1dd: {  	v17 =	vld.idx.msk [tilespmem:v54+s9+$0x0], $0xffff;
	_ =	sdelay $0x4  }
0x1de: {  	v17 =	vmul.f32 v17, v16;
	_ =	sdelay $0x1  }
0x1df: {  	[tilespmem:$0x107C0] =	vst v17  }
0x1e0: {  	v17 =	vld.idx.msk [tilespmem:v55+s9+$0x0], $0xffff;
	_ =	sdelay $0x4  }
0x1e1: {  	v17 =	vmul.f32 v17, v16;
	_ =	sdelay $0x1  }
0x1e2: {  	[tilespmem:$0x107D0] =	vst v17  }
0x1e3: {  	v17 =	vld.idx.msk [tilespmem:v56+s9+$0x0], $0xffff;
	_ =	sdelay $0x4  }
0x1e4: {  	v17 =	vmul.f32 v17, v16;
	_ =	sdelay $0x1  }
0x1e5: {  	[tilespmem:$0x107E0] =	vst v17  }
0x1e6: {  	v17 =	vld.idx.msk [tilespmem:v57+s9+$0x0], $0xffff;
	_ =	sdelay $0x4  }
0x1e7: {  	v16 =	vmul.f32 v17, v16  }
0x1e8: {  	p0 =	sne.s32 s4, $0x1;
	s30 =	rddreg [dreg:$0x8]  }
.Ltmp0:
0x1e9: {  	s31 =	rddreg [dreg:$0x9];
	[tilespmem:$0x107F0] =	vst v16;
	(pc) =	sbr.rel @p0 .LBB2_1-.Ltmp0, $4  }
0x1ea: {  	[hbm4b:s30+s3] =	stream.linear.scatter [tilespmem:s31], [sflag:$0x3], $0x800, $0x38;
	[tilespmem:$0x10900] =	vst v63  }
0x1eb: {  	_ =	swait.ge [sflag:s5], $0x800  }
0x1ec: {  	[sflag:s5] =	ssyncset.done $0x0  }
0x1ed: {  	s4 =	sadd.s32 $0xFFFFFFFF, s4;
	[sflag:s5] =	ssyncadd.s32 $0xFFFFF800  }
0x1ee: {  	_ =	sfence.sel $0x180000  }
0x1ef: {  	[bflag:$0x0] =	sbarrier.arrive $0xFFFF  }
0x1f0: {  	p0 =	sne.s32 s2, $0x0;
	_ =	strace $0x90000047  }
0x1f1: {  	s0 =	sadd.s32 @!p0 $0x100000, s0;
	[bflag:$0x2] =	sbarrier.arrive $0xFFFF  }
0x1f2: {  	[sflag:s0] =	ssyncadd.tile.s32 @!p0 $0x1;
	_ =	shalt  }
.Lfunc_end2:
_tile_overlayer_lowered:
.L_overlay_start_2:
0x1f3: {  	(tag) =	ssettag $0x2  }
0x1f4: {  	s0 =	rddreg [dreg:$0x0];
	s2 =	stileid.u32  }
0x1f5: {  	s1 =	rddreg [dreg:$0x1];
	p0 =	sne.s32 s2, $0x0  }
0x1f6: {  	s3 =	rddreg [dreg:$0x2];
	[bflag:$0x3] =	sbarrier.arrive $0xFFFF;
	s2 =	simm.s32 @!p0 $0x1C03  }
0x1f7: {  	[timem:s3], [sflag:s2] =	dma.local @!p0 [hbm:s0], s1  }
0x1f8: {  	s0 =	simm.s32 @!p0 $0x3  }
0x1f9: {  	_ =	swait.ge @!p0 [sflag:s0], s1  }
0x1fa: {  	s1 =	ssub.s32 @!p0 $0x0, s1;
	[sflag:s0] =	ssyncset.done @!p0 $0x0  }
0x1fb: {  	[sflag:s0] =	ssyncadd.s32 @!p0 s1  }
0x1fc: {  	[bflag:$0x3] =	sbarrier.arrive $0xFFFF  }
0x1fd: {  	_ =	shalt  }

</sc_bundles>
